<compile_context>
chip_gen: v7x
topology: tpu7x:2x2x1
jax: 0.10.2.dev20260603
libtpu: 0.0.44.dev20260713+nightly
codegen_flags: <defaults>
</compile_context>

<pallas_src>
import functools

import jax
import jax.numpy as jnp
from jax import lax
from jax.experimental import pallas as pl
from jax.experimental.pallas import tpu as pltpu
from jax.experimental.pallas import tpu_sc as plsc

HIDDEN = 4096
N_EXPERTS = 64
TOP_K = 8
BT = 1024

NC, NS, L = 2, 16, 16
NW = NC * NS


def _softmax_block(x_ref, w_ref, p_ref):
    logits = jax.lax.dot_general(
        x_ref[...].astype(jnp.bfloat16), w_ref[...].astype(jnp.bfloat16),
        dimension_numbers=(((1,), (1,)), ((), ())),
        preferred_element_type=jnp.float32,
    )
    m = jnp.max(logits, axis=1, keepdims=True)
    e = jnp.exp(logits - m)
    p_ref[...] = e / jnp.sum(e, axis=1, keepdims=True)


def _tc_softmax(x, W):
    tokens = x.shape[0]
    return pl.pallas_call(
        _softmax_block,
        grid=(tokens // BT,),
        in_specs=[
            pl.BlockSpec((BT, HIDDEN), lambda i: (i, 0)),
            pl.BlockSpec((N_EXPERTS, HIDDEN), lambda i: (0, 0)),
        ],
        out_specs=pl.BlockSpec((BT, N_EXPERTS), lambda i: (i, 0)),
        out_shape=jax.ShapeDtypeStruct((tokens, N_EXPERTS), jnp.float32),
        compiler_params=pltpu.CompilerParams(
            dimension_semantics=("arbitrary",),
            vmem_limit_bytes=100 * 1024 * 1024,
        ),
    )(x, W)


def _make_sc_topk(tokens):
    tok_w = tokens // NW
    ch = 128
    mesh = plsc.VectorSubcoreMesh(core_axis_name="c", subcore_axis_name="s")

    @functools.partial(
        pl.kernel, mesh=mesh,
        compiler_params=pltpu.CompilerParams(needs_layout_passes=False),
        out_type=[
            jax.ShapeDtypeStruct((tokens, TOP_K), jnp.float32),
            jax.ShapeDtypeStruct((tokens, TOP_K), jnp.int32),
        ],
        scratch_types=[
            pltpu.VMEM((ch, N_EXPERTS), jnp.float32),
            pltpu.VMEM((ch, TOP_K), jnp.float32),
            pltpu.VMEM((ch, TOP_K), jnp.int32),
        ],
    )
    def sc_topk(p_hbm, vals_hbm, idx_hbm, p_v, vals_v, idx_v):
        wid = lax.axis_index("s") * NC + lax.axis_index("c")
        base = wid * tok_w
        lane = lax.iota(jnp.int32, L)

        def chunk(c, carry):
            off = base + c * ch
            pltpu.sync_copy(p_hbm.at[pl.ds(off, ch)], p_v)

            def group(g, carry2):
                toks = lane + g * L
                tops = [jnp.zeros((L,), jnp.int32) for _ in range(TOP_K)]
                for j in range(N_EXPERTS):
                    v = plsc.load_gather(
                        p_v, [toks, jnp.full((L,), j, jnp.int32)])
                    cur = ((plsc.bitcast(v, jnp.int32) & jnp.int32(~63))
                           | jnp.int32(63 - j))
                    for i in range(TOP_K):
                        hi = jnp.maximum(tops[i], cur)
                        cur = jnp.minimum(tops[i], cur)
                        tops[i] = hi
                for i in range(TOP_K):
                    jx = jnp.int32(63) - (tops[i] & jnp.int32(63))
                    val = plsc.load_gather(p_v, [toks, jx])
                    col = jnp.full((L,), i, jnp.int32)
                    plsc.store_scatter(vals_v, [toks, col], val)
                    plsc.store_scatter(idx_v, [toks, col], jx)
                return carry2

            lax.fori_loop(0, ch // L, group, 0)
            pltpu.sync_copy(vals_v, vals_hbm.at[pl.ds(off, ch)])
            pltpu.sync_copy(idx_v, idx_hbm.at[pl.ds(off, ch)])
            return carry

        lax.fori_loop(0, tok_w // ch, chunk, 0)

    return sc_topk


@jax.jit
def kernel(x, W):
    p = _tc_softmax(x, W)
    vals, idx = _make_sc_topk(x.shape[0])(p)
    return vals, idx

# --- scband reference (transcript-rebuilt; emitter-appended) ---
"""Pipeline reference for scband-py-torch-dense-gate-89859305767196 (READ-ONLY COPY).

The authoritative reference and input builder live on the scoring server;
editing this copy changes nothing except your own understanding.
"""

import jax, jax.numpy as jnp
import numpy as np

HIDDEN = 4096
N_EXPERTS = 64
TOP_K = 8
TOKENS = 32768


def setup_inputs(seed: int = 0) -> dict:
    key = jax.random.key(seed)
    k1, k2 = jax.random.split(key)
    x = jax.random.normal(k1, (TOKENS, HIDDEN), dtype=jnp.float32)
    # nn.Linear(hidden, n_experts, bias=False) weight: [n_experts, hidden]
    W = jax.random.normal(k2, (N_EXPERTS, HIDDEN), dtype=jnp.float32) * (1.0 / np.sqrt(HIDDEN))
    return {"x": x, "W": W}


def reference(x, W):
    # logits = self.gate(x) -> x @ W.T
    logits = x @ W.T
    # p = softmax(logits, dim=-1)
    p = jax.nn.softmax(logits, axis=-1)
    # torch.topk(p, top_k, dim=-1) -> (values, indices)
    vals, idx = jax.lax.top_k(p, TOP_K)
    return vals, idx

if __name__ == "__main__":
    import jax
    _d = setup_inputs()
    print(jax.jit(kernel)(*tuple(_d.values())))

</pallas_src>

<mosaic_0001>
#map = affine_map<(d0, d1) -> (0, 0)>
module attributes {stable_mosaic.version = 14 : i64} {
  func.func @sc_topk(%arg0: i32, %arg1: i32, %arg2: memref<32768x64xf32, #tpu.memory_space<hbm>>, %arg3: memref<32768x8xf32, #tpu.memory_space<hbm>>, %arg4: memref<32768x8xi32, #tpu.memory_space<hbm>>, %arg5: memref<128x64xf32, #tpu.memory_space<vmem>>, %arg6: memref<128x8xf32, #tpu.memory_space<vmem>>, %arg7: memref<128x8xi32, #tpu.memory_space<vmem>>) attributes {dimension_semantics = [#tpu.dimension_semantics<core_parallel>, #tpu.dimension_semantics<subcore_parallel>], iteration_bounds = array<i64: 2, 16>, scalar_prefetch = 0 : i64, scratch_operands = 3 : i64, tpu.core_type = #tpu.core_type<sc_vector_subcore>, window_params = [{transform_indices = #map}, {transform_indices = #map}, {transform_indices = #map}]} {
    %mul3A = arith.constant 2 : i32
    %mul3A_0 = arith.muli %arg1, %mul3A : i32
    %add3A = arith.addi %mul3A_0, %arg0 : i32
    %mul3A_1 = arith.constant 1024 : i32
    %mul3A_2 = arith.muli %add3A, %mul3A_1 : i32
    %iota3A = tpu.iota {dimensions = array<i32: 0>} : vector<16xi32>
    %scan3A = arith.constant 0 : i32
    %scan3A_3 = arith.constant 0 : i32
    %scan3A_4 = arith.constant 8 : i32
    %scan3A_5 = arith.addi %scan3A_3, %scan3A_4 : i32
    %scan3A_6 = arith.constant 1 : i32
    scf.for %scan3A_8 = %scan3A_3 to %scan3A_5 step %scan3A_6  : i32 {
      %mul3A_9 = arith.constant 128 : i32
      %mul3A_10 = arith.muli %scan3A_8, %mul3A_9 : i32
      %add3A_11 = arith.addi %mul3A_2, %mul3A_10 : i32
      "tpu.region"() ({
        %run_scoped3A = tpu.sem_alloc : memref<!tpu.dma_semaphore, #tpu.memory_space<semaphore_mem>>
        %dma_start3A = arith.constant 0 : i32
        %dma_start3A_18 = tpu.memref_slice %arg2[%add3A_11, %dma_start3A] : memref<32768x64xf32, #tpu.memory_space<hbm>> -> memref<128x64xf32, #tpu.memory_space<hbm>>
        %dma_start3A_19 = arith.constant 0 : i32
        %dma_start3A_20 = tpu.memref_slice %arg2[%add3A_11, %dma_start3A_19] : memref<32768x64xf32, #tpu.memory_space<hbm>> -> memref<128x64xf32, #tpu.memory_space<hbm>>
        tpu.enqueue_dma source(%dma_start3A_20 : memref<128x64xf32, #tpu.memory_space<hbm>>) target(%arg5 : memref<128x64xf32, #tpu.memory_space<vmem>>) target_semaphore(%run_scoped3A : memref<!tpu.dma_semaphore, #tpu.memory_space<semaphore_mem>>)
        %dma_wait3A = arith.constant 0 : i32
        %dma_wait3A_21 = tpu.memref_slice %arg2[%add3A_11, %dma_wait3A] : memref<32768x64xf32, #tpu.memory_space<hbm>> -> memref<128x64xf32, #tpu.memory_space<hbm>>
        %dma_wait3A_22 = arith.constant 0 : i32
        %dma_wait3A_23 = tpu.memref_slice %arg2[%add3A_11, %dma_wait3A_22] : memref<32768x64xf32, #tpu.memory_space<hbm>> -> memref<128x64xf32, #tpu.memory_space<hbm>>
        tpu.wait_dma2 semaphore(%run_scoped3A : memref<!tpu.dma_semaphore, #tpu.memory_space<semaphore_mem>>) src(%dma_wait3A_23 : memref<128x64xf32, #tpu.memory_space<hbm>>) dst(%arg5 : memref<128x64xf32, #tpu.memory_space<vmem>>)
        tpu.yield
      }) : () -> ()
      %scan3A_12 = arith.constant 0 : i32
      %scan3A_13 = arith.constant 0 : i32
      %scan3A_14 = arith.constant 8 : i32
      %scan3A_15 = arith.addi %scan3A_13, %scan3A_14 : i32
      %scan3A_16 = arith.constant 1 : i32
      scf.for %scan3A_18 = %scan3A_13 to %scan3A_15 step %scan3A_16  : i32 {
        %mul3A_19 = arith.constant 16 : i32
        %mul3A_20 = arith.muli %scan3A_18, %mul3A_19 : i32
        %add3A_21 = vector.broadcast %mul3A_20 : i32 to vector<16xi32>
        %add3A_22 = arith.addi %iota3A, %add3A_21 : vector<16xi32>
        %broadcast_in_dim3A = arith.constant 0 : i32
        %broadcast_in_dim3A_23 = vector.broadcast %broadcast_in_dim3A : i32 to vector<16xi32>
        %broadcast_in_dim3A_24 = arith.constant 0 : i32
        %broadcast_in_dim3A_25 = vector.broadcast %broadcast_in_dim3A_24 : i32 to vector<16xi32>
        %broadcast_in_dim3A_26 = arith.constant 0 : i32
        %broadcast_in_dim3A_27 = vector.broadcast %broadcast_in_dim3A_26 : i32 to vector<16xi32>
        %broadcast_in_dim3A_28 = arith.constant 0 : i32
        %broadcast_in_dim3A_29 = vector.broadcast %broadcast_in_dim3A_28 : i32 to vector<16xi32>
        %broadcast_in_dim3A_30 = arith.constant 0 : i32
        %broadcast_in_dim3A_31 = vector.broadcast %broadcast_in_dim3A_30 : i32 to vector<16xi32>
        %broadcast_in_dim3A_32 = arith.constant 0 : i32
        %broadcast_in_dim3A_33 = vector.broadcast %broadcast_in_dim3A_32 : i32 to vector<16xi32>
        %broadcast_in_dim3A_34 = arith.constant 0 : i32
        %broadcast_in_dim3A_35 = vector.broadcast %broadcast_in_dim3A_34 : i32 to vector<16xi32>
        %broadcast_in_dim3A_36 = arith.constant 0 : i32
        %broadcast_in_dim3A_37 = vector.broadcast %broadcast_in_dim3A_36 : i32 to vector<16xi32>
        %broadcast_in_dim3A_38 = arith.constant 0 : i32
        %broadcast_in_dim3A_39 = vector.broadcast %broadcast_in_dim3A_38 : i32 to vector<16xi32>
        %gather3A = tpu.vector_load_idx %arg5[%add3A_22, %broadcast_in_dim3A_39] : memref<128x64xf32, #tpu.memory_space<vmem>>[vector<16xi32>, vector<16xi32>], vector<16xf32>,
        %bitcast3A = vector.bitcast %gather3A : vector<16xf32> to vector<16xi32>
        %and3A = arith.constant -64 : i32
        %and3A_40 = vector.broadcast %and3A : i32 to vector<16xi32>
        %and3A_41 = arith.andi %bitcast3A, %and3A_40 : vector<16xi32>
        %or3A = arith.constant 63 : i32
        %or3A_42 = vector.broadcast %or3A : i32 to vector<16xi32>
        %or3A_43 = arith.ori %and3A_41, %or3A_42 : vector<16xi32>
        %max3A = arith.maxsi %broadcast_in_dim3A_23, %or3A_43 : vector<16xi32>
        %min3A = arith.minsi %broadcast_in_dim3A_23, %or3A_43 : vector<16xi32>
        %max3A_44 = arith.maxsi %broadcast_in_dim3A_25, %min3A : vector<16xi32>
        %min3A_45 = arith.minsi %broadcast_in_dim3A_25, %min3A : vector<16xi32>
        %max3A_46 = arith.maxsi %broadcast_in_dim3A_27, %min3A_45 : vector<16xi32>
        %min3A_47 = arith.minsi %broadcast_in_dim3A_27, %min3A_45 : vector<16xi32>
        %max3A_48 = arith.maxsi %broadcast_in_dim3A_29, %min3A_47 : vector<16xi32>
        %min3A_49 = arith.minsi %broadcast_in_dim3A_29, %min3A_47 : vector<16xi32>
        %max3A_50 = arith.maxsi %broadcast_in_dim3A_31, %min3A_49 : vector<16xi32>
        %min3A_51 = arith.minsi %broadcast_in_dim3A_31, %min3A_49 : vector<16xi32>
        %max3A_52 = arith.maxsi %broadcast_in_dim3A_33, %min3A_51 : vector<16xi32>
        %min3A_53 = arith.minsi %broadcast_in_dim3A_33, %min3A_51 : vector<16xi32>
        %max3A_54 = arith.maxsi %broadcast_in_dim3A_35, %min3A_53 : vector<16xi32>
        %min3A_55 = arith.minsi %broadcast_in_dim3A_35, %min3A_53 : vector<16xi32>
        %max3A_56 = arith.maxsi %broadcast_in_dim3A_37, %min3A_55 : vector<16xi32>
        %min3A_57 = arith.minsi %broadcast_in_dim3A_37, %min3A_55 : vector<16xi32>
        %broadcast_in_dim3A_58 = arith.constant 1 : i32
        %broadcast_in_dim3A_59 = vector.broadcast %broadcast_in_dim3A_58 : i32 to vector<16xi32>
        %gather3A_60 = tpu.vector_load_idx %arg5[%add3A_22, %broadcast_in_dim3A_59] : memref<128x64xf32, #tpu.memory_space<vmem>>[vector<16xi32>, vector<16xi32>], vector<16xf32>,
        %bitcast3A_61 = vector.bitcast %gather3A_60 : vector<16xf32> to vector<16xi32>
        %and3A_62 = arith.constant -64 : i32
        %and3A_63 = vector.broadcast %and3A_62 : i32 to vector<16xi32>
        %and3A_64 = arith.andi %bitcast3A_61, %and3A_63 : vector<16xi32>
        %or3A_65 = arith.constant 62 : i32
        %or3A_66 = vector.broadcast %or3A_65 : i32 to vector<16xi32>
        %or3A_67 = arith.ori %and3A_64, %or3A_66 : vector<16xi32>
        %max3A_68 = arith.maxsi %max3A, %or3A_67 : vector<16xi32>
        %min3A_69 = arith.minsi %max3A, %or3A_67 : vector<16xi32>
        %max3A_70 = arith.maxsi %max3A_44, %min3A_69 : vector<16xi32>
        %min3A_71 = arith.minsi %max3A_44, %min3A_69 : vector<16xi32>
        %max3A_72 = arith.maxsi %max3A_46, %min3A_71 : vector<16xi32>
        %min3A_73 = arith.minsi %max3A_46, %min3A_71 : vector<16xi32>
        %max3A_74 = arith.maxsi %max3A_48, %min3A_73 : vector<16xi32>
        %min3A_75 = arith.minsi %max3A_48, %min3A_73 : vector<16xi32>
        %max3A_76 = arith.maxsi %max3A_50, %min3A_75 : vector<16xi32>
        %min3A_77 = arith.minsi %max3A_50, %min3A_75 : vector<16xi32>
        %max3A_78 = arith.maxsi %max3A_52, %min3A_77 : vector<16xi32>
        %min3A_79 = arith.minsi %max3A_52, %min3A_77 : vector<16xi32>
        %max3A_80 = arith.maxsi %max3A_54, %min3A_79 : vector<16xi32>
        %min3A_81 = arith.minsi %max3A_54, %min3A_79 : vector<16xi32>
        %max3A_82 = arith.maxsi %max3A_56, %min3A_81 : vector<16xi32>
        %min3A_83 = arith.minsi %max3A_56, %min3A_81 : vector<16xi32>
        %broadcast_in_dim3A_84 = arith.constant 2 : i32
        %broadcast_in_dim3A_85 = vector.broadcast %broadcast_in_dim3A_84 : i32 to vector<16xi32>
        %gather3A_86 = tpu.vector_load_idx %arg5[%add3A_22, %broadcast_in_dim3A_85] : memref<128x64xf32, #tpu.memory_space<vmem>>[vector<16xi32>, vector<16xi32>], vector<16xf32>,
        %bitcast3A_87 = vector.bitcast %gather3A_86 : vector<16xf32> to vector<16xi32>
        %and3A_88 = arith.constant -64 : i32
        %and3A_89 = vector.broadcast %and3A_88 : i32 to vector<16xi32>
        %and3A_90 = arith.andi %bitcast3A_87, %and3A_89 : vector<16xi32>
        %or3A_91 = arith.constant 61 : i32
        %or3A_92 = vector.broadcast %or3A_91 : i32 to vector<16xi32>
        %or3A_93 = arith.ori %and3A_90, %or3A_92 : vector<16xi32>
        %max3A_94 = arith.maxsi %max3A_68, %or3A_93 : vector<16xi32>
        %min3A_95 = arith.minsi %max3A_68, %or3A_93 : vector<16xi32>
        %max3A_96 = arith.maxsi %max3A_70, %min3A_95 : vector<16xi32>
        %min3A_97 = arith.minsi %max3A_70, %min3A_95 : vector<16xi32>
        %max3A_98 = arith.maxsi %max3A_72, %min3A_97 : vector<16xi32>
        %min3A_99 = arith.minsi %max3A_72, %min3A_97 : vector<16xi32>
        %max3A_100 = arith.maxsi %max3A_74, %min3A_99 : vector<16xi32>
        %min3A_101 = arith.minsi %max3A_74, %min3A_99 : vector<16xi32>
        %max3A_102 = arith.maxsi %max3A_76, %min3A_101 : vector<16xi32>
        %min3A_103 = arith.minsi %max3A_76, %min3A_101 : vector<16xi32>
        %max3A_104 = arith.maxsi %max3A_78, %min3A_103 : vector<16xi32>
        %min3A_105 = arith.minsi %max3A_78, %min3A_103 : vector<16xi32>
        %max3A_106 = arith.maxsi %max3A_80, %min3A_105 : vector<16xi32>
        %min3A_107 = arith.minsi %max3A_80, %min3A_105 : vector<16xi32>
        %max3A_108 = arith.maxsi %max3A_82, %min3A_107 : vector<16xi32>
        %min3A_109 = arith.minsi %max3A_82, %min3A_107 : vector<16xi32>
        %broadcast_in_dim3A_110 = arith.constant 3 : i32
        %broadcast_in_dim3A_111 = vector.broadcast %broadcast_in_dim3A_110 : i32 to vector<16xi32>
        %gather3A_112 = tpu.vector_load_idx %arg5[%add3A_22, %broadcast_in_dim3A_111] : memref<128x64xf32, #tpu.memory_space<vmem>>[vector<16xi32>, vector<16xi32>], vector<16xf32>,
        %bitcast3A_113 = vector.bitcast %gather3A_112 : vector<16xf32> to vector<16xi32>
        %and3A_114 = arith.constant -64 : i32
        %and3A_115 = vector.broadcast %and3A_114 : i32 to vector<16xi32>
        %and3A_116 = arith.andi %bitcast3A_113, %and3A_115 : vector<16xi32>
        %or3A_117 = arith.constant 60 : i32
        %or3A_118 = vector.broadcast %or3A_117 : i32 to vector<16xi32>
        %or3A_119 = arith.ori %and3A_116, %or3A_118 : vector<16xi32>
        %max3A_120 = arith.maxsi %max3A_94, %or3A_119 : vector<16xi32>
        %min3A_121 = arith.minsi %max3A_94, %or3A_119 : vector<16xi32>
        %max3A_122 = arith.maxsi %max3A_96, %min3A_121 : vector<16xi32>
        %min3A_123 = arith.minsi %max3A_96, %min3A_121 : vector<16xi32>
        %max3A_124 = arith.maxsi %max3A_98, %min3A_123 : vector<16xi32>
        %min3A_125 = arith.minsi %max3A_98, %min3A_123 : vector<16xi32>
        %max3A_126 = arith.maxsi %max3A_100, %min3A_125 : vector<16xi32>
        %min3A_127 = arith.minsi %max3A_100, %min3A_125 : vector<16xi32>
        %max3A_128 = arith.maxsi %max3A_102, %min3A_127 : vector<16xi32>
        %min3A_129 = arith.minsi %max3A_102, %min3A_127 : vector<16xi32>
        %max3A_130 = arith.maxsi %max3A_104, %min3A_129 : vector<16xi32>
        %min3A_131 = arith.minsi %max3A_104, %min3A_129 : vector<16xi32>
        %max3A_132 = arith.maxsi %max3A_106, %min3A_131 : vector<16xi32>
        %min3A_133 = arith.minsi %max3A_106, %min3A_131 : vector<16xi32>
        %max3A_134 = arith.maxsi %max3A_108, %min3A_133 : vector<16xi32>
        %min3A_135 = arith.minsi %max3A_108, %min3A_133 : vector<16xi32>
        %broadcast_in_dim3A_136 = arith.constant 4 : i32
        %broadcast_in_dim3A_137 = vector.broadcast %broadcast_in_dim3A_136 : i32 to vector<16xi32>
        %gather3A_138 = tpu.vector_load_idx %arg5[%add3A_22, %broadcast_in_dim3A_137] : memref<128x64xf32, #tpu.memory_space<vmem>>[vector<16xi32>, vector<16xi32>], vector<16xf32>,
        %bitcast3A_139 = vector.bitcast %gather3A_138 : vector<16xf32> to vector<16xi32>
        %and3A_140 = arith.constant -64 : i32
        %and3A_141 = vector.broadcast %and3A_140 : i32 to vector<16xi32>
        %and3A_142 = arith.andi %bitcast3A_139, %and3A_141 : vector<16xi32>
        %or3A_143 = arith.constant 59 : i32
        %or3A_144 = vector.broadcast %or3A_143 : i32 to vector<16xi32>
        %or3A_145 = arith.ori %and3A_142, %or3A_144 : vector<16xi32>
        %max3A_146 = arith.maxsi %max3A_120, %or3A_145 : vector<16xi32>
        %min3A_147 = arith.minsi %max3A_120, %or3A_145 : vector<16xi32>
        %max3A_148 = arith.maxsi %max3A_122, %min3A_147 : vector<16xi32>
        %min3A_149 = arith.minsi %max3A_122, %min3A_147 : vector<16xi32>
        %max3A_150 = arith.maxsi %max3A_124, %min3A_149 : vector<16xi32>
        %min3A_151 = arith.minsi %max3A_124, %min3A_149 : vector<16xi32>
        %max3A_152 = arith.maxsi %max3A_126, %min3A_151 : vector<16xi32>
        %min3A_153 = arith.minsi %max3A_126, %min3A_151 : vector<16xi32>
        %max3A_154 = arith.maxsi %max3A_128, %min3A_153 : vector<16xi32>
        %min3A_155 = arith.minsi %max3A_128, %min3A_153 : vector<16xi32>
        %max3A_156 = arith.maxsi %max3A_130, %min3A_155 : vector<16xi32>
        %min3A_157 = arith.minsi %max3A_130, %min3A_155 : vector<16xi32>
        %max3A_158 = arith.maxsi %max3A_132, %min3A_157 : vector<16xi32>
        %min3A_159 = arith.minsi %max3A_132, %min3A_157 : vector<16xi32>
        %max3A_160 = arith.maxsi %max3A_134, %min3A_159 : vector<16xi32>
        %min3A_161 = arith.minsi %max3A_134, %min3A_159 : vector<16xi32>
        %broadcast_in_dim3A_162 = arith.constant 5 : i32
        %broadcast_in_dim3A_163 = vector.broadcast %broadcast_in_dim3A_162 : i32 to vector<16xi32>
        %gather3A_164 = tpu.vector_load_idx %arg5[%add3A_22, %broadcast_in_dim3A_163] : memref<128x64xf32, #tpu.memory_space<vmem>>[vector<16xi32>, vector<16xi32>], vector<16xf32>,
        %bitcast3A_165 = vector.bitcast %gather3A_164 : vector<16xf32> to vector<16xi32>
        %and3A_166 = arith.constant -64 : i32
        %and3A_167 = vector.broadcast %and3A_166 : i32 to vector<16xi32>
        %and3A_168 = arith.andi %bitcast3A_165, %and3A_167 : vector<16xi32>
        %or3A_169 = arith.constant 58 : i32
        %or3A_170 = vector.broadcast %or3A_169 : i32 to vector<16xi32>
        %or3A_171 = arith.ori %and3A_168, %or3A_170 : vector<16xi32>
        %max3A_172 = arith.maxsi %max3A_146, %or3A_171 : vector<16xi32>
        %min3A_173 = arith.minsi %max3A_146, %or3A_171 : vector<16xi32>
        %max3A_174 = arith.maxsi %max3A_148, %min3A_173 : vector<16xi32>
        %min3A_175 = arith.minsi %max3A_148, %min3A_173 : vector<16xi32>
        %max3A_176 = arith.maxsi %max3A_150, %min3A_175 : vector<16xi32>
        %min3A_177 = arith.minsi %max3A_150, %min3A_175 : vector<16xi32>
        %max3A_178 = arith.maxsi %max3A_152, %min3A_177 : vector<16xi32>
        %min3A_179 = arith.minsi %max3A_152, %min3A_177 : vector<16xi32>
        %max3A_180 = arith.maxsi %max3A_154, %min3A_179 : vector<16xi32>
        %min3A_181 = arith.minsi %max3A_154, %min3A_179 : vector<16xi32>
        %max3A_182 = arith.maxsi %max3A_156, %min3A_181 : vector<16xi32>
        %min3A_183 = arith.minsi %max3A_156, %min3A_181 : vector<16xi32>
        %max3A_184 = arith.maxsi %max3A_158, %min3A_183 : vector<16xi32>
        %min3A_185 = arith.minsi %max3A_158, %min3A_183 : vector<16xi32>
        %max3A_186 = arith.maxsi %max3A_160, %min3A_185 : vector<16xi32>
        %min3A_187 = arith.minsi %max3A_160, %min3A_185 : vector<16xi32>
        %broadcast_in_dim3A_188 = arith.constant 6 : i32
        %broadcast_in_dim3A_189 = vector.broadcast %broadcast_in_dim3A_188 : i32 to vector<16xi32>
        %gather3A_190 = tpu.vector_load_idx %arg5[%add3A_22, %broadcast_in_dim3A_189] : memref<128x64xf32, #tpu.memory_space<vmem>>[vector<16xi32>, vector<16xi32>], vector<16xf32>,
        %bitcast3A_191 = vector.bitcast %gather3A_190 : vector<16xf32> to vector<16xi32>
        %and3A_192 = arith.constant -64 : i32
        %and3A_193 = vector.broadcast %and3A_192 : i32 to vector<16xi32>
        %and3A_194 = arith.andi %bitcast3A_191, %and3A_193 : vector<16xi32>
        %or3A_195 = arith.constant 57 : i32
        %or3A_196 = vector.broadcast %or3A_195 : i32 to vector<16xi32>
        %or3A_197 = arith.ori %and3A_194, %or3A_196 : vector<16xi32>
        %max3A_198 = arith.maxsi %max3A_172, %or3A_197 : vector<16xi32>
        %min3A_199 = arith.minsi %max3A_172, %or3A_197 : vector<16xi32>
        %max3A_200 = arith.maxsi %max3A_174, %min3A_199 : vector<16xi32>
        %min3A_201 = arith.minsi %max3A_174, %min3A_199 : vector<16xi32>
        %max3A_202 = arith.maxsi %max3A_176, %min3A_201 : vector<16xi32>
        %min3A_203 = arith.minsi %max3A_176, %min3A_201 : vector<16xi32>
        %max3A_204 = arith.maxsi %max3A_178, %min3A_203 : vector<16xi32>
        %min3A_205 = arith.minsi %max3A_178, %min3A_203 : vector<16xi32>
        %max3A_206 = arith.maxsi %max3A_180, %min3A_205 : vector<16xi32>
        %min3A_207 = arith.minsi %max3A_180, %min3A_205 : vector<16xi32>
        %max3A_208 = arith.maxsi %max3A_182, %min3A_207 : vector<16xi32>
        %min3A_209 = arith.minsi %max3A_182, %min3A_207 : vector<16xi32>
        %max3A_210 = arith.maxsi %max3A_184, %min3A_209 : vector<16xi32>
        %min3A_211 = arith.minsi %max3A_184, %min3A_209 : vector<16xi32>
        %max3A_212 = arith.maxsi %max3A_186, %min3A_211 : vector<16xi32>
        %min3A_213 = arith.minsi %max3A_186, %min3A_211 : vector<16xi32>
        %broadcast_in_dim3A_214 = arith.constant 7 : i32
        %broadcast_in_dim3A_215 = vector.broadcast %broadcast_in_dim3A_214 : i32 to vector<16xi32>
        %gather3A_216 = tpu.vector_load_idx %arg5[%add3A_22, %broadcast_in_dim3A_215] : memref<128x64xf32, #tpu.memory_space<vmem>>[vector<16xi32>, vector<16xi32>], vector<16xf32>,
        %bitcast3A_217 = vector.bitcast %gather3A_216 : vector<16xf32> to vector<16xi32>
        %and3A_218 = arith.constant -64 : i32
        %and3A_219 = vector.broadcast %and3A_218 : i32 to vector<16xi32>
        %and3A_220 = arith.andi %bitcast3A_217, %and3A_219 : vector<16xi32>
        %or3A_221 = arith.constant 56 : i32
        %or3A_222 = vector.broadcast %or3A_221 : i32 to vector<16xi32>
        %or3A_223 = arith.ori %and3A_220, %or3A_222 : vector<16xi32>
        %max3A_224 = arith.maxsi %max3A_198, %or3A_223 : vector<16xi32>
        %min3A_225 = arith.minsi %max3A_198, %or3A_223 : vector<16xi32>
        %max3A_226 = arith.maxsi %max3A_200, %min3A_225 : vector<16xi32>
        %min3A_227 = arith.minsi %max3A_200, %min3A_225 : vector<16xi32>
        %max3A_228 = arith.maxsi %max3A_202, %min3A_227 : vector<16xi32>
        %min3A_229 = arith.minsi %max3A_202, %min3A_227 : vector<16xi32>
        %max3A_230 = arith.maxsi %max3A_204, %min3A_229 : vector<16xi32>
        %min3A_231 = arith.minsi %max3A_204, %min3A_229 : vector<16xi32>
        %max3A_232 = arith.maxsi %max3A_206, %min3A_231 : vector<16xi32>
        %min3A_233 = arith.minsi %max3A_206, %min3A_231 : vector<16xi32>
        %max3A_234 = arith.maxsi %max3A_208, %min3A_233 : vector<16xi32>
        %min3A_235 = arith.minsi %max3A_208, %min3A_233 : vector<16xi32>
        %max3A_236 = arith.maxsi %max3A_210, %min3A_235 : vector<16xi32>
        %min3A_237 = arith.minsi %max3A_210, %min3A_235 : vector<16xi32>
        %max3A_238 = arith.maxsi %max3A_212, %min3A_237 : vector<16xi32>
        %min3A_239 = arith.minsi %max3A_212, %min3A_237 : vector<16xi32>
        %broadcast_in_dim3A_240 = arith.constant 8 : i32
        %broadcast_in_dim3A_241 = vector.broadcast %broadcast_in_dim3A_240 : i32 to vector<16xi32>
        %gather3A_242 = tpu.vector_load_idx %arg5[%add3A_22, %broadcast_in_dim3A_241] : memref<128x64xf32, #tpu.memory_space<vmem>>[vector<16xi32>, vector<16xi32>], vector<16xf32>,
        %bitcast3A_243 = vector.bitcast %gather3A_242 : vector<16xf32> to vector<16xi32>
        %and3A_244 = arith.constant -64 : i32
        %and3A_245 = vector.broadcast %and3A_244 : i32 to vector<16xi32>
        %and3A_246 = arith.andi %bitcast3A_243, %and3A_245 : vector<16xi32>
        %or3A_247 = arith.constant 55 : i32
        %or3A_248 = vector.broadcast %or3A_247 : i32 to vector<16xi32>
        %or3A_249 = arith.ori %and3A_246, %or3A_248 : vector<16xi32>
        %max3A_250 = arith.maxsi %max3A_224, %or3A_249 : vector<16xi32>
        %min3A_251 = arith.minsi %max3A_224, %or3A_249 : vector<16xi32>
        %max3A_252 = arith.maxsi %max3A_226, %min3A_251 : vector<16xi32>
        %min3A_253 = arith.minsi %max3A_226, %min3A_251 : vector<16xi32>
        %max3A_254 = arith.maxsi %max3A_228, %min3A_253 : vector<16xi32>
        %min3A_255 = arith.minsi %max3A_228, %min3A_253 : vector<16xi32>
        %max3A_256 = arith.maxsi %max3A_230, %min3A_255 : vector<16xi32>
        %min3A_257 = arith.minsi %max3A_230, %min3A_255 : vector<16xi32>
        %max3A_258 = arith.maxsi %max3A_232, %min3A_257 : vector<16xi32>
        %min3A_259 = arith.minsi %max3A_232, %min3A_257 : vector<16xi32>
        %max3A_260 = arith.maxsi %max3A_234, %min3A_259 : vector<16xi32>
        %min3A_261 = arith.minsi %max3A_234, %min3A_259 : vector<16xi32>
        %max3A_262 = arith.maxsi %max3A_236, %min3A_261 : vector<16xi32>
        %min3A_263 = arith.minsi %max3A_236, %min3A_261 : vector<16xi32>
        %max3A_264 = arith.maxsi %max3A_238, %min3A_263 : vector<16xi32>
        %min3A_265 = arith.minsi %max3A_238, %min3A_263 : vector<16xi32>
        %broadcast_in_dim3A_266 = arith.constant 9 : i32
        %broadcast_in_dim3A_267 = vector.broadcast %broadcast_in_dim3A_266 : i32 to vector<16xi32>
        %gather3A_268 = tpu.vector_load_idx %arg5[%add3A_22, %broadcast_in_dim3A_267] : memref<128x64xf32, #tpu.memory_space<vmem>>[vector<16xi32>, vector<16xi32>], vector<16xf32>,
        %bitcast3A_269 = vector.bitcast %gather3A_268 : vector<16xf32> to vector<16xi32>
        %and3A_270 = arith.constant -64 : i32
        %and3A_271 = vector.broadcast %and3A_270 : i32 to vector<16xi32>
        %and3A_272 = arith.andi %bitcast3A_269, %and3A_271 : vector<16xi32>
        %or3A_273 = arith.constant 54 : i32
        %or3A_274 = vector.broadcast %or3A_273 : i32 to vector<16xi32>
        %or3A_275 = arith.ori %and3A_272, %or3A_274 : vector<16xi32>
        %max3A_276 = arith.maxsi %max3A_250, %or3A_275 : vector<16xi32>
        %min3A_277 = arith.minsi %max3A_250, %or3A_275 : vector<16xi32>
        %max3A_278 = arith.maxsi %max3A_252, %min3A_277 : vector<16xi32>
        %min3A_279 = arith.minsi %max3A_252, %min3A_277 : vector<16xi32>
        %max3A_280 = arith.maxsi %max3A_254, %min3A_279 : vector<16xi32>
        %min3A_281 = arith.minsi %max3A_254, %min3A_279 : vector<16xi32>
        %max3A_282 = arith.maxsi %max3A_256, %min3A_281 : vector<16xi32>
        %min3A_283 = arith.minsi %max3A_256, %min3A_281 : vector<16xi32>
        %max3A_284 = arith.maxsi %max3A_258, %min3A_283 : vector<16xi32>
        %min3A_285 = arith.minsi %max3A_258, %min3A_283 : vector<16xi32>
        %max3A_286 = arith.maxsi %max3A_260, %min3A_285 : vector<16xi32>
        %min3A_287 = arith.minsi %max3A_260, %min3A_285 : vector<16xi32>
        %max3A_288 = arith.maxsi %max3A_262, %min3A_287 : vector<16xi32>
        %min3A_289 = arith.minsi %max3A_262, %min3A_287 : vector<16xi32>
        %max3A_290 = arith.maxsi %max3A_264, %min3A_289 : vector<16xi32>
        %min3A_291 = arith.minsi %max3A_264, %min3A_289 : vector<16xi32>
        %broadcast_in_dim3A_292 = arith.constant 10 : i32
        %broadcast_in_dim3A_293 = vector.broadcast %broadcast_in_dim3A_292 : i32 to vector<16xi32>
        %gather3A_294 = tpu.vector_load_idx %arg5[%add3A_22, %broadcast_in_dim3A_293] : memref<128x64xf32, #tpu.memory_space<vmem>>[vector<16xi32>, vector<16xi32>], vector<16xf32>,
        %bitcast3A_295 = vector.bitcast %gather3A_294 : vector<16xf32> to vector<16xi32>
        %and3A_296 = arith.constant -64 : i32
        %and3A_297 = vector.broadcast %and3A_296 : i32 to vector<16xi32>
        %and3A_298 = arith.andi %bitcast3A_295, %and3A_297 : vector<16xi32>
        %or3A_299 = arith.constant 53 : i32
        %or3A_300 = vector.broadcast %or3A_299 : i32 to vector<16xi32>
        %or3A_301 = arith.ori %and3A_298, %or3A_300 : vector<16xi32>
        %max3A_302 = arith.maxsi %max3A_276, %or3A_301 : vector<16xi32>
        %min3A_303 = arith.minsi %max3A_276, %or3A_301 : vector<16xi32>
        %max3A_304 = arith.maxsi %max3A_278, %min3A_303 : vector<16xi32>
        %min3A_305 = arith.minsi %max3A_278, %min3A_303 : vector<16xi32>
        %max3A_306 = arith.maxsi %max3A_280, %min3A_305 : vector<16xi32>
        %min3A_307 = arith.minsi %max3A_280, %min3A_305 : vector<16xi32>
        %max3A_308 = arith.maxsi %max3A_282, %min3A_307 : vector<16xi32>
        %min3A_309 = arith.minsi %max3A_282, %min3A_307 : vector<16xi32>
        %max3A_310 = arith.maxsi %max3A_284, %min3A_309 : vector<16xi32>
        %min3A_311 = arith.minsi %max3A_284, %min3A_309 : vector<16xi32>
        %max3A_312 = arith.maxsi %max3A_286, %min3A_311 : vector<16xi32>
        %min3A_313 = arith.minsi %max3A_286, %min3A_311 : vector<16xi32>
        %max3A_314 = arith.maxsi %max3A_288, %min3A_313 : vector<16xi32>
        %min3A_315 = arith.minsi %max3A_288, %min3A_313 : vector<16xi32>
        %max3A_316 = arith.maxsi %max3A_290, %min3A_315 : vector<16xi32>
        %min3A_317 = arith.minsi %max3A_290, %min3A_315 : vector<16xi32>
        %broadcast_in_dim3A_318 = arith.constant 11 : i32
        %broadcast_in_dim3A_319 = vector.broadcast %broadcast_in_dim3A_318 : i32 to vector<16xi32>
        %gather3A_320 = tpu.vector_load_idx %arg5[%add3A_22, %broadcast_in_dim3A_319] : memref<128x64xf32, #tpu.memory_space<vmem>>[vector<16xi32>, vector<16xi32>], vector<16xf32>,
        %bitcast3A_321 = vector.bitcast %gather3A_320 : vector<16xf32> to vector<16xi32>
        %and3A_322 = arith.constant -64 : i32
        %and3A_323 = vector.broadcast %and3A_322 : i32 to vector<16xi32>
        %and3A_324 = arith.andi %bitcast3A_321, %and3A_323 : vector<16xi32>
        %or3A_325 = arith.constant 52 : i32
        %or3A_326 = vector.broadcast %or3A_325 : i32 to vector<16xi32>
        %or3A_327 = arith.ori %and3A_324, %or3A_326 : vector<16xi32>
        %max3A_328 = arith.maxsi %max3A_302, %or3A_327 : vector<16xi32>
        %min3A_329 = arith.minsi %max3A_302, %or3A_327 : vector<16xi32>
        %max3A_330 = arith.maxsi %max3A_304, %min3A_329 : vector<16xi32>
        %min3A_331 = arith.minsi %max3A_304, %min3A_329 : vector<16xi32>
        %max3A_332 = arith.maxsi %max3A_306, %min3A_331 : vector<16xi32>
        %min3A_333 = arith.minsi %max3A_306, %min3A_331 : vector<16xi32>
        %max3A_334 = arith.maxsi %max3A_308, %min3A_333 : vector<16xi32>
        %min3A_335 = arith.minsi %max3A_308, %min3A_333 : vector<16xi32>
        %max3A_336 = arith.maxsi %max3A_310, %min3A_335 : vector<16xi32>
        %min3A_337 = arith.minsi %max3A_310, %min3A_335 : vector<16xi32>
        %max3A_338 = arith.maxsi %max3A_312, %min3A_337 : vector<16xi32>
        %min3A_339 = arith.minsi %max3A_312, %min3A_337 : vector<16xi32>
        %max3A_340 = arith.maxsi %max3A_314, %min3A_339 : vector<16xi32>
        %min3A_341 = arith.minsi %max3A_314, %min3A_339 : vector<16xi32>
        %max3A_342 = arith.maxsi %max3A_316, %min3A_341 : vector<16xi32>
        %min3A_343 = arith.minsi %max3A_316, %min3A_341 : vector<16xi32>
        %broadcast_in_dim3A_344 = arith.constant 12 : i32
        %broadcast_in_dim3A_345 = vector.broadcast %broadcast_in_dim3A_344 : i32 to vector<16xi32>
        %gather3A_346 = tpu.vector_load_idx %arg5[%add3A_22, %broadcast_in_dim3A_345] : memref<128x64xf32, #tpu.memory_space<vmem>>[vector<16xi32>, vector<16xi32>], vector<16xf32>,
        %bitcast3A_347 = vector.bitcast %gather3A_346 : vector<16xf32> to vector<16xi32>
        %and3A_348 = arith.constant -64 : i32
        %and3A_349 = vector.broadcast %and3A_348 : i32 to vector<16xi32>
        %and3A_350 = arith.andi %bitcast3A_347, %and3A_349 : vector<16xi32>
        %or3A_351 = arith.constant 51 : i32
        %or3A_352 = vector.broadcast %or3A_351 : i32 to vector<16xi32>
        %or3A_353 = arith.ori %and3A_350, %or3A_352 : vector<16xi32>
        %max3A_354 = arith.maxsi %max3A_328, %or3A_353 : vector<16xi32>
        %min3A_355 = arith.minsi %max3A_328, %or3A_353 : vector<16xi32>
        %max3A_356 = arith.maxsi %max3A_330, %min3A_355 : vector<16xi32>
        %min3A_357 = arith.minsi %max3A_330, %min3A_355 : vector<16xi32>
        %max3A_358 = arith.maxsi %max3A_332, %min3A_357 : vector<16xi32>
        %min3A_359 = arith.minsi %max3A_332, %min3A_357 : vector<16xi32>
        %max3A_360 = arith.maxsi %max3A_334, %min3A_359 : vector<16xi32>
        %min3A_361 = arith.minsi %max3A_334, %min3A_359 : vector<16xi32>
        %max3A_362 = arith.maxsi %max3A_336, %min3A_361 : vector<16xi32>
        %min3A_363 = arith.minsi %max3A_336, %min3A_361 : vector<16xi32>
        %max3A_364 = arith.maxsi %max3A_338, %min3A_363 : vector<16xi32>
        %min3A_365 = arith.minsi %max3A_338, %min3A_363 : vector<16xi32>
        %max3A_366 = arith.maxsi %max3A_340, %min3A_365 : vector<16xi32>
        %min3A_367 = arith.minsi %max3A_340, %min3A_365 : vector<16xi32>
        %max3A_368 = arith.maxsi %max3A_342, %min3A_367 : vector<16xi32>
        %min3A_369 = arith.minsi %max3A_342, %min3A_367 : vector<16xi32>
        %broadcast_in_dim3A_370 = arith.constant 13 : i32
        %broadcast_in_dim3A_371 = vector.broadcast %broadcast_in_dim3A_370 : i32 to vector<16xi32>
        %gather3A_372 = tpu.vector_load_idx %arg5[%add3A_22, %broadcast_in_dim3A_371] : memref<128x64xf32, #tpu.memory_space<vmem>>[vector<16xi32>, vector<16xi32>], vector<16xf32>,
        %bitcast3A_373 = vector.bitcast %gather3A_372 : vector<16xf32> to vector<16xi32>
        %and3A_374 = arith.constant -64 : i32
        %and3A_375 = vector.broadcast %and3A_374 : i32 to vector<16xi32>
        %and3A_376 = arith.andi %bitcast3A_373, %and3A_375 : vector<16xi32>
        %or3A_377 = arith.constant 50 : i32
        %or3A_378 = vector.broadcast %or3A_377 : i32 to vector<16xi32>
        %or3A_379 = arith.ori %and3A_376, %or3A_378 : vector<16xi32>
        %max3A_380 = arith.maxsi %max3A_354, %or3A_379 : vector<16xi32>
        %min3A_381 = arith.minsi %max3A_354, %or3A_379 : vector<16xi32>
        %max3A_382 = arith.maxsi %max3A_356, %min3A_381 : vector<16xi32>
        %min3A_383 = arith.minsi %max3A_356, %min3A_381 : vector<16xi32>
        %max3A_384 = arith.maxsi %max3A_358, %min3A_383 : vector<16xi32>
        %min3A_385 = arith.minsi %max3A_358, %min3A_383 : vector<16xi32>
        %max3A_386 = arith.maxsi %max3A_360, %min3A_385 : vector<16xi32>
        %min3A_387 = arith.minsi %max3A_360, %min3A_385 : vector<16xi32>
        %max3A_388 = arith.maxsi %max3A_362, %min3A_387 : vector<16xi32>
        %min3A_389 = arith.minsi %max3A_362, %min3A_387 : vector<16xi32>
        %max3A_390 = arith.maxsi %max3A_364, %min3A_389 : vector<16xi32>
        %min3A_391 = arith.minsi %max3A_364, %min3A_389 : vector<16xi32>
        %max3A_392 = arith.maxsi %max3A_366, %min3A_391 : vector<16xi32>
        %min3A_393 = arith.minsi %max3A_366, %min3A_391 : vector<16xi32>
        %max3A_394 = arith.maxsi %max3A_368, %min3A_393 : vector<16xi32>
        %min3A_395 = arith.minsi %max3A_368, %min3A_393 : vector<16xi32>
        %broadcast_in_dim3A_396 = arith.constant 14 : i32
        %broadcast_in_dim3A_397 = vector.broadcast %broadcast_in_dim3A_396 : i32 to vector<16xi32>
        %gather3A_398 = tpu.vector_load_idx %arg5[%add3A_22, %broadcast_in_dim3A_397] : memref<128x64xf32, #tpu.memory_space<vmem>>[vector<16xi32>, vector<16xi32>], vector<16xf32>,
        %bitcast3A_399 = vector.bitcast %gather3A_398 : vector<16xf32> to vector<16xi32>
        %and3A_400 = arith.constant -64 : i32
        %and3A_401 = vector.broadcast %and3A_400 : i32 to vector<16xi32>
        %and3A_402 = arith.andi %bitcast3A_399, %and3A_401 : vector<16xi32>
        %or3A_403 = arith.constant 49 : i32
        %or3A_404 = vector.broadcast %or3A_403 : i32 to vector<16xi32>
        %or3A_405 = arith.ori %and3A_402, %or3A_404 : vector<16xi32>
        %max3A_406 = arith.maxsi %max3A_380, %or3A_405 : vector<16xi32>
        %min3A_407 = arith.minsi %max3A_380, %or3A_405 : vector<16xi32>
        %max3A_408 = arith.maxsi %max3A_382, %min3A_407 : vector<16xi32>
        %min3A_409 = arith.minsi %max3A_382, %min3A_407 : vector<16xi32>
        %max3A_410 = arith.maxsi %max3A_384, %min3A_409 : vector<16xi32>
        %min3A_411 = arith.minsi %max3A_384, %min3A_409 : vector<16xi32>
        %max3A_412 = arith.maxsi %max3A_386, %min3A_411 : vector<16xi32>
        %min3A_413 = arith.minsi %max3A_386, %min3A_411 : vector<16xi32>
        %max3A_414 = arith.maxsi %max3A_388, %min3A_413 : vector<16xi32>
        %min3A_415 = arith.minsi %max3A_388, %min3A_413 : vector<16xi32>
        %max3A_416 = arith.maxsi %max3A_390, %min3A_415 : vector<16xi32>
        %min3A_417 = arith.minsi %max3A_390, %min3A_415 : vector<16xi32>
        %max3A_418 = arith.maxsi %max3A_392, %min3A_417 : vector<16xi32>
        %min3A_419 = arith.minsi %max3A_392, %min3A_417 : vector<16xi32>
        %max3A_420 = arith.maxsi %max3A_394, %min3A_419 : vector<16xi32>
        %min3A_421 = arith.minsi %max3A_394, %min3A_419 : vector<16xi32>
        %broadcast_in_dim3A_422 = arith.constant 15 : i32
        %broadcast_in_dim3A_423 = vector.broadcast %broadcast_in_dim3A_422 : i32 to vector<16xi32>
        %gather3A_424 = tpu.vector_load_idx %arg5[%add3A_22, %broadcast_in_dim3A_423] : memref<128x64xf32, #tpu.memory_space<vmem>>[vector<16xi32>, vector<16xi32>], vector<16xf32>,
        %bitcast3A_425 = vector.bitcast %gather3A_424 : vector<16xf32> to vector<16xi32>
        %and3A_426 = arith.constant -64 : i32
        %and3A_427 = vector.broadcast %and3A_426 : i32 to vector<16xi32>
        %and3A_428 = arith.andi %bitcast3A_425, %and3A_427 : vector<16xi32>
        %or3A_429 = arith.constant 48 : i32
        %or3A_430 = vector.broadcast %or3A_429 : i32 to vector<16xi32>
        %or3A_431 = arith.ori %and3A_428, %or3A_430 : vector<16xi32>
        %max3A_432 = arith.maxsi %max3A_406, %or3A_431 : vector<16xi32>
        %min3A_433 = arith.minsi %max3A_406, %or3A_431 : vector<16xi32>
        %max3A_434 = arith.maxsi %max3A_408, %min3A_433 : vector<16xi32>
        %min3A_435 = arith.minsi %max3A_408, %min3A_433 : vector<16xi32>
        %max3A_436 = arith.maxsi %max3A_410, %min3A_435 : vector<16xi32>
        %min3A_437 = arith.minsi %max3A_410, %min3A_435 : vector<16xi32>
        %max3A_438 = arith.maxsi %max3A_412, %min3A_437 : vector<16xi32>
        %min3A_439 = arith.minsi %max3A_412, %min3A_437 : vector<16xi32>
        %max3A_440 = arith.maxsi %max3A_414, %min3A_439 : vector<16xi32>
        %min3A_441 = arith.minsi %max3A_414, %min3A_439 : vector<16xi32>
        %max3A_442 = arith.maxsi %max3A_416, %min3A_441 : vector<16xi32>
        %min3A_443 = arith.minsi %max3A_416, %min3A_441 : vector<16xi32>
        %max3A_444 = arith.maxsi %max3A_418, %min3A_443 : vector<16xi32>
        %min3A_445 = arith.minsi %max3A_418, %min3A_443 : vector<16xi32>
        %max3A_446 = arith.maxsi %max3A_420, %min3A_445 : vector<16xi32>
        %min3A_447 = arith.minsi %max3A_420, %min3A_445 : vector<16xi32>
        %broadcast_in_dim3A_448 = arith.constant 16 : i32
        %broadcast_in_dim3A_449 = vector.broadcast %broadcast_in_dim3A_448 : i32 to vector<16xi32>
        %gather3A_450 = tpu.vector_load_idx %arg5[%add3A_22, %broadcast_in_dim3A_449] : memref<128x64xf32, #tpu.memory_space<vmem>>[vector<16xi32>, vector<16xi32>], vector<16xf32>,
        %bitcast3A_451 = vector.bitcast %gather3A_450 : vector<16xf32> to vector<16xi32>
        %and3A_452 = arith.constant -64 : i32
        %and3A_453 = vector.broadcast %and3A_452 : i32 to vector<16xi32>
        %and3A_454 = arith.andi %bitcast3A_451, %and3A_453 : vector<16xi32>
        %or3A_455 = arith.constant 47 : i32
        %or3A_456 = vector.broadcast %or3A_455 : i32 to vector<16xi32>
        %or3A_457 = arith.ori %and3A_454, %or3A_456 : vector<16xi32>
        %max3A_458 = arith.maxsi %max3A_432, %or3A_457 : vector<16xi32>
        %min3A_459 = arith.minsi %max3A_432, %or3A_457 : vector<16xi32>
        %max3A_460 = arith.maxsi %max3A_434, %min3A_459 : vector<16xi32>
        %min3A_461 = arith.minsi %max3A_434, %min3A_459 : vector<16xi32>
        %max3A_462 = arith.maxsi %max3A_436, %min3A_461 : vector<16xi32>
        %min3A_463 = arith.minsi %max3A_436, %min3A_461 : vector<16xi32>
        %max3A_464 = arith.maxsi %max3A_438, %min3A_463 : vector<16xi32>
        %min3A_465 = arith.minsi %max3A_438, %min3A_463 : vector<16xi32>
        %max3A_466 = arith.maxsi %max3A_440, %min3A_465 : vector<16xi32>
        %min3A_467 = arith.minsi %max3A_440, %min3A_465 : vector<16xi32>
        %max3A_468 = arith.maxsi %max3A_442, %min3A_467 : vector<16xi32>
        %min3A_469 = arith.minsi %max3A_442, %min3A_467 : vector<16xi32>
        %max3A_470 = arith.maxsi %max3A_444, %min3A_469 : vector<16xi32>
        %min3A_471 = arith.minsi %max3A_444, %min3A_469 : vector<16xi32>
        %max3A_472 = arith.maxsi %max3A_446, %min3A_471 : vector<16xi32>
        %min3A_473 = arith.minsi %max3A_446, %min3A_471 : vector<16xi32>
        %broadcast_in_dim3A_474 = arith.constant 17 : i32
        %broadcast_in_dim3A_475 = vector.broadcast %broadcast_in_dim3A_474 : i32 to vector<16xi32>
        %gather3A_476 = tpu.vector_load_idx %arg5[%add3A_22, %broadcast_in_dim3A_475] : memref<128x64xf32, #tpu.memory_space<vmem>>[vector<16xi32>, vector<16xi32>], vector<16xf32>,
        %bitcast3A_477 = vector.bitcast %gather3A_476 : vector<16xf32> to vector<16xi32>
        %and3A_478 = arith.constant -64 : i32
        %and3A_479 = vector.broadcast %and3A_478 : i32 to vector<16xi32>
        %and3A_480 = arith.andi %bitcast3A_477, %and3A_479 : vector<16xi32>
        %or3A_481 = arith.constant 46 : i32
        %or3A_482 = vector.broadcast %or3A_481 : i32 to vector<16xi32>
        %or3A_483 = arith.ori %and3A_480, %or3A_482 : vector<16xi32>
        %max3A_484 = arith.maxsi %max3A_458, %or3A_483 : vector<16xi32>
        %min3A_485 = arith.minsi %max3A_458, %or3A_483 : vector<16xi32>
        %max3A_486 = arith.maxsi %max3A_460, %min3A_485 : vector<16xi32>
        %min3A_487 = arith.minsi %max3A_460, %min3A_485 : vector<16xi32>
        %max3A_488 = arith.maxsi %max3A_462, %min3A_487 : vector<16xi32>
        %min3A_489 = arith.minsi %max3A_462, %min3A_487 : vector<16xi32>
        %max3A_490 = arith.maxsi %max3A_464, %min3A_489 : vector<16xi32>
        %min3A_491 = arith.minsi %max3A_464, %min3A_489 : vector<16xi32>
        %max3A_492 = arith.maxsi %max3A_466, %min3A_491 : vector<16xi32>
        %min3A_493 = arith.minsi %max3A_466, %min3A_491 : vector<16xi32>
        %max3A_494 = arith.maxsi %max3A_468, %min3A_493 : vector<16xi32>
        %min3A_495 = arith.minsi %max3A_468, %min3A_493 : vector<16xi32>
        %max3A_496 = arith.maxsi %max3A_470, %min3A_495 : vector<16xi32>
        %min3A_497 = arith.minsi %max3A_470, %min3A_495 : vector<16xi32>
        %max3A_498 = arith.maxsi %max3A_472, %min3A_497 : vector<16xi32>
        %min3A_499 = arith.minsi %max3A_472, %min3A_497 : vector<16xi32>
        %broadcast_in_dim3A_500 = arith.constant 18 : i32
        %broadcast_in_dim3A_501 = vector.broadcast %broadcast_in_dim3A_500 : i32 to vector<16xi32>
        %gather3A_502 = tpu.vector_load_idx %arg5[%add3A_22, %broadcast_in_dim3A_501] : memref<128x64xf32, #tpu.memory_space<vmem>>[vector<16xi32>, vector<16xi32>], vector<16xf32>,
        %bitcast3A_503 = vector.bitcast %gather3A_502 : vector<16xf32> to vector<16xi32>
        %and3A_504 = arith.constant -64 : i32
        %and3A_505 = vector.broadcast %and3A_504 : i32 to vector<16xi32>
        %and3A_506 = arith.andi %bitcast3A_503, %and3A_505 : vector<16xi32>
        %or3A_507 = arith.constant 45 : i32
        %or3A_508 = vector.broadcast %or3A_507 : i32 to vector<16xi32>
        %or3A_509 = arith.ori %and3A_506, %or3A_508 : vector<16xi32>
        %max3A_510 = arith.maxsi %max3A_484, %or3A_509 : vector<16xi32>
        %min3A_511 = arith.minsi %max3A_484, %or3A_509 : vector<16xi32>
        %max3A_512 = arith.maxsi %max3A_486, %min3A_511 : vector<16xi32>
        %min3A_513 = arith.minsi %max3A_486, %min3A_511 : vector<16xi32>
        %max3A_514 = arith.maxsi %max3A_488, %min3A_513 : vector<16xi32>
        %min3A_515 = arith.minsi %max3A_488, %min3A_513 : vector<16xi32>
        %max3A_516 = arith.maxsi %max3A_490, %min3A_515 : vector<16xi32>
        %min3A_517 = arith.minsi %max3A_490, %min3A_515 : vector<16xi32>
        %max3A_518 = arith.maxsi %max3A_492, %min3A_517 : vector<16xi32>
        %min3A_519 = arith.minsi %max3A_492, %min3A_517 : vector<16xi32>
        %max3A_520 = arith.maxsi %max3A_494, %min3A_519 : vector<16xi32>
        %min3A_521 = arith.minsi %max3A_494, %min3A_519 : vector<16xi32>
        %max3A_522 = arith.maxsi %max3A_496, %min3A_521 : vector<16xi32>
        %min3A_523 = arith.minsi %max3A_496, %min3A_521 : vector<16xi32>
        %max3A_524 = arith.maxsi %max3A_498, %min3A_523 : vector<16xi32>
        %min3A_525 = arith.minsi %max3A_498, %min3A_523 : vector<16xi32>
        %broadcast_in_dim3A_526 = arith.constant 19 : i32
        %broadcast_in_dim3A_527 = vector.broadcast %broadcast_in_dim3A_526 : i32 to vector<16xi32>
        %gather3A_528 = tpu.vector_load_idx %arg5[%add3A_22, %broadcast_in_dim3A_527] : memref<128x64xf32, #tpu.memory_space<vmem>>[vector<16xi32>, vector<16xi32>], vector<16xf32>,
        %bitcast3A_529 = vector.bitcast %gather3A_528 : vector<16xf32> to vector<16xi32>
        %and3A_530 = arith.constant -64 : i32
        %and3A_531 = vector.broadcast %and3A_530 : i32 to vector<16xi32>
        %and3A_532 = arith.andi %bitcast3A_529, %and3A_531 : vector<16xi32>
        %or3A_533 = arith.constant 44 : i32
        %or3A_534 = vector.broadcast %or3A_533 : i32 to vector<16xi32>
        %or3A_535 = arith.ori %and3A_532, %or3A_534 : vector<16xi32>
        %max3A_536 = arith.maxsi %max3A_510, %or3A_535 : vector<16xi32>
        %min3A_537 = arith.minsi %max3A_510, %or3A_535 : vector<16xi32>
        %max3A_538 = arith.maxsi %max3A_512, %min3A_537 : vector<16xi32>
        %min3A_539 = arith.minsi %max3A_512, %min3A_537 : vector<16xi32>
        %max3A_540 = arith.maxsi %max3A_514, %min3A_539 : vector<16xi32>
        %min3A_541 = arith.minsi %max3A_514, %min3A_539 : vector<16xi32>
        %max3A_542 = arith.maxsi %max3A_516, %min3A_541 : vector<16xi32>
        %min3A_543 = arith.minsi %max3A_516, %min3A_541 : vector<16xi32>
        %max3A_544 = arith.maxsi %max3A_518, %min3A_543 : vector<16xi32>
        %min3A_545 = arith.minsi %max3A_518, %min3A_543 : vector<16xi32>
        %max3A_546 = arith.maxsi %max3A_520, %min3A_545 : vector<16xi32>
        %min3A_547 = arith.minsi %max3A_520, %min3A_545 : vector<16xi32>
        %max3A_548 = arith.maxsi %max3A_522, %min3A_547 : vector<16xi32>
        %min3A_549 = arith.minsi %max3A_522, %min3A_547 : vector<16xi32>
        %max3A_550 = arith.maxsi %max3A_524, %min3A_549 : vector<16xi32>
        %min3A_551 = arith.minsi %max3A_524, %min3A_549 : vector<16xi32>
        %broadcast_in_dim3A_552 = arith.constant 20 : i32
        %broadcast_in_dim3A_553 = vector.broadcast %broadcast_in_dim3A_552 : i32 to vector<16xi32>
        %gather3A_554 = tpu.vector_load_idx %arg5[%add3A_22, %broadcast_in_dim3A_553] : memref<128x64xf32, #tpu.memory_space<vmem>>[vector<16xi32>, vector<16xi32>], vector<16xf32>,
        %bitcast3A_555 = vector.bitcast %gather3A_554 : vector<16xf32> to vector<16xi32>
        %and3A_556 = arith.constant -64 : i32
        %and3A_557 = vector.broadcast %and3A_556 : i32 to vector<16xi32>
        %and3A_558 = arith.andi %bitcast3A_555, %and3A_557 : vector<16xi32>
        %or3A_559 = arith.constant 43 : i32
        %or3A_560 = vector.broadcast %or3A_559 : i32 to vector<16xi32>
        %or3A_561 = arith.ori %and3A_558, %or3A_560 : vector<16xi32>
        %max3A_562 = arith.maxsi %max3A_536, %or3A_561 : vector<16xi32>
        %min3A_563 = arith.minsi %max3A_536, %or3A_561 : vector<16xi32>
        %max3A_564 = arith.maxsi %max3A_538, %min3A_563 : vector<16xi32>
        %min3A_565 = arith.minsi %max3A_538, %min3A_563 : vector<16xi32>
        %max3A_566 = arith.maxsi %max3A_540, %min3A_565 : vector<16xi32>
        %min3A_567 = arith.minsi %max3A_540, %min3A_565 : vector<16xi32>
        %max3A_568 = arith.maxsi %max3A_542, %min3A_567 : vector<16xi32>
        %min3A_569 = arith.minsi %max3A_542, %min3A_567 : vector<16xi32>
        %max3A_570 = arith.maxsi %max3A_544, %min3A_569 : vector<16xi32>
        %min3A_571 = arith.minsi %max3A_544, %min3A_569 : vector<16xi32>
        %max3A_572 = arith.maxsi %max3A_546, %min3A_571 : vector<16xi32>
        %min3A_573 = arith.minsi %max3A_546, %min3A_571 : vector<16xi32>
        %max3A_574 = arith.maxsi %max3A_548, %min3A_573 : vector<16xi32>
        %min3A_575 = arith.minsi %max3A_548, %min3A_573 : vector<16xi32>
        %max3A_576 = arith.maxsi %max3A_550, %min3A_575 : vector<16xi32>
        %min3A_577 = arith.minsi %max3A_550, %min3A_575 : vector<16xi32>
        %broadcast_in_dim3A_578 = arith.constant 21 : i32
        %broadcast_in_dim3A_579 = vector.broadcast %broadcast_in_dim3A_578 : i32 to vector<16xi32>
        %gather3A_580 = tpu.vector_load_idx %arg5[%add3A_22, %broadcast_in_dim3A_579] : memref<128x64xf32, #tpu.memory_space<vmem>>[vector<16xi32>, vector<16xi32>], vector<16xf32>,
        %bitcast3A_581 = vector.bitcast %gather3A_580 : vector<16xf32> to vector<16xi32>
        %and3A_582 = arith.constant -64 : i32
        %and3A_583 = vector.broadcast %and3A_582 : i32 to vector<16xi32>
        %and3A_584 = arith.andi %bitcast3A_581, %and3A_583 : vector<16xi32>
        %or3A_585 = arith.constant 42 : i32
        %or3A_586 = vector.broadcast %or3A_585 : i32 to vector<16xi32>
        %or3A_587 = arith.ori %and3A_584, %or3A_586 : vector<16xi32>
        %max3A_588 = arith.maxsi %max3A_562, %or3A_587 : vector<16xi32>
        %min3A_589 = arith.minsi %max3A_562, %or3A_587 : vector<16xi32>
        %max3A_590 = arith.maxsi %max3A_564, %min3A_589 : vector<16xi32>
        %min3A_591 = arith.minsi %max3A_564, %min3A_589 : vector<16xi32>
        %max3A_592 = arith.maxsi %max3A_566, %min3A_591 : vector<16xi32>
        %min3A_593 = arith.minsi %max3A_566, %min3A_591 : vector<16xi32>
        %max3A_594 = arith.maxsi %max3A_568, %min3A_593 : vector<16xi32>
        %min3A_595 = arith.minsi %max3A_568, %min3A_593 : vector<16xi32>
        %max3A_596 = arith.maxsi %max3A_570, %min3A_595 : vector<16xi32>
        %min3A_597 = arith.minsi %max3A_570, %min3A_595 : vector<16xi32>
        %max3A_598 = arith.maxsi %max3A_572, %min3A_597 : vector<16xi32>
        %min3A_599 = arith.minsi %max3A_572, %min3A_597 : vector<16xi32>
        %max3A_600 = arith.maxsi %max3A_574, %min3A_599 : vector<16xi32>
        %min3A_601 = arith.minsi %max3A_574, %min3A_599 : vector<16xi32>
        %max3A_602 = arith.maxsi %max3A_576, %min3A_601 : vector<16xi32>
        %min3A_603 = arith.minsi %max3A_576, %min3A_601 : vector<16xi32>
        %broadcast_in_dim3A_604 = arith.constant 22 : i32
        %broadcast_in_dim3A_605 = vector.broadcast %broadcast_in_dim3A_604 : i32 to vector<16xi32>
        %gather3A_606 = tpu.vector_load_idx %arg5[%add3A_22, %broadcast_in_dim3A_605] : memref<128x64xf32, #tpu.memory_space<vmem>>[vector<16xi32>, vector<16xi32>], vector<16xf32>,
        %bitcast3A_607 = vector.bitcast %gather3A_606 : vector<16xf32> to vector<16xi32>
        %and3A_608 = arith.constant -64 : i32
        %and3A_609 = vector.broadcast %and3A_608 : i32 to vector<16xi32>
        %and3A_610 = arith.andi %bitcast3A_607, %and3A_609 : vector<16xi32>
        %or3A_611 = arith.constant 41 : i32
        %or3A_612 = vector.broadcast %or3A_611 : i32 to vector<16xi32>
        %or3A_613 = arith.ori %and3A_610, %or3A_612 : vector<16xi32>
        %max3A_614 = arith.maxsi %max3A_588, %or3A_613 : vector<16xi32>
        %min3A_615 = arith.minsi %max3A_588, %or3A_613 : vector<16xi32>
        %max3A_616 = arith.maxsi %max3A_590, %min3A_615 : vector<16xi32>
        %min3A_617 = arith.minsi %max3A_590, %min3A_615 : vector<16xi32>
        %max3A_618 = arith.maxsi %max3A_592, %min3A_617 : vector<16xi32>
        %min3A_619 = arith.minsi %max3A_592, %min3A_617 : vector<16xi32>
        %max3A_620 = arith.maxsi %max3A_594, %min3A_619 : vector<16xi32>
        %min3A_621 = arith.minsi %max3A_594, %min3A_619 : vector<16xi32>
        %max3A_622 = arith.maxsi %max3A_596, %min3A_621 : vector<16xi32>
        %min3A_623 = arith.minsi %max3A_596, %min3A_621 : vector<16xi32>
        %max3A_624 = arith.maxsi %max3A_598, %min3A_623 : vector<16xi32>
        %min3A_625 = arith.minsi %max3A_598, %min3A_623 : vector<16xi32>
        %max3A_626 = arith.maxsi %max3A_600, %min3A_625 : vector<16xi32>
        %min3A_627 = arith.minsi %max3A_600, %min3A_625 : vector<16xi32>
        %max3A_628 = arith.maxsi %max3A_602, %min3A_627 : vector<16xi32>
        %min3A_629 = arith.minsi %max3A_602, %min3A_627 : vector<16xi32>
        %broadcast_in_dim3A_630 = arith.constant 23 : i32
        %broadcast_in_dim3A_631 = vector.broadcast %broadcast_in_dim3A_630 : i32 to vector<16xi32>
        %gather3A_632 = tpu.vector_load_idx %arg5[%add3A_22, %broadcast_in_dim3A_631] : memref<128x64xf32, #tpu.memory_space<vmem>>[vector<16xi32>, vector<16xi32>], vector<16xf32>,
        %bitcast3A_633 = vector.bitcast %gather3A_632 : vector<16xf32> to vector<16xi32>
        %and3A_634 = arith.constant -64 : i32
        %and3A_635 = vector.broadcast %and3A_634 : i32 to vector<16xi32>
        %and3A_636 = arith.andi %bitcast3A_633, %and3A_635 : vector<16xi32>
        %or3A_637 = arith.constant 40 : i32
        %or3A_638 = vector.broadcast %or3A_637 : i32 to vector<16xi32>
        %or3A_639 = arith.ori %and3A_636, %or3A_638 : vector<16xi32>
        %max3A_640 = arith.maxsi %max3A_614, %or3A_639 : vector<16xi32>
        %min3A_641 = arith.minsi %max3A_614, %or3A_639 : vector<16xi32>
        %max3A_642 = arith.maxsi %max3A_616, %min3A_641 : vector<16xi32>
        %min3A_643 = arith.minsi %max3A_616, %min3A_641 : vector<16xi32>
        %max3A_644 = arith.maxsi %max3A_618, %min3A_643 : vector<16xi32>
        %min3A_645 = arith.minsi %max3A_618, %min3A_643 : vector<16xi32>
        %max3A_646 = arith.maxsi %max3A_620, %min3A_645 : vector<16xi32>
        %min3A_647 = arith.minsi %max3A_620, %min3A_645 : vector<16xi32>
        %max3A_648 = arith.maxsi %max3A_622, %min3A_647 : vector<16xi32>
        %min3A_649 = arith.minsi %max3A_622, %min3A_647 : vector<16xi32>
        %max3A_650 = arith.maxsi %max3A_624, %min3A_649 : vector<16xi32>
        %min3A_651 = arith.minsi %max3A_624, %min3A_649 : vector<16xi32>
        %max3A_652 = arith.maxsi %max3A_626, %min3A_651 : vector<16xi32>
        %min3A_653 = arith.minsi %max3A_626, %min3A_651 : vector<16xi32>
        %max3A_654 = arith.maxsi %max3A_628, %min3A_653 : vector<16xi32>
        %min3A_655 = arith.minsi %max3A_628, %min3A_653 : vector<16xi32>
        %broadcast_in_dim3A_656 = arith.constant 24 : i32
        %broadcast_in_dim3A_657 = vector.broadcast %broadcast_in_dim3A_656 : i32 to vector<16xi32>
        %gather3A_658 = tpu.vector_load_idx %arg5[%add3A_22, %broadcast_in_dim3A_657] : memref<128x64xf32, #tpu.memory_space<vmem>>[vector<16xi32>, vector<16xi32>], vector<16xf32>,
        %bitcast3A_659 = vector.bitcast %gather3A_658 : vector<16xf32> to vector<16xi32>
        %and3A_660 = arith.constant -64 : i32
        %and3A_661 = vector.broadcast %and3A_660 : i32 to vector<16xi32>
        %and3A_662 = arith.andi %bitcast3A_659, %and3A_661 : vector<16xi32>
        %or3A_663 = arith.constant 39 : i32
        %or3A_664 = vector.broadcast %or3A_663 : i32 to vector<16xi32>
        %or3A_665 = arith.ori %and3A_662, %or3A_664 : vector<16xi32>
        %max3A_666 = arith.maxsi %max3A_640, %or3A_665 : vector<16xi32>
        %min3A_667 = arith.minsi %max3A_640, %or3A_665 : vector<16xi32>
        %max3A_668 = arith.maxsi %max3A_642, %min3A_667 : vector<16xi32>
        %min3A_669 = arith.minsi %max3A_642, %min3A_667 : vector<16xi32>
        %max3A_670 = arith.maxsi %max3A_644, %min3A_669 : vector<16xi32>
        %min3A_671 = arith.minsi %max3A_644, %min3A_669 : vector<16xi32>
        %max3A_672 = arith.maxsi %max3A_646, %min3A_671 : vector<16xi32>
        %min3A_673 = arith.minsi %max3A_646, %min3A_671 : vector<16xi32>
        %max3A_674 = arith.maxsi %max3A_648, %min3A_673 : vector<16xi32>
        %min3A_675 = arith.minsi %max3A_648, %min3A_673 : vector<16xi32>
        %max3A_676 = arith.maxsi %max3A_650, %min3A_675 : vector<16xi32>
        %min3A_677 = arith.minsi %max3A_650, %min3A_675 : vector<16xi32>
        %max3A_678 = arith.maxsi %max3A_652, %min3A_677 : vector<16xi32>
        %min3A_679 = arith.minsi %max3A_652, %min3A_677 : vector<16xi32>
        %max3A_680 = arith.maxsi %max3A_654, %min3A_679 : vector<16xi32>
        %min3A_681 = arith.minsi %max3A_654, %min3A_679 : vector<16xi32>
        %broadcast_in_dim3A_682 = arith.constant 25 : i32
        %broadcast_in_dim3A_683 = vector.broadcast %broadcast_in_dim3A_682 : i32 to vector<16xi32>
        %gather3A_684 = tpu.vector_load_idx %arg5[%add3A_22, %broadcast_in_dim3A_683] : memref<128x64xf32, #tpu.memory_space<vmem>>[vector<16xi32>, vector<16xi32>], vector<16xf32>,
        %bitcast3A_685 = vector.bitcast %gather3A_684 : vector<16xf32> to vector<16xi32>
        %and3A_686 = arith.constant -64 : i32
        %and3A_687 = vector.broadcast %and3A_686 : i32 to vector<16xi32>
        %and3A_688 = arith.andi %bitcast3A_685, %and3A_687 : vector<16xi32>
        %or3A_689 = arith.constant 38 : i32
        %or3A_690 = vector.broadcast %or3A_689 : i32 to vector<16xi32>
        %or3A_691 = arith.ori %and3A_688, %or3A_690 : vector<16xi32>
        %max3A_692 = arith.maxsi %max3A_666, %or3A_691 : vector<16xi32>
        %min3A_693 = arith.minsi %max3A_666, %or3A_691 : vector<16xi32>
        %max3A_694 = arith.maxsi %max3A_668, %min3A_693 : vector<16xi32>
        %min3A_695 = arith.minsi %max3A_668, %min3A_693 : vector<16xi32>
        %max3A_696 = arith.maxsi %max3A_670, %min3A_695 : vector<16xi32>
        %min3A_697 = arith.minsi %max3A_670, %min3A_695 : vector<16xi32>
        %max3A_698 = arith.maxsi %max3A_672, %min3A_697 : vector<16xi32>
        %min3A_699 = arith.minsi %max3A_672, %min3A_697 : vector<16xi32>
        %max3A_700 = arith.maxsi %max3A_674, %min3A_699 : vector<16xi32>
        %min3A_701 = arith.minsi %max3A_674, %min3A_699 : vector<16xi32>
        %max3A_702 = arith.maxsi %max3A_676, %min3A_701 : vector<16xi32>
        %min3A_703 = arith.minsi %max3A_676, %min3A_701 : vector<16xi32>
        %max3A_704 = arith.maxsi %max3A_678, %min3A_703 : vector<16xi32>
        %min3A_705 = arith.minsi %max3A_678, %min3A_703 : vector<16xi32>
        %max3A_706 = arith.maxsi %max3A_680, %min3A_705 : vector<16xi32>
        %min3A_707 = arith.minsi %max3A_680, %min3A_705 : vector<16xi32>
        %broadcast_in_dim3A_708 = arith.constant 26 : i32
        %broadcast_in_dim3A_709 = vector.broadcast %broadcast_in_dim3A_708 : i32 to vector<16xi32>
        %gather3A_710 = tpu.vector_load_idx %arg5[%add3A_22, %broadcast_in_dim3A_709] : memref<128x64xf32, #tpu.memory_space<vmem>>[vector<16xi32>, vector<16xi32>], vector<16xf32>,
        %bitcast3A_711 = vector.bitcast %gather3A_710 : vector<16xf32> to vector<16xi32>
        %and3A_712 = arith.constant -64 : i32
        %and3A_713 = vector.broadcast %and3A_712 : i32 to vector<16xi32>
        %and3A_714 = arith.andi %bitcast3A_711, %and3A_713 : vector<16xi32>
        %or3A_715 = arith.constant 37 : i32
        %or3A_716 = vector.broadcast %or3A_715 : i32 to vector<16xi32>
        %or3A_717 = arith.ori %and3A_714, %or3A_716 : vector<16xi32>
        %max3A_718 = arith.maxsi %max3A_692, %or3A_717 : vector<16xi32>
        %min3A_719 = arith.minsi %max3A_692, %or3A_717 : vector<16xi32>
        %max3A_720 = arith.maxsi %max3A_694, %min3A_719 : vector<16xi32>
        %min3A_721 = arith.minsi %max3A_694, %min3A_719 : vector<16xi32>
        %max3A_722 = arith.maxsi %max3A_696, %min3A_721 : vector<16xi32>
        %min3A_723 = arith.minsi %max3A_696, %min3A_721 : vector<16xi32>
        %max3A_724 = arith.maxsi %max3A_698, %min3A_723 : vector<16xi32>
        %min3A_725 = arith.minsi %max3A_698, %min3A_723 : vector<16xi32>
        %max3A_726 = arith.maxsi %max3A_700, %min3A_725 : vector<16xi32>
        %min3A_727 = arith.minsi %max3A_700, %min3A_725 : vector<16xi32>
        %max3A_728 = arith.maxsi %max3A_702, %min3A_727 : vector<16xi32>
        %min3A_729 = arith.minsi %max3A_702, %min3A_727 : vector<16xi32>
        %max3A_730 = arith.maxsi %max3A_704, %min3A_729 : vector<16xi32>
        %min3A_731 = arith.minsi %max3A_704, %min3A_729 : vector<16xi32>
        %max3A_732 = arith.maxsi %max3A_706, %min3A_731 : vector<16xi32>
        %min3A_733 = arith.minsi %max3A_706, %min3A_731 : vector<16xi32>
        %broadcast_in_dim3A_734 = arith.constant 27 : i32
        %broadcast_in_dim3A_735 = vector.broadcast %broadcast_in_dim3A_734 : i32 to vector<16xi32>
        %gather3A_736 = tpu.vector_load_idx %arg5[%add3A_22, %broadcast_in_dim3A_735] : memref<128x64xf32, #tpu.memory_space<vmem>>[vector<16xi32>, vector<16xi32>], vector<16xf32>,
        %bitcast3A_737 = vector.bitcast %gather3A_736 : vector<16xf32> to vector<16xi32>
        %and3A_738 = arith.constant -64 : i32
        %and3A_739 = vector.broadcast %and3A_738 : i32 to vector<16xi32>
        %and3A_740 = arith.andi %bitcast3A_737, %and3A_739 : vector<16xi32>
        %or3A_741 = arith.constant 36 : i32
        %or3A_742 = vector.broadcast %or3A_741 : i32 to vector<16xi32>
        %or3A_743 = arith.ori %and3A_740, %or3A_742 : vector<16xi32>
        %max3A_744 = arith.maxsi %max3A_718, %or3A_743 : vector<16xi32>
        %min3A_745 = arith.minsi %max3A_718, %or3A_743 : vector<16xi32>
        %max3A_746 = arith.maxsi %max3A_720, %min3A_745 : vector<16xi32>
        %min3A_747 = arith.minsi %max3A_720, %min3A_745 : vector<16xi32>
        %max3A_748 = arith.maxsi %max3A_722, %min3A_747 : vector<16xi32>
        %min3A_749 = arith.minsi %max3A_722, %min3A_747 : vector<16xi32>
        %max3A_750 = arith.maxsi %max3A_724, %min3A_749 : vector<16xi32>
        %min3A_751 = arith.minsi %max3A_724, %min3A_749 : vector<16xi32>
        %max3A_752 = arith.maxsi %max3A_726, %min3A_751 : vector<16xi32>
        %min3A_753 = arith.minsi %max3A_726, %min3A_751 : vector<16xi32>
        %max3A_754 = arith.maxsi %max3A_728, %min3A_753 : vector<16xi32>
        %min3A_755 = arith.minsi %max3A_728, %min3A_753 : vector<16xi32>
        %max3A_756 = arith.maxsi %max3A_730, %min3A_755 : vector<16xi32>
        %min3A_757 = arith.minsi %max3A_730, %min3A_755 : vector<16xi32>
        %max3A_758 = arith.maxsi %max3A_732, %min3A_757 : vector<16xi32>
        %min3A_759 = arith.minsi %max3A_732, %min3A_757 : vector<16xi32>
        %broadcast_in_dim3A_760 = arith.constant 28 : i32
        %broadcast_in_dim3A_761 = vector.broadcast %broadcast_in_dim3A_760 : i32 to vector<16xi32>
        %gather3A_762 = tpu.vector_load_idx %arg5[%add3A_22, %broadcast_in_dim3A_761] : memref<128x64xf32, #tpu.memory_space<vmem>>[vector<16xi32>, vector<16xi32>], vector<16xf32>,
        %bitcast3A_763 = vector.bitcast %gather3A_762 : vector<16xf32> to vector<16xi32>
        %and3A_764 = arith.constant -64 : i32
        %and3A_765 = vector.broadcast %and3A_764 : i32 to vector<16xi32>
        %and3A_766 = arith.andi %bitcast3A_763, %and3A_765 : vector<16xi32>
        %or3A_767 = arith.constant 35 : i32
        %or3A_768 = vector.broadcast %or3A_767 : i32 to vector<16xi32>
        %or3A_769 = arith.ori %and3A_766, %or3A_768 : vector<16xi32>
        %max3A_770 = arith.maxsi %max3A_744, %or3A_769 : vector<16xi32>
        %min3A_771 = arith.minsi %max3A_744, %or3A_769 : vector<16xi32>
        %max3A_772 = arith.maxsi %max3A_746, %min3A_771 : vector<16xi32>
        %min3A_773 = arith.minsi %max3A_746, %min3A_771 : vector<16xi32>
        %max3A_774 = arith.maxsi %max3A_748, %min3A_773 : vector<16xi32>
        %min3A_775 = arith.minsi %max3A_748, %min3A_773 : vector<16xi32>
        %max3A_776 = arith.maxsi %max3A_750, %min3A_775 : vector<16xi32>
        %min3A_777 = arith.minsi %max3A_750, %min3A_775 : vector<16xi32>
        %max3A_778 = arith.maxsi %max3A_752, %min3A_777 : vector<16xi32>
        %min3A_779 = arith.minsi %max3A_752, %min3A_777 : vector<16xi32>
        %max3A_780 = arith.maxsi %max3A_754, %min3A_779 : vector<16xi32>
        %min3A_781 = arith.minsi %max3A_754, %min3A_779 : vector<16xi32>
        %max3A_782 = arith.maxsi %max3A_756, %min3A_781 : vector<16xi32>
        %min3A_783 = arith.minsi %max3A_756, %min3A_781 : vector<16xi32>
        %max3A_784 = arith.maxsi %max3A_758, %min3A_783 : vector<16xi32>
        %min3A_785 = arith.minsi %max3A_758, %min3A_783 : vector<16xi32>
        %broadcast_in_dim3A_786 = arith.constant 29 : i32
        %broadcast_in_dim3A_787 = vector.broadcast %broadcast_in_dim3A_786 : i32 to vector<16xi32>
        %gather3A_788 = tpu.vector_load_idx %arg5[%add3A_22, %broadcast_in_dim3A_787] : memref<128x64xf32, #tpu.memory_space<vmem>>[vector<16xi32>, vector<16xi32>], vector<16xf32>,
        %bitcast3A_789 = vector.bitcast %gather3A_788 : vector<16xf32> to vector<16xi32>
        %and3A_790 = arith.constant -64 : i32
        %and3A_791 = vector.broadcast %and3A_790 : i32 to vector<16xi32>
        %and3A_792 = arith.andi %bitcast3A_789, %and3A_791 : vector<16xi32>
        %or3A_793 = arith.constant 34 : i32
        %or3A_794 = vector.broadcast %or3A_793 : i32 to vector<16xi32>
        %or3A_795 = arith.ori %and3A_792, %or3A_794 : vector<16xi32>
        %max3A_796 = arith.maxsi %max3A_770, %or3A_795 : vector<16xi32>
        %min3A_797 = arith.minsi %max3A_770, %or3A_795 : vector<16xi32>
        %max3A_798 = arith.maxsi %max3A_772, %min3A_797 : vector<16xi32>
        %min3A_799 = arith.minsi %max3A_772, %min3A_797 : vector<16xi32>
        %max3A_800 = arith.maxsi %max3A_774, %min3A_799 : vector<16xi32>
        %min3A_801 = arith.minsi %max3A_774, %min3A_799 : vector<16xi32>
        %max3A_802 = arith.maxsi %max3A_776, %min3A_801 : vector<16xi32>
        %min3A_803 = arith.minsi %max3A_776, %min3A_801 : vector<16xi32>
        %max3A_804 = arith.maxsi %max3A_778, %min3A_803 : vector<16xi32>
        %min3A_805 = arith.minsi %max3A_778, %min3A_803 : vector<16xi32>
        %max3A_806 = arith.maxsi %max3A_780, %min3A_805 : vector<16xi32>
        %min3A_807 = arith.minsi %max3A_780, %min3A_805 : vector<16xi32>
        %max3A_808 = arith.maxsi %max3A_782, %min3A_807 : vector<16xi32>
        %min3A_809 = arith.minsi %max3A_782, %min3A_807 : vector<16xi32>
        %max3A_810 = arith.maxsi %max3A_784, %min3A_809 : vector<16xi32>
        %min3A_811 = arith.minsi %max3A_784, %min3A_809 : vector<16xi32>
        %broadcast_in_dim3A_812 = arith.constant 30 : i32
        %broadcast_in_dim3A_813 = vector.broadcast %broadcast_in_dim3A_812 : i32 to vector<16xi32>
        %gather3A_814 = tpu.vector_load_idx %arg5[%add3A_22, %broadcast_in_dim3A_813] : memref<128x64xf32, #tpu.memory_space<vmem>>[vector<16xi32>, vector<16xi32>], vector<16xf32>,
        %bitcast3A_815 = vector.bitcast %gather3A_814 : vector<16xf32> to vector<16xi32>
        %and3A_816 = arith.constant -64 : i32
        %and3A_817 = vector.broadcast %and3A_816 : i32 to vector<16xi32>
        %and3A_818 = arith.andi %bitcast3A_815, %and3A_817 : vector<16xi32>
        %or3A_819 = arith.constant 33 : i32
        %or3A_820 = vector.broadcast %or3A_819 : i32 to vector<16xi32>
        %or3A_821 = arith.ori %and3A_818, %or3A_820 : vector<16xi32>
        %max3A_822 = arith.maxsi %max3A_796, %or3A_821 : vector<16xi32>
        %min3A_823 = arith.minsi %max3A_796, %or3A_821 : vector<16xi32>
        %max3A_824 = arith.maxsi %max3A_798, %min3A_823 : vector<16xi32>
        %min3A_825 = arith.minsi %max3A_798, %min3A_823 : vector<16xi32>
        %max3A_826 = arith.maxsi %max3A_800, %min3A_825 : vector<16xi32>
        %min3A_827 = arith.minsi %max3A_800, %min3A_825 : vector<16xi32>
        %max3A_828 = arith.maxsi %max3A_802, %min3A_827 : vector<16xi32>
        %min3A_829 = arith.minsi %max3A_802, %min3A_827 : vector<16xi32>
        %max3A_830 = arith.maxsi %max3A_804, %min3A_829 : vector<16xi32>
        %min3A_831 = arith.minsi %max3A_804, %min3A_829 : vector<16xi32>
        %max3A_832 = arith.maxsi %max3A_806, %min3A_831 : vector<16xi32>
        %min3A_833 = arith.minsi %max3A_806, %min3A_831 : vector<16xi32>
        %max3A_834 = arith.maxsi %max3A_808, %min3A_833 : vector<16xi32>
        %min3A_835 = arith.minsi %max3A_808, %min3A_833 : vector<16xi32>
        %max3A_836 = arith.maxsi %max3A_810, %min3A_835 : vector<16xi32>
        %min3A_837 = arith.minsi %max3A_810, %min3A_835 : vector<16xi32>
        %broadcast_in_dim3A_838 = arith.constant 31 : i32
        %broadcast_in_dim3A_839 = vector.broadcast %broadcast_in_dim3A_838 : i32 to vector<16xi32>
        %gather3A_840 = tpu.vector_load_idx %arg5[%add3A_22, %broadcast_in_dim3A_839] : memref<128x64xf32, #tpu.memory_space<vmem>>[vector<16xi32>, vector<16xi32>], vector<16xf32>,
        %bitcast3A_841 = vector.bitcast %gather3A_840 : vector<16xf32> to vector<16xi32>
        %and3A_842 = arith.constant -64 : i32
        %and3A_843 = vector.broadcast %and3A_842 : i32 to vector<16xi32>
        %and3A_844 = arith.andi %bitcast3A_841, %and3A_843 : vector<16xi32>
        %or3A_845 = arith.constant 32 : i32
        %or3A_846 = vector.broadcast %or3A_845 : i32 to vector<16xi32>
        %or3A_847 = arith.ori %and3A_844, %or3A_846 : vector<16xi32>
        %max3A_848 = arith.maxsi %max3A_822, %or3A_847 : vector<16xi32>
        %min3A_849 = arith.minsi %max3A_822, %or3A_847 : vector<16xi32>
        %max3A_850 = arith.maxsi %max3A_824, %min3A_849 : vector<16xi32>
        %min3A_851 = arith.minsi %max3A_824, %min3A_849 : vector<16xi32>
        %max3A_852 = arith.maxsi %max3A_826, %min3A_851 : vector<16xi32>
        %min3A_853 = arith.minsi %max3A_826, %min3A_851 : vector<16xi32>
        %max3A_854 = arith.maxsi %max3A_828, %min3A_853 : vector<16xi32>
        %min3A_855 = arith.minsi %max3A_828, %min3A_853 : vector<16xi32>
        %max3A_856 = arith.maxsi %max3A_830, %min3A_855 : vector<16xi32>
        %min3A_857 = arith.minsi %max3A_830, %min3A_855 : vector<16xi32>
        %max3A_858 = arith.maxsi %max3A_832, %min3A_857 : vector<16xi32>
        %min3A_859 = arith.minsi %max3A_832, %min3A_857 : vector<16xi32>
        %max3A_860 = arith.maxsi %max3A_834, %min3A_859 : vector<16xi32>
        %min3A_861 = arith.minsi %max3A_834, %min3A_859 : vector<16xi32>
        %max3A_862 = arith.maxsi %max3A_836, %min3A_861 : vector<16xi32>
        %min3A_863 = arith.minsi %max3A_836, %min3A_861 : vector<16xi32>
        %broadcast_in_dim3A_864 = arith.constant 32 : i32
        %broadcast_in_dim3A_865 = vector.broadcast %broadcast_in_dim3A_864 : i32 to vector<16xi32>
        %gather3A_866 = tpu.vector_load_idx %arg5[%add3A_22, %broadcast_in_dim3A_865] : memref<128x64xf32, #tpu.memory_space<vmem>>[vector<16xi32>, vector<16xi32>], vector<16xf32>,
        %bitcast3A_867 = vector.bitcast %gather3A_866 : vector<16xf32> to vector<16xi32>
        %and3A_868 = arith.constant -64 : i32
        %and3A_869 = vector.broadcast %and3A_868 : i32 to vector<16xi32>
        %and3A_870 = arith.andi %bitcast3A_867, %and3A_869 : vector<16xi32>
        %or3A_871 = arith.constant 31 : i32
        %or3A_872 = vector.broadcast %or3A_871 : i32 to vector<16xi32>
        %or3A_873 = arith.ori %and3A_870, %or3A_872 : vector<16xi32>
        %max3A_874 = arith.maxsi %max3A_848, %or3A_873 : vector<16xi32>
        %min3A_875 = arith.minsi %max3A_848, %or3A_873 : vector<16xi32>
        %max3A_876 = arith.maxsi %max3A_850, %min3A_875 : vector<16xi32>
        %min3A_877 = arith.minsi %max3A_850, %min3A_875 : vector<16xi32>
        %max3A_878 = arith.maxsi %max3A_852, %min3A_877 : vector<16xi32>
        %min3A_879 = arith.minsi %max3A_852, %min3A_877 : vector<16xi32>
        %max3A_880 = arith.maxsi %max3A_854, %min3A_879 : vector<16xi32>
        %min3A_881 = arith.minsi %max3A_854, %min3A_879 : vector<16xi32>
        %max3A_882 = arith.maxsi %max3A_856, %min3A_881 : vector<16xi32>
        %min3A_883 = arith.minsi %max3A_856, %min3A_881 : vector<16xi32>
        %max3A_884 = arith.maxsi %max3A_858, %min3A_883 : vector<16xi32>
        %min3A_885 = arith.minsi %max3A_858, %min3A_883 : vector<16xi32>
        %max3A_886 = arith.maxsi %max3A_860, %min3A_885 : vector<16xi32>
        %min3A_887 = arith.minsi %max3A_860, %min3A_885 : vector<16xi32>
        %max3A_888 = arith.maxsi %max3A_862, %min3A_887 : vector<16xi32>
        %min3A_889 = arith.minsi %max3A_862, %min3A_887 : vector<16xi32>
        %broadcast_in_dim3A_890 = arith.constant 33 : i32
        %broadcast_in_dim3A_891 = vector.broadcast %broadcast_in_dim3A_890 : i32 to vector<16xi32>
        %gather3A_892 = tpu.vector_load_idx %arg5[%add3A_22, %broadcast_in_dim3A_891] : memref<128x64xf32, #tpu.memory_space<vmem>>[vector<16xi32>, vector<16xi32>], vector<16xf32>,
        %bitcast3A_893 = vector.bitcast %gather3A_892 : vector<16xf32> to vector<16xi32>
        %and3A_894 = arith.constant -64 : i32
        %and3A_895 = vector.broadcast %and3A_894 : i32 to vector<16xi32>
        %and3A_896 = arith.andi %bitcast3A_893, %and3A_895 : vector<16xi32>
        %or3A_897 = arith.constant 30 : i32
        %or3A_898 = vector.broadcast %or3A_897 : i32 to vector<16xi32>
        %or3A_899 = arith.ori %and3A_896, %or3A_898 : vector<16xi32>
        %max3A_900 = arith.maxsi %max3A_874, %or3A_899 : vector<16xi32>
        %min3A_901 = arith.minsi %max3A_874, %or3A_899 : vector<16xi32>
        %max3A_902 = arith.maxsi %max3A_876, %min3A_901 : vector<16xi32>
        %min3A_903 = arith.minsi %max3A_876, %min3A_901 : vector<16xi32>
        %max3A_904 = arith.maxsi %max3A_878, %min3A_903 : vector<16xi32>
        %min3A_905 = arith.minsi %max3A_878, %min3A_903 : vector<16xi32>
        %max3A_906 = arith.maxsi %max3A_880, %min3A_905 : vector<16xi32>
        %min3A_907 = arith.minsi %max3A_880, %min3A_905 : vector<16xi32>
        %max3A_908 = arith.maxsi %max3A_882, %min3A_907 : vector<16xi32>
        %min3A_909 = arith.minsi %max3A_882, %min3A_907 : vector<16xi32>
        %max3A_910 = arith.maxsi %max3A_884, %min3A_909 : vector<16xi32>
        %min3A_911 = arith.minsi %max3A_884, %min3A_909 : vector<16xi32>
        %max3A_912 = arith.maxsi %max3A_886, %min3A_911 : vector<16xi32>
        %min3A_913 = arith.minsi %max3A_886, %min3A_911 : vector<16xi32>
        %max3A_914 = arith.maxsi %max3A_888, %min3A_913 : vector<16xi32>
        %min3A_915 = arith.minsi %max3A_888, %min3A_913 : vector<16xi32>
        %broadcast_in_dim3A_916 = arith.constant 34 : i32
        %broadcast_in_dim3A_917 = vector.broadcast %broadcast_in_dim3A_916 : i32 to vector<16xi32>
        %gather3A_918 = tpu.vector_load_idx %arg5[%add3A_22, %broadcast_in_dim3A_917] : memref<128x64xf32, #tpu.memory_space<vmem>>[vector<16xi32>, vector<16xi32>], vector<16xf32>,
        %bitcast3A_919 = vector.bitcast %gather3A_918 : vector<16xf32> to vector<16xi32>
        %and3A_920 = arith.constant -64 : i32
        %and3A_921 = vector.broadcast %and3A_920 : i32 to vector<16xi32>
        %and3A_922 = arith.andi %bitcast3A_919, %and3A_921 : vector<16xi32>
        %or3A_923 = arith.constant 29 : i32
        %or3A_924 = vector.broadcast %or3A_923 : i32 to vector<16xi32>
        %or3A_925 = arith.ori %and3A_922, %or3A_924 : vector<16xi32>
        %max3A_926 = arith.maxsi %max3A_900, %or3A_925 : vector<16xi32>
        %min3A_927 = arith.minsi %max3A_900, %or3A_925 : vector<16xi32>
        %max3A_928 = arith.maxsi %max3A_902, %min3A_927 : vector<16xi32>
        %min3A_929 = arith.minsi %max3A_902, %min3A_927 : vector<16xi32>
        %max3A_930 = arith.maxsi %max3A_904, %min3A_929 : vector<16xi32>
        %min3A_931 = arith.minsi %max3A_904, %min3A_929 : vector<16xi32>
        %max3A_932 = arith.maxsi %max3A_906, %min3A_931 : vector<16xi32>
        %min3A_933 = arith.minsi %max3A_906, %min3A_931 : vector<16xi32>
        %max3A_934 = arith.maxsi %max3A_908, %min3A_933 : vector<16xi32>
        %min3A_935 = arith.minsi %max3A_908, %min3A_933 : vector<16xi32>
        %max3A_936 = arith.maxsi %max3A_910, %min3A_935 : vector<16xi32>
        %min3A_937 = arith.minsi %max3A_910, %min3A_935 : vector<16xi32>
        %max3A_938 = arith.maxsi %max3A_912, %min3A_937 : vector<16xi32>
        %min3A_939 = arith.minsi %max3A_912, %min3A_937 : vector<16xi32>
        %max3A_940 = arith.maxsi %max3A_914, %min3A_939 : vector<16xi32>
        %min3A_941 = arith.minsi %max3A_914, %min3A_939 : vector<16xi32>
        %broadcast_in_dim3A_942 = arith.constant 35 : i32
        %broadcast_in_dim3A_943 = vector.broadcast %broadcast_in_dim3A_942 : i32 to vector<16xi32>
        %gather3A_944 = tpu.vector_load_idx %arg5[%add3A_22, %broadcast_in_dim3A_943] : memref<128x64xf32, #tpu.memory_space<vmem>>[vector<16xi32>, vector<16xi32>], vector<16xf32>,
        %bitcast3A_945 = vector.bitcast %gather3A_944 : vector<16xf32> to vector<16xi32>
        %and3A_946 = arith.constant -64 : i32
        %and3A_947 = vector.broadcast %and3A_946 : i32 to vector<16xi32>
        %and3A_948 = arith.andi %bitcast3A_945, %and3A_947 : vector<16xi32>
        %or3A_949 = arith.constant 28 : i32
        %or3A_950 = vector.broadcast %or3A_949 : i32 to vector<16xi32>
        %or3A_951 = arith.ori %and3A_948, %or3A_950 : vector<16xi32>
        %max3A_952 = arith.maxsi %max3A_926, %or3A_951 : vector<16xi32>
        %min3A_953 = arith.minsi %max3A_926, %or3A_951 : vector<16xi32>
        %max3A_954 = arith.maxsi %max3A_928, %min3A_953 : vector<16xi32>
        %min3A_955 = arith.minsi %max3A_928, %min3A_953 : vector<16xi32>
        %max3A_956 = arith.maxsi %max3A_930, %min3A_955 : vector<16xi32>
        %min3A_957 = arith.minsi %max3A_930, %min3A_955 : vector<16xi32>
        %max3A_958 = arith.maxsi %max3A_932, %min3A_957 : vector<16xi32>
        %min3A_959 = arith.minsi %max3A_932, %min3A_957 : vector<16xi32>
        %max3A_960 = arith.maxsi %max3A_934, %min3A_959 : vector<16xi32>
        %min3A_961 = arith.minsi %max3A_934, %min3A_959 : vector<16xi32>
        %max3A_962 = arith.maxsi %max3A_936, %min3A_961 : vector<16xi32>
        %min3A_963 = arith.minsi %max3A_936, %min3A_961 : vector<16xi32>
        %max3A_964 = arith.maxsi %max3A_938, %min3A_963 : vector<16xi32>
        %min3A_965 = arith.minsi %max3A_938, %min3A_963 : vector<16xi32>
        %max3A_966 = arith.maxsi %max3A_940, %min3A_965 : vector<16xi32>
        %min3A_967 = arith.minsi %max3A_940, %min3A_965 : vector<16xi32>
        %broadcast_in_dim3A_968 = arith.constant 36 : i32
        %broadcast_in_dim3A_969 = vector.broadcast %broadcast_in_dim3A_968 : i32 to vector<16xi32>
        %gather3A_970 = tpu.vector_load_idx %arg5[%add3A_22, %broadcast_in_dim3A_969] : memref<128x64xf32, #tpu.memory_space<vmem>>[vector<16xi32>, vector<16xi32>], vector<16xf32>,
        %bitcast3A_971 = vector.bitcast %gather3A_970 : vector<16xf32> to vector<16xi32>
        %and3A_972 = arith.constant -64 : i32
        %and3A_973 = vector.broadcast %and3A_972 : i32 to vector<16xi32>
        %and3A_974 = arith.andi %bitcast3A_971, %and3A_973 : vector<16xi32>
        %or3A_975 = arith.constant 27 : i32
        %or3A_976 = vector.broadcast %or3A_975 : i32 to vector<16xi32>
        %or3A_977 = arith.ori %and3A_974, %or3A_976 : vector<16xi32>
        %max3A_978 = arith.maxsi %max3A_952, %or3A_977 : vector<16xi32>
        %min3A_979 = arith.minsi %max3A_952, %or3A_977 : vector<16xi32>
        %max3A_980 = arith.maxsi %max3A_954, %min3A_979 : vector<16xi32>
        %min3A_981 = arith.minsi %max3A_954, %min3A_979 : vector<16xi32>
        %max3A_982 = arith.maxsi %max3A_956, %min3A_981 : vector<16xi32>
        %min3A_983 = arith.minsi %max3A_956, %min3A_981 : vector<16xi32>
        %max3A_984 = arith.maxsi %max3A_958, %min3A_983 : vector<16xi32>
        %min3A_985 = arith.minsi %max3A_958, %min3A_983 : vector<16xi32>
        %max3A_986 = arith.maxsi %max3A_960, %min3A_985 : vector<16xi32>
        %min3A_987 = arith.minsi %max3A_960, %min3A_985 : vector<16xi32>
        %max3A_988 = arith.maxsi %max3A_962, %min3A_987 : vector<16xi32>
        %min3A_989 = arith.minsi %max3A_962, %min3A_987 : vector<16xi32>
        %max3A_990 = arith.maxsi %max3A_964, %min3A_989 : vector<16xi32>
        %min3A_991 = arith.minsi %max3A_964, %min3A_989 : vector<16xi32>
        %max3A_992 = arith.maxsi %max3A_966, %min3A_991 : vector<16xi32>
        %min3A_993 = arith.minsi %max3A_966, %min3A_991 : vector<16xi32>
        %broadcast_in_dim3A_994 = arith.constant 37 : i32
        %broadcast_in_dim3A_995 = vector.broadcast %broadcast_in_dim3A_994 : i32 to vector<16xi32>
        %gather3A_996 = tpu.vector_load_idx %arg5[%add3A_22, %broadcast_in_dim3A_995] : memref<128x64xf32, #tpu.memory_space<vmem>>[vector<16xi32>, vector<16xi32>], vector<16xf32>,
        %bitcast3A_997 = vector.bitcast %gather3A_996 : vector<16xf32> to vector<16xi32>
        %and3A_998 = arith.constant -64 : i32
        %and3A_999 = vector.broadcast %and3A_998 : i32 to vector<16xi32>
        %and3A_1000 = arith.andi %bitcast3A_997, %and3A_999 : vector<16xi32>
        %or3A_1001 = arith.constant 26 : i32
        %or3A_1002 = vector.broadcast %or3A_1001 : i32 to vector<16xi32>
        %or3A_1003 = arith.ori %and3A_1000, %or3A_1002 : vector<16xi32>
        %max3A_1004 = arith.maxsi %max3A_978, %or3A_1003 : vector<16xi32>
        %min3A_1005 = arith.minsi %max3A_978, %or3A_1003 : vector<16xi32>
        %max3A_1006 = arith.maxsi %max3A_980, %min3A_1005 : vector<16xi32>
        %min3A_1007 = arith.minsi %max3A_980, %min3A_1005 : vector<16xi32>
        %max3A_1008 = arith.maxsi %max3A_982, %min3A_1007 : vector<16xi32>
        %min3A_1009 = arith.minsi %max3A_982, %min3A_1007 : vector<16xi32>
        %max3A_1010 = arith.maxsi %max3A_984, %min3A_1009 : vector<16xi32>
        %min3A_1011 = arith.minsi %max3A_984, %min3A_1009 : vector<16xi32>
        %max3A_1012 = arith.maxsi %max3A_986, %min3A_1011 : vector<16xi32>
        %min3A_1013 = arith.minsi %max3A_986, %min3A_1011 : vector<16xi32>
        %max3A_1014 = arith.maxsi %max3A_988, %min3A_1013 : vector<16xi32>
        %min3A_1015 = arith.minsi %max3A_988, %min3A_1013 : vector<16xi32>
        %max3A_1016 = arith.maxsi %max3A_990, %min3A_1015 : vector<16xi32>
        %min3A_1017 = arith.minsi %max3A_990, %min3A_1015 : vector<16xi32>
        %max3A_1018 = arith.maxsi %max3A_992, %min3A_1017 : vector<16xi32>
        %min3A_1019 = arith.minsi %max3A_992, %min3A_1017 : vector<16xi32>
        %broadcast_in_dim3A_1020 = arith.constant 38 : i32
        %broadcast_in_dim3A_1021 = vector.broadcast %broadcast_in_dim3A_1020 : i32 to vector<16xi32>
        %gather3A_1022 = tpu.vector_load_idx %arg5[%add3A_22, %broadcast_in_dim3A_1021] : memref<128x64xf32, #tpu.memory_space<vmem>>[vector<16xi32>, vector<16xi32>], vector<16xf32>,
        %bitcast3A_1023 = vector.bitcast %gather3A_1022 : vector<16xf32> to vector<16xi32>
        %and3A_1024 = arith.constant -64 : i32
        %and3A_1025 = vector.broadcast %and3A_1024 : i32 to vector<16xi32>
        %and3A_1026 = arith.andi %bitcast3A_1023, %and3A_1025 : vector<16xi32>
        %or3A_1027 = arith.constant 25 : i32
        %or3A_1028 = vector.broadcast %or3A_1027 : i32 to vector<16xi32>
        %or3A_1029 = arith.ori %and3A_1026, %or3A_1028 : vector<16xi32>
        %max3A_1030 = arith.maxsi %max3A_1004, %or3A_1029 : vector<16xi32>
        %min3A_1031 = arith.minsi %max3A_1004, %or3A_1029 : vector<16xi32>
        %max3A_1032 = arith.maxsi %max3A_1006, %min3A_1031 : vector<16xi32>
        %min3A_1033 = arith.minsi %max3A_1006, %min3A_1031 : vector<16xi32>
        %max3A_1034 = arith.maxsi %max3A_1008, %min3A_1033 : vector<16xi32>
        %min3A_1035 = arith.minsi %max3A_1008, %min3A_1033 : vector<16xi32>
        %max3A_1036 = arith.maxsi %max3A_1010, %min3A_1035 : vector<16xi32>
        %min3A_1037 = arith.minsi %max3A_1010, %min3A_1035 : vector<16xi32>
        %max3A_1038 = arith.maxsi %max3A_1012, %min3A_1037 : vector<16xi32>
        %min3A_1039 = arith.minsi %max3A_1012, %min3A_1037 : vector<16xi32>
        %max3A_1040 = arith.maxsi %max3A_1014, %min3A_1039 : vector<16xi32>
        %min3A_1041 = arith.minsi %max3A_1014, %min3A_1039 : vector<16xi32>
        %max3A_1042 = arith.maxsi %max3A_1016, %min3A_1041 : vector<16xi32>
        %min3A_1043 = arith.minsi %max3A_1016, %min3A_1041 : vector<16xi32>
        %max3A_1044 = arith.maxsi %max3A_1018, %min3A_1043 : vector<16xi32>
        %min3A_1045 = arith.minsi %max3A_1018, %min3A_1043 : vector<16xi32>
        %broadcast_in_dim3A_1046 = arith.constant 39 : i32
        %broadcast_in_dim3A_1047 = vector.broadcast %broadcast_in_dim3A_1046 : i32 to vector<16xi32>
        %gather3A_1048 = tpu.vector_load_idx %arg5[%add3A_22, %broadcast_in_dim3A_1047] : memref<128x64xf32, #tpu.memory_space<vmem>>[vector<16xi32>, vector<16xi32>], vector<16xf32>,
        %bitcast3A_1049 = vector.bitcast %gather3A_1048 : vector<16xf32> to vector<16xi32>
        %and3A_1050 = arith.constant -64 : i32
        %and3A_1051 = vector.broadcast %and3A_1050 : i32 to vector<16xi32>
        %and3A_1052 = arith.andi %bitcast3A_1049, %and3A_1051 : vector<16xi32>
        %or3A_1053 = arith.constant 24 : i32
        %or3A_1054 = vector.broadcast %or3A_1053 : i32 to vector<16xi32>
        %or3A_1055 = arith.ori %and3A_1052, %or3A_1054 : vector<16xi32>
        %max3A_1056 = arith.maxsi %max3A_1030, %or3A_1055 : vector<16xi32>
        %min3A_1057 = arith.minsi %max3A_1030, %or3A_1055 : vector<16xi32>
        %max3A_1058 = arith.maxsi %max3A_1032, %min3A_1057 : vector<16xi32>
        %min3A_1059 = arith.minsi %max3A_1032, %min3A_1057 : vector<16xi32>
        %max3A_1060 = arith.maxsi %max3A_1034, %min3A_1059 : vector<16xi32>
        %min3A_1061 = arith.minsi %max3A_1034, %min3A_1059 : vector<16xi32>
        %max3A_1062 = arith.maxsi %max3A_1036, %min3A_1061 : vector<16xi32>
        %min3A_1063 = arith.minsi %max3A_1036, %min3A_1061 : vector<16xi32>
        %max3A_1064 = arith.maxsi %max3A_1038, %min3A_1063 : vector<16xi32>
        %min3A_1065 = arith.minsi %max3A_1038, %min3A_1063 : vector<16xi32>
        %max3A_1066 = arith.maxsi %max3A_1040, %min3A_1065 : vector<16xi32>
        %min3A_1067 = arith.minsi %max3A_1040, %min3A_1065 : vector<16xi32>
        %max3A_1068 = arith.maxsi %max3A_1042, %min3A_1067 : vector<16xi32>
        %min3A_1069 = arith.minsi %max3A_1042, %min3A_1067 : vector<16xi32>
        %max3A_1070 = arith.maxsi %max3A_1044, %min3A_1069 : vector<16xi32>
        %min3A_1071 = arith.minsi %max3A_1044, %min3A_1069 : vector<16xi32>
        %broadcast_in_dim3A_1072 = arith.constant 40 : i32
        %broadcast_in_dim3A_1073 = vector.broadcast %broadcast_in_dim3A_1072 : i32 to vector<16xi32>
        %gather3A_1074 = tpu.vector_load_idx %arg5[%add3A_22, %broadcast_in_dim3A_1073] : memref<128x64xf32, #tpu.memory_space<vmem>>[vector<16xi32>, vector<16xi32>], vector<16xf32>,
        %bitcast3A_1075 = vector.bitcast %gather3A_1074 : vector<16xf32> to vector<16xi32>
        %and3A_1076 = arith.constant -64 : i32
        %and3A_1077 = vector.broadcast %and3A_1076 : i32 to vector<16xi32>
        %and3A_1078 = arith.andi %bitcast3A_1075, %and3A_1077 : vector<16xi32>
        %or3A_1079 = arith.constant 23 : i32
        %or3A_1080 = vector.broadcast %or3A_1079 : i32 to vector<16xi32>
        %or3A_1081 = arith.ori %and3A_1078, %or3A_1080 : vector<16xi32>
        %max3A_1082 = arith.maxsi %max3A_1056, %or3A_1081 : vector<16xi32>
        %min3A_1083 = arith.minsi %max3A_1056, %or3A_1081 : vector<16xi32>
        %max3A_1084 = arith.maxsi %max3A_1058, %min3A_1083 : vector<16xi32>
        %min3A_1085 = arith.minsi %max3A_1058, %min3A_1083 : vector<16xi32>
        %max3A_1086 = arith.maxsi %max3A_1060, %min3A_1085 : vector<16xi32>
        %min3A_1087 = arith.minsi %max3A_1060, %min3A_1085 : vector<16xi32>
        %max3A_1088 = arith.maxsi %max3A_1062, %min3A_1087 : vector<16xi32>
        %min3A_1089 = arith.minsi %max3A_1062, %min3A_1087 : vector<16xi32>
        %max3A_1090 = arith.maxsi %max3A_1064, %min3A_1089 : vector<16xi32>
        %min3A_1091 = arith.minsi %max3A_1064, %min3A_1089 : vector<16xi32>
        %max3A_1092 = arith.maxsi %max3A_1066, %min3A_1091 : vector<16xi32>
        %min3A_1093 = arith.minsi %max3A_1066, %min3A_1091 : vector<16xi32>
        %max3A_1094 = arith.maxsi %max3A_1068, %min3A_1093 : vector<16xi32>
        %min3A_1095 = arith.minsi %max3A_1068, %min3A_1093 : vector<16xi32>
        %max3A_1096 = arith.maxsi %max3A_1070, %min3A_1095 : vector<16xi32>
        %min3A_1097 = arith.minsi %max3A_1070, %min3A_1095 : vector<16xi32>
        %broadcast_in_dim3A_1098 = arith.constant 41 : i32
        %broadcast_in_dim3A_1099 = vector.broadcast %broadcast_in_dim3A_1098 : i32 to vector<16xi32>
        %gather3A_1100 = tpu.vector_load_idx %arg5[%add3A_22, %broadcast_in_dim3A_1099] : memref<128x64xf32, #tpu.memory_space<vmem>>[vector<16xi32>, vector<16xi32>], vector<16xf32>,
        %bitcast3A_1101 = vector.bitcast %gather3A_1100 : vector<16xf32> to vector<16xi32>
        %and3A_1102 = arith.constant -64 : i32
        %and3A_1103 = vector.broadcast %and3A_1102 : i32 to vector<16xi32>
        %and3A_1104 = arith.andi %bitcast3A_1101, %and3A_1103 : vector<16xi32>
        %or3A_1105 = arith.constant 22 : i32
        %or3A_1106 = vector.broadcast %or3A_1105 : i32 to vector<16xi32>
        %or3A_1107 = arith.ori %and3A_1104, %or3A_1106 : vector<16xi32>
        %max3A_1108 = arith.maxsi %max3A_1082, %or3A_1107 : vector<16xi32>
        %min3A_1109 = arith.minsi %max3A_1082, %or3A_1107 : vector<16xi32>
        %max3A_1110 = arith.maxsi %max3A_1084, %min3A_1109 : vector<16xi32>
        %min3A_1111 = arith.minsi %max3A_1084, %min3A_1109 : vector<16xi32>
        %max3A_1112 = arith.maxsi %max3A_1086, %min3A_1111 : vector<16xi32>
        %min3A_1113 = arith.minsi %max3A_1086, %min3A_1111 : vector<16xi32>
        %max3A_1114 = arith.maxsi %max3A_1088, %min3A_1113 : vector<16xi32>
        %min3A_1115 = arith.minsi %max3A_1088, %min3A_1113 : vector<16xi32>
        %max3A_1116 = arith.maxsi %max3A_1090, %min3A_1115 : vector<16xi32>
        %min3A_1117 = arith.minsi %max3A_1090, %min3A_1115 : vector<16xi32>
        %max3A_1118 = arith.maxsi %max3A_1092, %min3A_1117 : vector<16xi32>
        %min3A_1119 = arith.minsi %max3A_1092, %min3A_1117 : vector<16xi32>
        %max3A_1120 = arith.maxsi %max3A_1094, %min3A_1119 : vector<16xi32>
        %min3A_1121 = arith.minsi %max3A_1094, %min3A_1119 : vector<16xi32>
        %max3A_1122 = arith.maxsi %max3A_1096, %min3A_1121 : vector<16xi32>
        %min3A_1123 = arith.minsi %max3A_1096, %min3A_1121 : vector<16xi32>
        %broadcast_in_dim3A_1124 = arith.constant 42 : i32
        %broadcast_in_dim3A_1125 = vector.broadcast %broadcast_in_dim3A_1124 : i32 to vector<16xi32>
        %gather3A_1126 = tpu.vector_load_idx %arg5[%add3A_22, %broadcast_in_dim3A_1125] : memref<128x64xf32, #tpu.memory_space<vmem>>[vector<16xi32>, vector<16xi32>], vector<16xf32>,
        %bitcast3A_1127 = vector.bitcast %gather3A_1126 : vector<16xf32> to vector<16xi32>
        %and3A_1128 = arith.constant -64 : i32
        %and3A_1129 = vector.broadcast %and3A_1128 : i32 to vector<16xi32>
        %and3A_1130 = arith.andi %bitcast3A_1127, %and3A_1129 : vector<16xi32>
        %or3A_1131 = arith.constant 21 : i32
        %or3A_1132 = vector.broadcast %or3A_1131 : i32 to vector<16xi32>
        %or3A_1133 = arith.ori %and3A_1130, %or3A_1132 : vector<16xi32>
        %max3A_1134 = arith.maxsi %max3A_1108, %or3A_1133 : vector<16xi32>
        %min3A_1135 = arith.minsi %max3A_1108, %or3A_1133 : vector<16xi32>
        %max3A_1136 = arith.maxsi %max3A_1110, %min3A_1135 : vector<16xi32>
        %min3A_1137 = arith.minsi %max3A_1110, %min3A_1135 : vector<16xi32>
        %max3A_1138 = arith.maxsi %max3A_1112, %min3A_1137 : vector<16xi32>
        %min3A_1139 = arith.minsi %max3A_1112, %min3A_1137 : vector<16xi32>
        %max3A_1140 = arith.maxsi %max3A_1114, %min3A_1139 : vector<16xi32>
        %min3A_1141 = arith.minsi %max3A_1114, %min3A_1139 : vector<16xi32>
        %max3A_1142 = arith.maxsi %max3A_1116, %min3A_1141 : vector<16xi32>
        %min3A_1143 = arith.minsi %max3A_1116, %min3A_1141 : vector<16xi32>
        %max3A_1144 = arith.maxsi %max3A_1118, %min3A_1143 : vector<16xi32>
        %min3A_1145 = arith.minsi %max3A_1118, %min3A_1143 : vector<16xi32>
        %max3A_1146 = arith.maxsi %max3A_1120, %min3A_1145 : vector<16xi32>
        %min3A_1147 = arith.minsi %max3A_1120, %min3A_1145 : vector<16xi32>
        %max3A_1148 = arith.maxsi %max3A_1122, %min3A_1147 : vector<16xi32>
        %min3A_1149 = arith.minsi %max3A_1122, %min3A_1147 : vector<16xi32>
        %broadcast_in_dim3A_1150 = arith.constant 43 : i32
        %broadcast_in_dim3A_1151 = vector.broadcast %broadcast_in_dim3A_1150 : i32 to vector<16xi32>
        %gather3A_1152 = tpu.vector_load_idx %arg5[%add3A_22, %broadcast_in_dim3A_1151] : memref<128x64xf32, #tpu.memory_space<vmem>>[vector<16xi32>, vector<16xi32>], vector<16xf32>,
        %bitcast3A_1153 = vector.bitcast %gather3A_1152 : vector<16xf32> to vector<16xi32>
        %and3A_1154 = arith.constant -64 : i32
        %and3A_1155 = vector.broadcast %and3A_1154 : i32 to vector<16xi32>
        %and3A_1156 = arith.andi %bitcast3A_1153, %and3A_1155 : vector<16xi32>
        %or3A_1157 = arith.constant 20 : i32
        %or3A_1158 = vector.broadcast %or3A_1157 : i32 to vector<16xi32>
        %or3A_1159 = arith.ori %and3A_1156, %or3A_1158 : vector<16xi32>
        %max3A_1160 = arith.maxsi %max3A_1134, %or3A_1159 : vector<16xi32>
        %min3A_1161 = arith.minsi %max3A_1134, %or3A_1159 : vector<16xi32>
        %max3A_1162 = arith.maxsi %max3A_1136, %min3A_1161 : vector<16xi32>
        %min3A_1163 = arith.minsi %max3A_1136, %min3A_1161 : vector<16xi32>
        %max3A_1164 = arith.maxsi %max3A_1138, %min3A_1163 : vector<16xi32>
        %min3A_1165 = arith.minsi %max3A_1138, %min3A_1163 : vector<16xi32>
        %max3A_1166 = arith.maxsi %max3A_1140, %min3A_1165 : vector<16xi32>
        %min3A_1167 = arith.minsi %max3A_1140, %min3A_1165 : vector<16xi32>
        %max3A_1168 = arith.maxsi %max3A_1142, %min3A_1167 : vector<16xi32>
        %min3A_1169 = arith.minsi %max3A_1142, %min3A_1167 : vector<16xi32>
        %max3A_1170 = arith.maxsi %max3A_1144, %min3A_1169 : vector<16xi32>
        %min3A_1171 = arith.minsi %max3A_1144, %min3A_1169 : vector<16xi32>
        %max3A_1172 = arith.maxsi %max3A_1146, %min3A_1171 : vector<16xi32>
        %min3A_1173 = arith.minsi %max3A_1146, %min3A_1171 : vector<16xi32>
        %max3A_1174 = arith.maxsi %max3A_1148, %min3A_1173 : vector<16xi32>
        %min3A_1175 = arith.minsi %max3A_1148, %min3A_1173 : vector<16xi32>
        %broadcast_in_dim3A_1176 = arith.constant 44 : i32
        %broadcast_in_dim3A_1177 = vector.broadcast %broadcast_in_dim3A_1176 : i32 to vector<16xi32>
        %gather3A_1178 = tpu.vector_load_idx %arg5[%add3A_22, %broadcast_in_dim3A_1177] : memref<128x64xf32, #tpu.memory_space<vmem>>[vector<16xi32>, vector<16xi32>], vector<16xf32>,
        %bitcast3A_1179 = vector.bitcast %gather3A_1178 : vector<16xf32> to vector<16xi32>
        %and3A_1180 = arith.constant -64 : i32
        %and3A_1181 = vector.broadcast %and3A_1180 : i32 to vector<16xi32>
        %and3A_1182 = arith.andi %bitcast3A_1179, %and3A_1181 : vector<16xi32>
        %or3A_1183 = arith.constant 19 : i32
        %or3A_1184 = vector.broadcast %or3A_1183 : i32 to vector<16xi32>
        %or3A_1185 = arith.ori %and3A_1182, %or3A_1184 : vector<16xi32>
        %max3A_1186 = arith.maxsi %max3A_1160, %or3A_1185 : vector<16xi32>
        %min3A_1187 = arith.minsi %max3A_1160, %or3A_1185 : vector<16xi32>
        %max3A_1188 = arith.maxsi %max3A_1162, %min3A_1187 : vector<16xi32>
        %min3A_1189 = arith.minsi %max3A_1162, %min3A_1187 : vector<16xi32>
        %max3A_1190 = arith.maxsi %max3A_1164, %min3A_1189 : vector<16xi32>
        %min3A_1191 = arith.minsi %max3A_1164, %min3A_1189 : vector<16xi32>
        %max3A_1192 = arith.maxsi %max3A_1166, %min3A_1191 : vector<16xi32>
        %min3A_1193 = arith.minsi %max3A_1166, %min3A_1191 : vector<16xi32>
        %max3A_1194 = arith.maxsi %max3A_1168, %min3A_1193 : vector<16xi32>
        %min3A_1195 = arith.minsi %max3A_1168, %min3A_1193 : vector<16xi32>
        %max3A_1196 = arith.maxsi %max3A_1170, %min3A_1195 : vector<16xi32>
        %min3A_1197 = arith.minsi %max3A_1170, %min3A_1195 : vector<16xi32>
        %max3A_1198 = arith.maxsi %max3A_1172, %min3A_1197 : vector<16xi32>
        %min3A_1199 = arith.minsi %max3A_1172, %min3A_1197 : vector<16xi32>
        %max3A_1200 = arith.maxsi %max3A_1174, %min3A_1199 : vector<16xi32>
        %min3A_1201 = arith.minsi %max3A_1174, %min3A_1199 : vector<16xi32>
        %broadcast_in_dim3A_1202 = arith.constant 45 : i32
        %broadcast_in_dim3A_1203 = vector.broadcast %broadcast_in_dim3A_1202 : i32 to vector<16xi32>
        %gather3A_1204 = tpu.vector_load_idx %arg5[%add3A_22, %broadcast_in_dim3A_1203] : memref<128x64xf32, #tpu.memory_space<vmem>>[vector<16xi32>, vector<16xi32>], vector<16xf32>,
        %bitcast3A_1205 = vector.bitcast %gather3A_1204 : vector<16xf32> to vector<16xi32>
        %and3A_1206 = arith.constant -64 : i32
        %and3A_1207 = vector.broadcast %and3A_1206 : i32 to vector<16xi32>
        %and3A_1208 = arith.andi %bitcast3A_1205, %and3A_1207 : vector<16xi32>
        %or3A_1209 = arith.constant 18 : i32
        %or3A_1210 = vector.broadcast %or3A_1209 : i32 to vector<16xi32>
        %or3A_1211 = arith.ori %and3A_1208, %or3A_1210 : vector<16xi32>
        %max3A_1212 = arith.maxsi %max3A_1186, %or3A_1211 : vector<16xi32>
        %min3A_1213 = arith.minsi %max3A_1186, %or3A_1211 : vector<16xi32>
        %max3A_1214 = arith.maxsi %max3A_1188, %min3A_1213 : vector<16xi32>
        %min3A_1215 = arith.minsi %max3A_1188, %min3A_1213 : vector<16xi32>
        %max3A_1216 = arith.maxsi %max3A_1190, %min3A_1215 : vector<16xi32>
        %min3A_1217 = arith.minsi %max3A_1190, %min3A_1215 : vector<16xi32>
        %max3A_1218 = arith.maxsi %max3A_1192, %min3A_1217 : vector<16xi32>
        %min3A_1219 = arith.minsi %max3A_1192, %min3A_1217 : vector<16xi32>
        %max3A_1220 = arith.maxsi %max3A_1194, %min3A_1219 : vector<16xi32>
        %min3A_1221 = arith.minsi %max3A_1194, %min3A_1219 : vector<16xi32>
        %max3A_1222 = arith.maxsi %max3A_1196, %min3A_1221 : vector<16xi32>
        %min3A_1223 = arith.minsi %max3A_1196, %min3A_1221 : vector<16xi32>
        %max3A_1224 = arith.maxsi %max3A_1198, %min3A_1223 : vector<16xi32>
        %min3A_1225 = arith.minsi %max3A_1198, %min3A_1223 : vector<16xi32>
        %max3A_1226 = arith.maxsi %max3A_1200, %min3A_1225 : vector<16xi32>
        %min3A_1227 = arith.minsi %max3A_1200, %min3A_1225 : vector<16xi32>
        %broadcast_in_dim3A_1228 = arith.constant 46 : i32
        %broadcast_in_dim3A_1229 = vector.broadcast %broadcast_in_dim3A_1228 : i32 to vector<16xi32>
        %gather3A_1230 = tpu.vector_load_idx %arg5[%add3A_22, %broadcast_in_dim3A_1229] : memref<128x64xf32, #tpu.memory_space<vmem>>[vector<16xi32>, vector<16xi32>], vector<16xf32>,
        %bitcast3A_1231 = vector.bitcast %gather3A_1230 : vector<16xf32> to vector<16xi32>
        %and3A_1232 = arith.constant -64 : i32
        %and3A_1233 = vector.broadcast %and3A_1232 : i32 to vector<16xi32>
        %and3A_1234 = arith.andi %bitcast3A_1231, %and3A_1233 : vector<16xi32>
        %or3A_1235 = arith.constant 17 : i32
        %or3A_1236 = vector.broadcast %or3A_1235 : i32 to vector<16xi32>
        %or3A_1237 = arith.ori %and3A_1234, %or3A_1236 : vector<16xi32>
        %max3A_1238 = arith.maxsi %max3A_1212, %or3A_1237 : vector<16xi32>
        %min3A_1239 = arith.minsi %max3A_1212, %or3A_1237 : vector<16xi32>
        %max3A_1240 = arith.maxsi %max3A_1214, %min3A_1239 : vector<16xi32>
        %min3A_1241 = arith.minsi %max3A_1214, %min3A_1239 : vector<16xi32>
        %max3A_1242 = arith.maxsi %max3A_1216, %min3A_1241 : vector<16xi32>
        %min3A_1243 = arith.minsi %max3A_1216, %min3A_1241 : vector<16xi32>
        %max3A_1244 = arith.maxsi %max3A_1218, %min3A_1243 : vector<16xi32>
        %min3A_1245 = arith.minsi %max3A_1218, %min3A_1243 : vector<16xi32>
        %max3A_1246 = arith.maxsi %max3A_1220, %min3A_1245 : vector<16xi32>
        %min3A_1247 = arith.minsi %max3A_1220, %min3A_1245 : vector<16xi32>
        %max3A_1248 = arith.maxsi %max3A_1222, %min3A_1247 : vector<16xi32>
        %min3A_1249 = arith.minsi %max3A_1222, %min3A_1247 : vector<16xi32>
        %max3A_1250 = arith.maxsi %max3A_1224, %min3A_1249 : vector<16xi32>
        %min3A_1251 = arith.minsi %max3A_1224, %min3A_1249 : vector<16xi32>
        %max3A_1252 = arith.maxsi %max3A_1226, %min3A_1251 : vector<16xi32>
        %min3A_1253 = arith.minsi %max3A_1226, %min3A_1251 : vector<16xi32>
        %broadcast_in_dim3A_1254 = arith.constant 47 : i32
        %broadcast_in_dim3A_1255 = vector.broadcast %broadcast_in_dim3A_1254 : i32 to vector<16xi32>
        %gather3A_1256 = tpu.vector_load_idx %arg5[%add3A_22, %broadcast_in_dim3A_1255] : memref<128x64xf32, #tpu.memory_space<vmem>>[vector<16xi32>, vector<16xi32>], vector<16xf32>,
        %bitcast3A_1257 = vector.bitcast %gather3A_1256 : vector<16xf32> to vector<16xi32>
        %and3A_1258 = arith.constant -64 : i32
        %and3A_1259 = vector.broadcast %and3A_1258 : i32 to vector<16xi32>
        %and3A_1260 = arith.andi %bitcast3A_1257, %and3A_1259 : vector<16xi32>
        %or3A_1261 = arith.constant 16 : i32
        %or3A_1262 = vector.broadcast %or3A_1261 : i32 to vector<16xi32>
        %or3A_1263 = arith.ori %and3A_1260, %or3A_1262 : vector<16xi32>
        %max3A_1264 = arith.maxsi %max3A_1238, %or3A_1263 : vector<16xi32>
        %min3A_1265 = arith.minsi %max3A_1238, %or3A_1263 : vector<16xi32>
        %max3A_1266 = arith.maxsi %max3A_1240, %min3A_1265 : vector<16xi32>
        %min3A_1267 = arith.minsi %max3A_1240, %min3A_1265 : vector<16xi32>
        %max3A_1268 = arith.maxsi %max3A_1242, %min3A_1267 : vector<16xi32>
        %min3A_1269 = arith.minsi %max3A_1242, %min3A_1267 : vector<16xi32>
        %max3A_1270 = arith.maxsi %max3A_1244, %min3A_1269 : vector<16xi32>
        %min3A_1271 = arith.minsi %max3A_1244, %min3A_1269 : vector<16xi32>
        %max3A_1272 = arith.maxsi %max3A_1246, %min3A_1271 : vector<16xi32>
        %min3A_1273 = arith.minsi %max3A_1246, %min3A_1271 : vector<16xi32>
        %max3A_1274 = arith.maxsi %max3A_1248, %min3A_1273 : vector<16xi32>
        %min3A_1275 = arith.minsi %max3A_1248, %min3A_1273 : vector<16xi32>
        %max3A_1276 = arith.maxsi %max3A_1250, %min3A_1275 : vector<16xi32>
        %min3A_1277 = arith.minsi %max3A_1250, %min3A_1275 : vector<16xi32>
        %max3A_1278 = arith.maxsi %max3A_1252, %min3A_1277 : vector<16xi32>
        %min3A_1279 = arith.minsi %max3A_1252, %min3A_1277 : vector<16xi32>
        %broadcast_in_dim3A_1280 = arith.constant 48 : i32
        %broadcast_in_dim3A_1281 = vector.broadcast %broadcast_in_dim3A_1280 : i32 to vector<16xi32>
        %gather3A_1282 = tpu.vector_load_idx %arg5[%add3A_22, %broadcast_in_dim3A_1281] : memref<128x64xf32, #tpu.memory_space<vmem>>[vector<16xi32>, vector<16xi32>], vector<16xf32>,
        %bitcast3A_1283 = vector.bitcast %gather3A_1282 : vector<16xf32> to vector<16xi32>
        %and3A_1284 = arith.constant -64 : i32
        %and3A_1285 = vector.broadcast %and3A_1284 : i32 to vector<16xi32>
        %and3A_1286 = arith.andi %bitcast3A_1283, %and3A_1285 : vector<16xi32>
        %or3A_1287 = arith.constant 15 : i32
        %or3A_1288 = vector.broadcast %or3A_1287 : i32 to vector<16xi32>
        %or3A_1289 = arith.ori %and3A_1286, %or3A_1288 : vector<16xi32>
        %max3A_1290 = arith.maxsi %max3A_1264, %or3A_1289 : vector<16xi32>
        %min3A_1291 = arith.minsi %max3A_1264, %or3A_1289 : vector<16xi32>
        %max3A_1292 = arith.maxsi %max3A_1266, %min3A_1291 : vector<16xi32>
        %min3A_1293 = arith.minsi %max3A_1266, %min3A_1291 : vector<16xi32>
        %max3A_1294 = arith.maxsi %max3A_1268, %min3A_1293 : vector<16xi32>
        %min3A_1295 = arith.minsi %max3A_1268, %min3A_1293 : vector<16xi32>
        %max3A_1296 = arith.maxsi %max3A_1270, %min3A_1295 : vector<16xi32>
        %min3A_1297 = arith.minsi %max3A_1270, %min3A_1295 : vector<16xi32>
        %max3A_1298 = arith.maxsi %max3A_1272, %min3A_1297 : vector<16xi32>
        %min3A_1299 = arith.minsi %max3A_1272, %min3A_1297 : vector<16xi32>
        %max3A_1300 = arith.maxsi %max3A_1274, %min3A_1299 : vector<16xi32>
        %min3A_1301 = arith.minsi %max3A_1274, %min3A_1299 : vector<16xi32>
        %max3A_1302 = arith.maxsi %max3A_1276, %min3A_1301 : vector<16xi32>
        %min3A_1303 = arith.minsi %max3A_1276, %min3A_1301 : vector<16xi32>
        %max3A_1304 = arith.maxsi %max3A_1278, %min3A_1303 : vector<16xi32>
        %min3A_1305 = arith.minsi %max3A_1278, %min3A_1303 : vector<16xi32>
        %broadcast_in_dim3A_1306 = arith.constant 49 : i32
        %broadcast_in_dim3A_1307 = vector.broadcast %broadcast_in_dim3A_1306 : i32 to vector<16xi32>
        %gather3A_1308 = tpu.vector_load_idx %arg5[%add3A_22, %broadcast_in_dim3A_1307] : memref<128x64xf32, #tpu.memory_space<vmem>>[vector<16xi32>, vector<16xi32>], vector<16xf32>,
        %bitcast3A_1309 = vector.bitcast %gather3A_1308 : vector<16xf32> to vector<16xi32>
        %and3A_1310 = arith.constant -64 : i32
        %and3A_1311 = vector.broadcast %and3A_1310 : i32 to vector<16xi32>
        %and3A_1312 = arith.andi %bitcast3A_1309, %and3A_1311 : vector<16xi32>
        %or3A_1313 = arith.constant 14 : i32
        %or3A_1314 = vector.broadcast %or3A_1313 : i32 to vector<16xi32>
        %or3A_1315 = arith.ori %and3A_1312, %or3A_1314 : vector<16xi32>
        %max3A_1316 = arith.maxsi %max3A_1290, %or3A_1315 : vector<16xi32>
        %min3A_1317 = arith.minsi %max3A_1290, %or3A_1315 : vector<16xi32>
        %max3A_1318 = arith.maxsi %max3A_1292, %min3A_1317 : vector<16xi32>
        %min3A_1319 = arith.minsi %max3A_1292, %min3A_1317 : vector<16xi32>
        %max3A_1320 = arith.maxsi %max3A_1294, %min3A_1319 : vector<16xi32>
        %min3A_1321 = arith.minsi %max3A_1294, %min3A_1319 : vector<16xi32>
        %max3A_1322 = arith.maxsi %max3A_1296, %min3A_1321 : vector<16xi32>
        %min3A_1323 = arith.minsi %max3A_1296, %min3A_1321 : vector<16xi32>
        %max3A_1324 = arith.maxsi %max3A_1298, %min3A_1323 : vector<16xi32>
        %min3A_1325 = arith.minsi %max3A_1298, %min3A_1323 : vector<16xi32>
        %max3A_1326 = arith.maxsi %max3A_1300, %min3A_1325 : vector<16xi32>
        %min3A_1327 = arith.minsi %max3A_1300, %min3A_1325 : vector<16xi32>
        %max3A_1328 = arith.maxsi %max3A_1302, %min3A_1327 : vector<16xi32>
        %min3A_1329 = arith.minsi %max3A_1302, %min3A_1327 : vector<16xi32>
        %max3A_1330 = arith.maxsi %max3A_1304, %min3A_1329 : vector<16xi32>
        %min3A_1331 = arith.minsi %max3A_1304, %min3A_1329 : vector<16xi32>
        %broadcast_in_dim3A_1332 = arith.constant 50 : i32
        %broadcast_in_dim3A_1333 = vector.broadcast %broadcast_in_dim3A_1332 : i32 to vector<16xi32>
        %gather3A_1334 = tpu.vector_load_idx %arg5[%add3A_22, %broadcast_in_dim3A_1333] : memref<128x64xf32, #tpu.memory_space<vmem>>[vector<16xi32>, vector<16xi32>], vector<16xf32>,
        %bitcast3A_1335 = vector.bitcast %gather3A_1334 : vector<16xf32> to vector<16xi32>
        %and3A_1336 = arith.constant -64 : i32
        %and3A_1337 = vector.broadcast %and3A_1336 : i32 to vector<16xi32>
        %and3A_1338 = arith.andi %bitcast3A_1335, %and3A_1337 : vector<16xi32>
        %or3A_1339 = arith.constant 13 : i32
        %or3A_1340 = vector.broadcast %or3A_1339 : i32 to vector<16xi32>
        %or3A_1341 = arith.ori %and3A_1338, %or3A_1340 : vector<16xi32>
        %max3A_1342 = arith.maxsi %max3A_1316, %or3A_1341 : vector<16xi32>
        %min3A_1343 = arith.minsi %max3A_1316, %or3A_1341 : vector<16xi32>
        %max3A_1344 = arith.maxsi %max3A_1318, %min3A_1343 : vector<16xi32>
        %min3A_1345 = arith.minsi %max3A_1318, %min3A_1343 : vector<16xi32>
        %max3A_1346 = arith.maxsi %max3A_1320, %min3A_1345 : vector<16xi32>
        %min3A_1347 = arith.minsi %max3A_1320, %min3A_1345 : vector<16xi32>
        %max3A_1348 = arith.maxsi %max3A_1322, %min3A_1347 : vector<16xi32>
        %min3A_1349 = arith.minsi %max3A_1322, %min3A_1347 : vector<16xi32>
        %max3A_1350 = arith.maxsi %max3A_1324, %min3A_1349 : vector<16xi32>
        %min3A_1351 = arith.minsi %max3A_1324, %min3A_1349 : vector<16xi32>
        %max3A_1352 = arith.maxsi %max3A_1326, %min3A_1351 : vector<16xi32>
        %min3A_1353 = arith.minsi %max3A_1326, %min3A_1351 : vector<16xi32>
        %max3A_1354 = arith.maxsi %max3A_1328, %min3A_1353 : vector<16xi32>
        %min3A_1355 = arith.minsi %max3A_1328, %min3A_1353 : vector<16xi32>
        %max3A_1356 = arith.maxsi %max3A_1330, %min3A_1355 : vector<16xi32>
        %min3A_1357 = arith.minsi %max3A_1330, %min3A_1355 : vector<16xi32>
        %broadcast_in_dim3A_1358 = arith.constant 51 : i32
        %broadcast_in_dim3A_1359 = vector.broadcast %broadcast_in_dim3A_1358 : i32 to vector<16xi32>
        %gather3A_1360 = tpu.vector_load_idx %arg5[%add3A_22, %broadcast_in_dim3A_1359] : memref<128x64xf32, #tpu.memory_space<vmem>>[vector<16xi32>, vector<16xi32>], vector<16xf32>,
        %bitcast3A_1361 = vector.bitcast %gather3A_1360 : vector<16xf32> to vector<16xi32>
        %and3A_1362 = arith.constant -64 : i32
        %and3A_1363 = vector.broadcast %and3A_1362 : i32 to vector<16xi32>
        %and3A_1364 = arith.andi %bitcast3A_1361, %and3A_1363 : vector<16xi32>
        %or3A_1365 = arith.constant 12 : i32
        %or3A_1366 = vector.broadcast %or3A_1365 : i32 to vector<16xi32>
        %or3A_1367 = arith.ori %and3A_1364, %or3A_1366 : vector<16xi32>
        %max3A_1368 = arith.maxsi %max3A_1342, %or3A_1367 : vector<16xi32>
        %min3A_1369 = arith.minsi %max3A_1342, %or3A_1367 : vector<16xi32>
        %max3A_1370 = arith.maxsi %max3A_1344, %min3A_1369 : vector<16xi32>
        %min3A_1371 = arith.minsi %max3A_1344, %min3A_1369 : vector<16xi32>
        %max3A_1372 = arith.maxsi %max3A_1346, %min3A_1371 : vector<16xi32>
        %min3A_1373 = arith.minsi %max3A_1346, %min3A_1371 : vector<16xi32>
        %max3A_1374 = arith.maxsi %max3A_1348, %min3A_1373 : vector<16xi32>
        %min3A_1375 = arith.minsi %max3A_1348, %min3A_1373 : vector<16xi32>
        %max3A_1376 = arith.maxsi %max3A_1350, %min3A_1375 : vector<16xi32>
        %min3A_1377 = arith.minsi %max3A_1350, %min3A_1375 : vector<16xi32>
        %max3A_1378 = arith.maxsi %max3A_1352, %min3A_1377 : vector<16xi32>
        %min3A_1379 = arith.minsi %max3A_1352, %min3A_1377 : vector<16xi32>
        %max3A_1380 = arith.maxsi %max3A_1354, %min3A_1379 : vector<16xi32>
        %min3A_1381 = arith.minsi %max3A_1354, %min3A_1379 : vector<16xi32>
        %max3A_1382 = arith.maxsi %max3A_1356, %min3A_1381 : vector<16xi32>
        %min3A_1383 = arith.minsi %max3A_1356, %min3A_1381 : vector<16xi32>
        %broadcast_in_dim3A_1384 = arith.constant 52 : i32
        %broadcast_in_dim3A_1385 = vector.broadcast %broadcast_in_dim3A_1384 : i32 to vector<16xi32>
        %gather3A_1386 = tpu.vector_load_idx %arg5[%add3A_22, %broadcast_in_dim3A_1385] : memref<128x64xf32, #tpu.memory_space<vmem>>[vector<16xi32>, vector<16xi32>], vector<16xf32>,
        %bitcast3A_1387 = vector.bitcast %gather3A_1386 : vector<16xf32> to vector<16xi32>
        %and3A_1388 = arith.constant -64 : i32
        %and3A_1389 = vector.broadcast %and3A_1388 : i32 to vector<16xi32>
        %and3A_1390 = arith.andi %bitcast3A_1387, %and3A_1389 : vector<16xi32>
        %or3A_1391 = arith.constant 11 : i32
        %or3A_1392 = vector.broadcast %or3A_1391 : i32 to vector<16xi32>
        %or3A_1393 = arith.ori %and3A_1390, %or3A_1392 : vector<16xi32>
        %max3A_1394 = arith.maxsi %max3A_1368, %or3A_1393 : vector<16xi32>
        %min3A_1395 = arith.minsi %max3A_1368, %or3A_1393 : vector<16xi32>
        %max3A_1396 = arith.maxsi %max3A_1370, %min3A_1395 : vector<16xi32>
        %min3A_1397 = arith.minsi %max3A_1370, %min3A_1395 : vector<16xi32>
        %max3A_1398 = arith.maxsi %max3A_1372, %min3A_1397 : vector<16xi32>
        %min3A_1399 = arith.minsi %max3A_1372, %min3A_1397 : vector<16xi32>
        %max3A_1400 = arith.maxsi %max3A_1374, %min3A_1399 : vector<16xi32>
        %min3A_1401 = arith.minsi %max3A_1374, %min3A_1399 : vector<16xi32>
        %max3A_1402 = arith.maxsi %max3A_1376, %min3A_1401 : vector<16xi32>
        %min3A_1403 = arith.minsi %max3A_1376, %min3A_1401 : vector<16xi32>
        %max3A_1404 = arith.maxsi %max3A_1378, %min3A_1403 : vector<16xi32>
        %min3A_1405 = arith.minsi %max3A_1378, %min3A_1403 : vector<16xi32>
        %max3A_1406 = arith.maxsi %max3A_1380, %min3A_1405 : vector<16xi32>
        %min3A_1407 = arith.minsi %max3A_1380, %min3A_1405 : vector<16xi32>
        %max3A_1408 = arith.maxsi %max3A_1382, %min3A_1407 : vector<16xi32>
        %min3A_1409 = arith.minsi %max3A_1382, %min3A_1407 : vector<16xi32>
        %broadcast_in_dim3A_1410 = arith.constant 53 : i32
        %broadcast_in_dim3A_1411 = vector.broadcast %broadcast_in_dim3A_1410 : i32 to vector<16xi32>
        %gather3A_1412 = tpu.vector_load_idx %arg5[%add3A_22, %broadcast_in_dim3A_1411] : memref<128x64xf32, #tpu.memory_space<vmem>>[vector<16xi32>, vector<16xi32>], vector<16xf32>,
        %bitcast3A_1413 = vector.bitcast %gather3A_1412 : vector<16xf32> to vector<16xi32>
        %and3A_1414 = arith.constant -64 : i32
        %and3A_1415 = vector.broadcast %and3A_1414 : i32 to vector<16xi32>
        %and3A_1416 = arith.andi %bitcast3A_1413, %and3A_1415 : vector<16xi32>
        %or3A_1417 = arith.constant 10 : i32
        %or3A_1418 = vector.broadcast %or3A_1417 : i32 to vector<16xi32>
        %or3A_1419 = arith.ori %and3A_1416, %or3A_1418 : vector<16xi32>
        %max3A_1420 = arith.maxsi %max3A_1394, %or3A_1419 : vector<16xi32>
        %min3A_1421 = arith.minsi %max3A_1394, %or3A_1419 : vector<16xi32>
        %max3A_1422 = arith.maxsi %max3A_1396, %min3A_1421 : vector<16xi32>
        %min3A_1423 = arith.minsi %max3A_1396, %min3A_1421 : vector<16xi32>
        %max3A_1424 = arith.maxsi %max3A_1398, %min3A_1423 : vector<16xi32>
        %min3A_1425 = arith.minsi %max3A_1398, %min3A_1423 : vector<16xi32>
        %max3A_1426 = arith.maxsi %max3A_1400, %min3A_1425 : vector<16xi32>
        %min3A_1427 = arith.minsi %max3A_1400, %min3A_1425 : vector<16xi32>
        %max3A_1428 = arith.maxsi %max3A_1402, %min3A_1427 : vector<16xi32>
        %min3A_1429 = arith.minsi %max3A_1402, %min3A_1427 : vector<16xi32>
        %max3A_1430 = arith.maxsi %max3A_1404, %min3A_1429 : vector<16xi32>
        %min3A_1431 = arith.minsi %max3A_1404, %min3A_1429 : vector<16xi32>
        %max3A_1432 = arith.maxsi %max3A_1406, %min3A_1431 : vector<16xi32>
        %min3A_1433 = arith.minsi %max3A_1406, %min3A_1431 : vector<16xi32>
        %max3A_1434 = arith.maxsi %max3A_1408, %min3A_1433 : vector<16xi32>
        %min3A_1435 = arith.minsi %max3A_1408, %min3A_1433 : vector<16xi32>
        %broadcast_in_dim3A_1436 = arith.constant 54 : i32
        %broadcast_in_dim3A_1437 = vector.broadcast %broadcast_in_dim3A_1436 : i32 to vector<16xi32>
        %gather3A_1438 = tpu.vector_load_idx %arg5[%add3A_22, %broadcast_in_dim3A_1437] : memref<128x64xf32, #tpu.memory_space<vmem>>[vector<16xi32>, vector<16xi32>], vector<16xf32>,
        %bitcast3A_1439 = vector.bitcast %gather3A_1438 : vector<16xf32> to vector<16xi32>
        %and3A_1440 = arith.constant -64 : i32
        %and3A_1441 = vector.broadcast %and3A_1440 : i32 to vector<16xi32>
        %and3A_1442 = arith.andi %bitcast3A_1439, %and3A_1441 : vector<16xi32>
        %or3A_1443 = arith.constant 9 : i32
        %or3A_1444 = vector.broadcast %or3A_1443 : i32 to vector<16xi32>
        %or3A_1445 = arith.ori %and3A_1442, %or3A_1444 : vector<16xi32>
        %max3A_1446 = arith.maxsi %max3A_1420, %or3A_1445 : vector<16xi32>
        %min3A_1447 = arith.minsi %max3A_1420, %or3A_1445 : vector<16xi32>
        %max3A_1448 = arith.maxsi %max3A_1422, %min3A_1447 : vector<16xi32>
        %min3A_1449 = arith.minsi %max3A_1422, %min3A_1447 : vector<16xi32>
        %max3A_1450 = arith.maxsi %max3A_1424, %min3A_1449 : vector<16xi32>
        %min3A_1451 = arith.minsi %max3A_1424, %min3A_1449 : vector<16xi32>
        %max3A_1452 = arith.maxsi %max3A_1426, %min3A_1451 : vector<16xi32>
        %min3A_1453 = arith.minsi %max3A_1426, %min3A_1451 : vector<16xi32>
        %max3A_1454 = arith.maxsi %max3A_1428, %min3A_1453 : vector<16xi32>
        %min3A_1455 = arith.minsi %max3A_1428, %min3A_1453 : vector<16xi32>
        %max3A_1456 = arith.maxsi %max3A_1430, %min3A_1455 : vector<16xi32>
        %min3A_1457 = arith.minsi %max3A_1430, %min3A_1455 : vector<16xi32>
        %max3A_1458 = arith.maxsi %max3A_1432, %min3A_1457 : vector<16xi32>
        %min3A_1459 = arith.minsi %max3A_1432, %min3A_1457 : vector<16xi32>
        %max3A_1460 = arith.maxsi %max3A_1434, %min3A_1459 : vector<16xi32>
        %min3A_1461 = arith.minsi %max3A_1434, %min3A_1459 : vector<16xi32>
        %broadcast_in_dim3A_1462 = arith.constant 55 : i32
        %broadcast_in_dim3A_1463 = vector.broadcast %broadcast_in_dim3A_1462 : i32 to vector<16xi32>
        %gather3A_1464 = tpu.vector_load_idx %arg5[%add3A_22, %broadcast_in_dim3A_1463] : memref<128x64xf32, #tpu.memory_space<vmem>>[vector<16xi32>, vector<16xi32>], vector<16xf32>,
        %bitcast3A_1465 = vector.bitcast %gather3A_1464 : vector<16xf32> to vector<16xi32>
        %and3A_1466 = arith.constant -64 : i32
        %and3A_1467 = vector.broadcast %and3A_1466 : i32 to vector<16xi32>
        %and3A_1468 = arith.andi %bitcast3A_1465, %and3A_1467 : vector<16xi32>
        %or3A_1469 = arith.constant 8 : i32
        %or3A_1470 = vector.broadcast %or3A_1469 : i32 to vector<16xi32>
        %or3A_1471 = arith.ori %and3A_1468, %or3A_1470 : vector<16xi32>
        %max3A_1472 = arith.maxsi %max3A_1446, %or3A_1471 : vector<16xi32>
        %min3A_1473 = arith.minsi %max3A_1446, %or3A_1471 : vector<16xi32>
        %max3A_1474 = arith.maxsi %max3A_1448, %min3A_1473 : vector<16xi32>
        %min3A_1475 = arith.minsi %max3A_1448, %min3A_1473 : vector<16xi32>
        %max3A_1476 = arith.maxsi %max3A_1450, %min3A_1475 : vector<16xi32>
        %min3A_1477 = arith.minsi %max3A_1450, %min3A_1475 : vector<16xi32>
        %max3A_1478 = arith.maxsi %max3A_1452, %min3A_1477 : vector<16xi32>
        %min3A_1479 = arith.minsi %max3A_1452, %min3A_1477 : vector<16xi32>
        %max3A_1480 = arith.maxsi %max3A_1454, %min3A_1479 : vector<16xi32>
        %min3A_1481 = arith.minsi %max3A_1454, %min3A_1479 : vector<16xi32>
        %max3A_1482 = arith.maxsi %max3A_1456, %min3A_1481 : vector<16xi32>
        %min3A_1483 = arith.minsi %max3A_1456, %min3A_1481 : vector<16xi32>
        %max3A_1484 = arith.maxsi %max3A_1458, %min3A_1483 : vector<16xi32>
        %min3A_1485 = arith.minsi %max3A_1458, %min3A_1483 : vector<16xi32>
        %max3A_1486 = arith.maxsi %max3A_1460, %min3A_1485 : vector<16xi32>
        %min3A_1487 = arith.minsi %max3A_1460, %min3A_1485 : vector<16xi32>
        %broadcast_in_dim3A_1488 = arith.constant 56 : i32
        %broadcast_in_dim3A_1489 = vector.broadcast %broadcast_in_dim3A_1488 : i32 to vector<16xi32>
        %gather3A_1490 = tpu.vector_load_idx %arg5[%add3A_22, %broadcast_in_dim3A_1489] : memref<128x64xf32, #tpu.memory_space<vmem>>[vector<16xi32>, vector<16xi32>], vector<16xf32>,
        %bitcast3A_1491 = vector.bitcast %gather3A_1490 : vector<16xf32> to vector<16xi32>
        %and3A_1492 = arith.constant -64 : i32
        %and3A_1493 = vector.broadcast %and3A_1492 : i32 to vector<16xi32>
        %and3A_1494 = arith.andi %bitcast3A_1491, %and3A_1493 : vector<16xi32>
        %or3A_1495 = arith.constant 7 : i32
        %or3A_1496 = vector.broadcast %or3A_1495 : i32 to vector<16xi32>
        %or3A_1497 = arith.ori %and3A_1494, %or3A_1496 : vector<16xi32>
        %max3A_1498 = arith.maxsi %max3A_1472, %or3A_1497 : vector<16xi32>
        %min3A_1499 = arith.minsi %max3A_1472, %or3A_1497 : vector<16xi32>
        %max3A_1500 = arith.maxsi %max3A_1474, %min3A_1499 : vector<16xi32>
        %min3A_1501 = arith.minsi %max3A_1474, %min3A_1499 : vector<16xi32>
        %max3A_1502 = arith.maxsi %max3A_1476, %min3A_1501 : vector<16xi32>
        %min3A_1503 = arith.minsi %max3A_1476, %min3A_1501 : vector<16xi32>
        %max3A_1504 = arith.maxsi %max3A_1478, %min3A_1503 : vector<16xi32>
        %min3A_1505 = arith.minsi %max3A_1478, %min3A_1503 : vector<16xi32>
        %max3A_1506 = arith.maxsi %max3A_1480, %min3A_1505 : vector<16xi32>
        %min3A_1507 = arith.minsi %max3A_1480, %min3A_1505 : vector<16xi32>
        %max3A_1508 = arith.maxsi %max3A_1482, %min3A_1507 : vector<16xi32>
        %min3A_1509 = arith.minsi %max3A_1482, %min3A_1507 : vector<16xi32>
        %max3A_1510 = arith.maxsi %max3A_1484, %min3A_1509 : vector<16xi32>
        %min3A_1511 = arith.minsi %max3A_1484, %min3A_1509 : vector<16xi32>
        %max3A_1512 = arith.maxsi %max3A_1486, %min3A_1511 : vector<16xi32>
        %min3A_1513 = arith.minsi %max3A_1486, %min3A_1511 : vector<16xi32>
        %broadcast_in_dim3A_1514 = arith.constant 57 : i32
        %broadcast_in_dim3A_1515 = vector.broadcast %broadcast_in_dim3A_1514 : i32 to vector<16xi32>
        %gather3A_1516 = tpu.vector_load_idx %arg5[%add3A_22, %broadcast_in_dim3A_1515] : memref<128x64xf32, #tpu.memory_space<vmem>>[vector<16xi32>, vector<16xi32>], vector<16xf32>,
        %bitcast3A_1517 = vector.bitcast %gather3A_1516 : vector<16xf32> to vector<16xi32>
        %and3A_1518 = arith.constant -64 : i32
        %and3A_1519 = vector.broadcast %and3A_1518 : i32 to vector<16xi32>
        %and3A_1520 = arith.andi %bitcast3A_1517, %and3A_1519 : vector<16xi32>
        %or3A_1521 = arith.constant 6 : i32
        %or3A_1522 = vector.broadcast %or3A_1521 : i32 to vector<16xi32>
        %or3A_1523 = arith.ori %and3A_1520, %or3A_1522 : vector<16xi32>
        %max3A_1524 = arith.maxsi %max3A_1498, %or3A_1523 : vector<16xi32>
        %min3A_1525 = arith.minsi %max3A_1498, %or3A_1523 : vector<16xi32>
        %max3A_1526 = arith.maxsi %max3A_1500, %min3A_1525 : vector<16xi32>
        %min3A_1527 = arith.minsi %max3A_1500, %min3A_1525 : vector<16xi32>
        %max3A_1528 = arith.maxsi %max3A_1502, %min3A_1527 : vector<16xi32>
        %min3A_1529 = arith.minsi %max3A_1502, %min3A_1527 : vector<16xi32>
        %max3A_1530 = arith.maxsi %max3A_1504, %min3A_1529 : vector<16xi32>
        %min3A_1531 = arith.minsi %max3A_1504, %min3A_1529 : vector<16xi32>
        %max3A_1532 = arith.maxsi %max3A_1506, %min3A_1531 : vector<16xi32>
        %min3A_1533 = arith.minsi %max3A_1506, %min3A_1531 : vector<16xi32>
        %max3A_1534 = arith.maxsi %max3A_1508, %min3A_1533 : vector<16xi32>
        %min3A_1535 = arith.minsi %max3A_1508, %min3A_1533 : vector<16xi32>
        %max3A_1536 = arith.maxsi %max3A_1510, %min3A_1535 : vector<16xi32>
        %min3A_1537 = arith.minsi %max3A_1510, %min3A_1535 : vector<16xi32>
        %max3A_1538 = arith.maxsi %max3A_1512, %min3A_1537 : vector<16xi32>
        %min3A_1539 = arith.minsi %max3A_1512, %min3A_1537 : vector<16xi32>
        %broadcast_in_dim3A_1540 = arith.constant 58 : i32
        %broadcast_in_dim3A_1541 = vector.broadcast %broadcast_in_dim3A_1540 : i32 to vector<16xi32>
        %gather3A_1542 = tpu.vector_load_idx %arg5[%add3A_22, %broadcast_in_dim3A_1541] : memref<128x64xf32, #tpu.memory_space<vmem>>[vector<16xi32>, vector<16xi32>], vector<16xf32>,
        %bitcast3A_1543 = vector.bitcast %gather3A_1542 : vector<16xf32> to vector<16xi32>
        %and3A_1544 = arith.constant -64 : i32
        %and3A_1545 = vector.broadcast %and3A_1544 : i32 to vector<16xi32>
        %and3A_1546 = arith.andi %bitcast3A_1543, %and3A_1545 : vector<16xi32>
        %or3A_1547 = arith.constant 5 : i32
        %or3A_1548 = vector.broadcast %or3A_1547 : i32 to vector<16xi32>
        %or3A_1549 = arith.ori %and3A_1546, %or3A_1548 : vector<16xi32>
        %max3A_1550 = arith.maxsi %max3A_1524, %or3A_1549 : vector<16xi32>
        %min3A_1551 = arith.minsi %max3A_1524, %or3A_1549 : vector<16xi32>
        %max3A_1552 = arith.maxsi %max3A_1526, %min3A_1551 : vector<16xi32>
        %min3A_1553 = arith.minsi %max3A_1526, %min3A_1551 : vector<16xi32>
        %max3A_1554 = arith.maxsi %max3A_1528, %min3A_1553 : vector<16xi32>
        %min3A_1555 = arith.minsi %max3A_1528, %min3A_1553 : vector<16xi32>
        %max3A_1556 = arith.maxsi %max3A_1530, %min3A_1555 : vector<16xi32>
        %min3A_1557 = arith.minsi %max3A_1530, %min3A_1555 : vector<16xi32>
        %max3A_1558 = arith.maxsi %max3A_1532, %min3A_1557 : vector<16xi32>
        %min3A_1559 = arith.minsi %max3A_1532, %min3A_1557 : vector<16xi32>
        %max3A_1560 = arith.maxsi %max3A_1534, %min3A_1559 : vector<16xi32>
        %min3A_1561 = arith.minsi %max3A_1534, %min3A_1559 : vector<16xi32>
        %max3A_1562 = arith.maxsi %max3A_1536, %min3A_1561 : vector<16xi32>
        %min3A_1563 = arith.minsi %max3A_1536, %min3A_1561 : vector<16xi32>
        %max3A_1564 = arith.maxsi %max3A_1538, %min3A_1563 : vector<16xi32>
        %min3A_1565 = arith.minsi %max3A_1538, %min3A_1563 : vector<16xi32>
        %broadcast_in_dim3A_1566 = arith.constant 59 : i32
        %broadcast_in_dim3A_1567 = vector.broadcast %broadcast_in_dim3A_1566 : i32 to vector<16xi32>
        %gather3A_1568 = tpu.vector_load_idx %arg5[%add3A_22, %broadcast_in_dim3A_1567] : memref<128x64xf32, #tpu.memory_space<vmem>>[vector<16xi32>, vector<16xi32>], vector<16xf32>,
        %bitcast3A_1569 = vector.bitcast %gather3A_1568 : vector<16xf32> to vector<16xi32>
        %and3A_1570 = arith.constant -64 : i32
        %and3A_1571 = vector.broadcast %and3A_1570 : i32 to vector<16xi32>
        %and3A_1572 = arith.andi %bitcast3A_1569, %and3A_1571 : vector<16xi32>
        %or3A_1573 = arith.constant 4 : i32
        %or3A_1574 = vector.broadcast %or3A_1573 : i32 to vector<16xi32>
        %or3A_1575 = arith.ori %and3A_1572, %or3A_1574 : vector<16xi32>
        %max3A_1576 = arith.maxsi %max3A_1550, %or3A_1575 : vector<16xi32>
        %min3A_1577 = arith.minsi %max3A_1550, %or3A_1575 : vector<16xi32>
        %max3A_1578 = arith.maxsi %max3A_1552, %min3A_1577 : vector<16xi32>
        %min3A_1579 = arith.minsi %max3A_1552, %min3A_1577 : vector<16xi32>
        %max3A_1580 = arith.maxsi %max3A_1554, %min3A_1579 : vector<16xi32>
        %min3A_1581 = arith.minsi %max3A_1554, %min3A_1579 : vector<16xi32>
        %max3A_1582 = arith.maxsi %max3A_1556, %min3A_1581 : vector<16xi32>
        %min3A_1583 = arith.minsi %max3A_1556, %min3A_1581 : vector<16xi32>
        %max3A_1584 = arith.maxsi %max3A_1558, %min3A_1583 : vector<16xi32>
        %min3A_1585 = arith.minsi %max3A_1558, %min3A_1583 : vector<16xi32>
        %max3A_1586 = arith.maxsi %max3A_1560, %min3A_1585 : vector<16xi32>
        %min3A_1587 = arith.minsi %max3A_1560, %min3A_1585 : vector<16xi32>
        %max3A_1588 = arith.maxsi %max3A_1562, %min3A_1587 : vector<16xi32>
        %min3A_1589 = arith.minsi %max3A_1562, %min3A_1587 : vector<16xi32>
        %max3A_1590 = arith.maxsi %max3A_1564, %min3A_1589 : vector<16xi32>
        %min3A_1591 = arith.minsi %max3A_1564, %min3A_1589 : vector<16xi32>
        %broadcast_in_dim3A_1592 = arith.constant 60 : i32
        %broadcast_in_dim3A_1593 = vector.broadcast %broadcast_in_dim3A_1592 : i32 to vector<16xi32>
        %gather3A_1594 = tpu.vector_load_idx %arg5[%add3A_22, %broadcast_in_dim3A_1593] : memref<128x64xf32, #tpu.memory_space<vmem>>[vector<16xi32>, vector<16xi32>], vector<16xf32>,
        %bitcast3A_1595 = vector.bitcast %gather3A_1594 : vector<16xf32> to vector<16xi32>
        %and3A_1596 = arith.constant -64 : i32
        %and3A_1597 = vector.broadcast %and3A_1596 : i32 to vector<16xi32>
        %and3A_1598 = arith.andi %bitcast3A_1595, %and3A_1597 : vector<16xi32>
        %or3A_1599 = arith.constant 3 : i32
        %or3A_1600 = vector.broadcast %or3A_1599 : i32 to vector<16xi32>
        %or3A_1601 = arith.ori %and3A_1598, %or3A_1600 : vector<16xi32>
        %max3A_1602 = arith.maxsi %max3A_1576, %or3A_1601 : vector<16xi32>
        %min3A_1603 = arith.minsi %max3A_1576, %or3A_1601 : vector<16xi32>
        %max3A_1604 = arith.maxsi %max3A_1578, %min3A_1603 : vector<16xi32>
        %min3A_1605 = arith.minsi %max3A_1578, %min3A_1603 : vector<16xi32>
        %max3A_1606 = arith.maxsi %max3A_1580, %min3A_1605 : vector<16xi32>
        %min3A_1607 = arith.minsi %max3A_1580, %min3A_1605 : vector<16xi32>
        %max3A_1608 = arith.maxsi %max3A_1582, %min3A_1607 : vector<16xi32>
        %min3A_1609 = arith.minsi %max3A_1582, %min3A_1607 : vector<16xi32>
        %max3A_1610 = arith.maxsi %max3A_1584, %min3A_1609 : vector<16xi32>
        %min3A_1611 = arith.minsi %max3A_1584, %min3A_1609 : vector<16xi32>
        %max3A_1612 = arith.maxsi %max3A_1586, %min3A_1611 : vector<16xi32>
        %min3A_1613 = arith.minsi %max3A_1586, %min3A_1611 : vector<16xi32>
        %max3A_1614 = arith.maxsi %max3A_1588, %min3A_1613 : vector<16xi32>
        %min3A_1615 = arith.minsi %max3A_1588, %min3A_1613 : vector<16xi32>
        %max3A_1616 = arith.maxsi %max3A_1590, %min3A_1615 : vector<16xi32>
        %min3A_1617 = arith.minsi %max3A_1590, %min3A_1615 : vector<16xi32>
        %broadcast_in_dim3A_1618 = arith.constant 61 : i32
        %broadcast_in_dim3A_1619 = vector.broadcast %broadcast_in_dim3A_1618 : i32 to vector<16xi32>
        %gather3A_1620 = tpu.vector_load_idx %arg5[%add3A_22, %broadcast_in_dim3A_1619] : memref<128x64xf32, #tpu.memory_space<vmem>>[vector<16xi32>, vector<16xi32>], vector<16xf32>,
        %bitcast3A_1621 = vector.bitcast %gather3A_1620 : vector<16xf32> to vector<16xi32>
        %and3A_1622 = arith.constant -64 : i32
        %and3A_1623 = vector.broadcast %and3A_1622 : i32 to vector<16xi32>
        %and3A_1624 = arith.andi %bitcast3A_1621, %and3A_1623 : vector<16xi32>
        %or3A_1625 = arith.constant 2 : i32
        %or3A_1626 = vector.broadcast %or3A_1625 : i32 to vector<16xi32>
        %or3A_1627 = arith.ori %and3A_1624, %or3A_1626 : vector<16xi32>
        %max3A_1628 = arith.maxsi %max3A_1602, %or3A_1627 : vector<16xi32>
        %min3A_1629 = arith.minsi %max3A_1602, %or3A_1627 : vector<16xi32>
        %max3A_1630 = arith.maxsi %max3A_1604, %min3A_1629 : vector<16xi32>
        %min3A_1631 = arith.minsi %max3A_1604, %min3A_1629 : vector<16xi32>
        %max3A_1632 = arith.maxsi %max3A_1606, %min3A_1631 : vector<16xi32>
        %min3A_1633 = arith.minsi %max3A_1606, %min3A_1631 : vector<16xi32>
        %max3A_1634 = arith.maxsi %max3A_1608, %min3A_1633 : vector<16xi32>
        %min3A_1635 = arith.minsi %max3A_1608, %min3A_1633 : vector<16xi32>
        %max3A_1636 = arith.maxsi %max3A_1610, %min3A_1635 : vector<16xi32>
        %min3A_1637 = arith.minsi %max3A_1610, %min3A_1635 : vector<16xi32>
        %max3A_1638 = arith.maxsi %max3A_1612, %min3A_1637 : vector<16xi32>
        %min3A_1639 = arith.minsi %max3A_1612, %min3A_1637 : vector<16xi32>
        %max3A_1640 = arith.maxsi %max3A_1614, %min3A_1639 : vector<16xi32>
        %min3A_1641 = arith.minsi %max3A_1614, %min3A_1639 : vector<16xi32>
        %max3A_1642 = arith.maxsi %max3A_1616, %min3A_1641 : vector<16xi32>
        %min3A_1643 = arith.minsi %max3A_1616, %min3A_1641 : vector<16xi32>
        %broadcast_in_dim3A_1644 = arith.constant 62 : i32
        %broadcast_in_dim3A_1645 = vector.broadcast %broadcast_in_dim3A_1644 : i32 to vector<16xi32>
        %gather3A_1646 = tpu.vector_load_idx %arg5[%add3A_22, %broadcast_in_dim3A_1645] : memref<128x64xf32, #tpu.memory_space<vmem>>[vector<16xi32>, vector<16xi32>], vector<16xf32>,
        %bitcast3A_1647 = vector.bitcast %gather3A_1646 : vector<16xf32> to vector<16xi32>
        %and3A_1648 = arith.constant -64 : i32
        %and3A_1649 = vector.broadcast %and3A_1648 : i32 to vector<16xi32>
        %and3A_1650 = arith.andi %bitcast3A_1647, %and3A_1649 : vector<16xi32>
        %or3A_1651 = arith.constant 1 : i32
        %or3A_1652 = vector.broadcast %or3A_1651 : i32 to vector<16xi32>
        %or3A_1653 = arith.ori %and3A_1650, %or3A_1652 : vector<16xi32>
        %max3A_1654 = arith.maxsi %max3A_1628, %or3A_1653 : vector<16xi32>
        %min3A_1655 = arith.minsi %max3A_1628, %or3A_1653 : vector<16xi32>
        %max3A_1656 = arith.maxsi %max3A_1630, %min3A_1655 : vector<16xi32>
        %min3A_1657 = arith.minsi %max3A_1630, %min3A_1655 : vector<16xi32>
        %max3A_1658 = arith.maxsi %max3A_1632, %min3A_1657 : vector<16xi32>
        %min3A_1659 = arith.minsi %max3A_1632, %min3A_1657 : vector<16xi32>
        %max3A_1660 = arith.maxsi %max3A_1634, %min3A_1659 : vector<16xi32>
        %min3A_1661 = arith.minsi %max3A_1634, %min3A_1659 : vector<16xi32>
        %max3A_1662 = arith.maxsi %max3A_1636, %min3A_1661 : vector<16xi32>
        %min3A_1663 = arith.minsi %max3A_1636, %min3A_1661 : vector<16xi32>
        %max3A_1664 = arith.maxsi %max3A_1638, %min3A_1663 : vector<16xi32>
        %min3A_1665 = arith.minsi %max3A_1638, %min3A_1663 : vector<16xi32>
        %max3A_1666 = arith.maxsi %max3A_1640, %min3A_1665 : vector<16xi32>
        %min3A_1667 = arith.minsi %max3A_1640, %min3A_1665 : vector<16xi32>
        %max3A_1668 = arith.maxsi %max3A_1642, %min3A_1667 : vector<16xi32>
        %min3A_1669 = arith.minsi %max3A_1642, %min3A_1667 : vector<16xi32>
        %broadcast_in_dim3A_1670 = arith.constant 63 : i32
        %broadcast_in_dim3A_1671 = vector.broadcast %broadcast_in_dim3A_1670 : i32 to vector<16xi32>
        %gather3A_1672 = tpu.vector_load_idx %arg5[%add3A_22, %broadcast_in_dim3A_1671] : memref<128x64xf32, #tpu.memory_space<vmem>>[vector<16xi32>, vector<16xi32>], vector<16xf32>,
        %bitcast3A_1673 = vector.bitcast %gather3A_1672 : vector<16xf32> to vector<16xi32>
        %and3A_1674 = arith.constant -64 : i32
        %and3A_1675 = vector.broadcast %and3A_1674 : i32 to vector<16xi32>
        %and3A_1676 = arith.andi %bitcast3A_1673, %and3A_1675 : vector<16xi32>
        %or3A_1677 = arith.constant 0 : i32
        %or3A_1678 = vector.broadcast %or3A_1677 : i32 to vector<16xi32>
        %or3A_1679 = arith.ori %and3A_1676, %or3A_1678 : vector<16xi32>
        %max3A_1680 = arith.maxsi %max3A_1654, %or3A_1679 : vector<16xi32>
        %min3A_1681 = arith.minsi %max3A_1654, %or3A_1679 : vector<16xi32>
        %max3A_1682 = arith.maxsi %max3A_1656, %min3A_1681 : vector<16xi32>
        %min3A_1683 = arith.minsi %max3A_1656, %min3A_1681 : vector<16xi32>
        %max3A_1684 = arith.maxsi %max3A_1658, %min3A_1683 : vector<16xi32>
        %min3A_1685 = arith.minsi %max3A_1658, %min3A_1683 : vector<16xi32>
        %max3A_1686 = arith.maxsi %max3A_1660, %min3A_1685 : vector<16xi32>
        %min3A_1687 = arith.minsi %max3A_1660, %min3A_1685 : vector<16xi32>
        %max3A_1688 = arith.maxsi %max3A_1662, %min3A_1687 : vector<16xi32>
        %min3A_1689 = arith.minsi %max3A_1662, %min3A_1687 : vector<16xi32>
        %max3A_1690 = arith.maxsi %max3A_1664, %min3A_1689 : vector<16xi32>
        %min3A_1691 = arith.minsi %max3A_1664, %min3A_1689 : vector<16xi32>
        %max3A_1692 = arith.maxsi %max3A_1666, %min3A_1691 : vector<16xi32>
        %min3A_1693 = arith.minsi %max3A_1666, %min3A_1691 : vector<16xi32>
        %max3A_1694 = arith.maxsi %max3A_1668, %min3A_1693 : vector<16xi32>
        %min3A_1695 = arith.minsi %max3A_1668, %min3A_1693 : vector<16xi32>
        %and3A_1696 = arith.constant 63 : i32
        %and3A_1697 = vector.broadcast %and3A_1696 : i32 to vector<16xi32>
        %and3A_1698 = arith.andi %max3A_1680, %and3A_1697 : vector<16xi32>
        %sub3A = arith.constant 63 : i32
        %sub3A_1699 = vector.broadcast %sub3A : i32 to vector<16xi32>
        %sub3A_1700 = arith.subi %sub3A_1699, %and3A_1698 : vector<16xi32>
        %gather3A_1701 = tpu.vector_load_idx %arg5[%add3A_22, %sub3A_1700] : memref<128x64xf32, #tpu.memory_space<vmem>>[vector<16xi32>, vector<16xi32>], vector<16xf32>,
        %broadcast_in_dim3A_1702 = arith.constant 0 : i32
        %broadcast_in_dim3A_1703 = vector.broadcast %broadcast_in_dim3A_1702 : i32 to vector<16xi32>
        tpu.vector_store_idx %arg6[%add3A_22, %broadcast_in_dim3A_1703], %gather3A_1701 : memref<128x8xf32, #tpu.memory_space<vmem>>[vector<16xi32>, vector<16xi32>], vector<16xf32>,
        tpu.vector_store_idx %arg7[%add3A_22, %broadcast_in_dim3A_1703], %sub3A_1700 : memref<128x8xi32, #tpu.memory_space<vmem>>[vector<16xi32>, vector<16xi32>], vector<16xi32>,
        %and3A_1704 = arith.constant 63 : i32
        %and3A_1705 = vector.broadcast %and3A_1704 : i32 to vector<16xi32>
        %and3A_1706 = arith.andi %max3A_1682, %and3A_1705 : vector<16xi32>
        %sub3A_1707 = arith.constant 63 : i32
        %sub3A_1708 = vector.broadcast %sub3A_1707 : i32 to vector<16xi32>
        %sub3A_1709 = arith.subi %sub3A_1708, %and3A_1706 : vector<16xi32>
        %gather3A_1710 = tpu.vector_load_idx %arg5[%add3A_22, %sub3A_1709] : memref<128x64xf32, #tpu.memory_space<vmem>>[vector<16xi32>, vector<16xi32>], vector<16xf32>,
        %broadcast_in_dim3A_1711 = arith.constant 1 : i32
        %broadcast_in_dim3A_1712 = vector.broadcast %broadcast_in_dim3A_1711 : i32 to vector<16xi32>
        tpu.vector_store_idx %arg6[%add3A_22, %broadcast_in_dim3A_1712], %gather3A_1710 : memref<128x8xf32, #tpu.memory_space<vmem>>[vector<16xi32>, vector<16xi32>], vector<16xf32>,
        tpu.vector_store_idx %arg7[%add3A_22, %broadcast_in_dim3A_1712], %sub3A_1709 : memref<128x8xi32, #tpu.memory_space<vmem>>[vector<16xi32>, vector<16xi32>], vector<16xi32>,
        %and3A_1713 = arith.constant 63 : i32
        %and3A_1714 = vector.broadcast %and3A_1713 : i32 to vector<16xi32>
        %and3A_1715 = arith.andi %max3A_1684, %and3A_1714 : vector<16xi32>
        %sub3A_1716 = arith.constant 63 : i32
        %sub3A_1717 = vector.broadcast %sub3A_1716 : i32 to vector<16xi32>
        %sub3A_1718 = arith.subi %sub3A_1717, %and3A_1715 : vector<16xi32>
        %gather3A_1719 = tpu.vector_load_idx %arg5[%add3A_22, %sub3A_1718] : memref<128x64xf32, #tpu.memory_space<vmem>>[vector<16xi32>, vector<16xi32>], vector<16xf32>,
        %broadcast_in_dim3A_1720 = arith.constant 2 : i32
        %broadcast_in_dim3A_1721 = vector.broadcast %broadcast_in_dim3A_1720 : i32 to vector<16xi32>
        tpu.vector_store_idx %arg6[%add3A_22, %broadcast_in_dim3A_1721], %gather3A_1719 : memref<128x8xf32, #tpu.memory_space<vmem>>[vector<16xi32>, vector<16xi32>], vector<16xf32>,
        tpu.vector_store_idx %arg7[%add3A_22, %broadcast_in_dim3A_1721], %sub3A_1718 : memref<128x8xi32, #tpu.memory_space<vmem>>[vector<16xi32>, vector<16xi32>], vector<16xi32>,
        %and3A_1722 = arith.constant 63 : i32
        %and3A_1723 = vector.broadcast %and3A_1722 : i32 to vector<16xi32>
        %and3A_1724 = arith.andi %max3A_1686, %and3A_1723 : vector<16xi32>
        %sub3A_1725 = arith.constant 63 : i32
        %sub3A_1726 = vector.broadcast %sub3A_1725 : i32 to vector<16xi32>
        %sub3A_1727 = arith.subi %sub3A_1726, %and3A_1724 : vector<16xi32>
        %gather3A_1728 = tpu.vector_load_idx %arg5[%add3A_22, %sub3A_1727] : memref<128x64xf32, #tpu.memory_space<vmem>>[vector<16xi32>, vector<16xi32>], vector<16xf32>,
        %broadcast_in_dim3A_1729 = arith.constant 3 : i32
        %broadcast_in_dim3A_1730 = vector.broadcast %broadcast_in_dim3A_1729 : i32 to vector<16xi32>
        tpu.vector_store_idx %arg6[%add3A_22, %broadcast_in_dim3A_1730], %gather3A_1728 : memref<128x8xf32, #tpu.memory_space<vmem>>[vector<16xi32>, vector<16xi32>], vector<16xf32>,
        tpu.vector_store_idx %arg7[%add3A_22, %broadcast_in_dim3A_1730], %sub3A_1727 : memref<128x8xi32, #tpu.memory_space<vmem>>[vector<16xi32>, vector<16xi32>], vector<16xi32>,
        %and3A_1731 = arith.constant 63 : i32
        %and3A_1732 = vector.broadcast %and3A_1731 : i32 to vector<16xi32>
        %and3A_1733 = arith.andi %max3A_1688, %and3A_1732 : vector<16xi32>
        %sub3A_1734 = arith.constant 63 : i32
        %sub3A_1735 = vector.broadcast %sub3A_1734 : i32 to vector<16xi32>
        %sub3A_1736 = arith.subi %sub3A_1735, %and3A_1733 : vector<16xi32>
        %gather3A_1737 = tpu.vector_load_idx %arg5[%add3A_22, %sub3A_1736] : memref<128x64xf32, #tpu.memory_space<vmem>>[vector<16xi32>, vector<16xi32>], vector<16xf32>,
        %broadcast_in_dim3A_1738 = arith.constant 4 : i32
        %broadcast_in_dim3A_1739 = vector.broadcast %broadcast_in_dim3A_1738 : i32 to vector<16xi32>
        tpu.vector_store_idx %arg6[%add3A_22, %broadcast_in_dim3A_1739], %gather3A_1737 : memref<128x8xf32, #tpu.memory_space<vmem>>[vector<16xi32>, vector<16xi32>], vector<16xf32>,
        tpu.vector_store_idx %arg7[%add3A_22, %broadcast_in_dim3A_1739], %sub3A_1736 : memref<128x8xi32, #tpu.memory_space<vmem>>[vector<16xi32>, vector<16xi32>], vector<16xi32>,
        %and3A_1740 = arith.constant 63 : i32
        %and3A_1741 = vector.broadcast %and3A_1740 : i32 to vector<16xi32>
        %and3A_1742 = arith.andi %max3A_1690, %and3A_1741 : vector<16xi32>
        %sub3A_1743 = arith.constant 63 : i32
        %sub3A_1744 = vector.broadcast %sub3A_1743 : i32 to vector<16xi32>
        %sub3A_1745 = arith.subi %sub3A_1744, %and3A_1742 : vector<16xi32>
        %gather3A_1746 = tpu.vector_load_idx %arg5[%add3A_22, %sub3A_1745] : memref<128x64xf32, #tpu.memory_space<vmem>>[vector<16xi32>, vector<16xi32>], vector<16xf32>,
        %broadcast_in_dim3A_1747 = arith.constant 5 : i32
        %broadcast_in_dim3A_1748 = vector.broadcast %broadcast_in_dim3A_1747 : i32 to vector<16xi32>
        tpu.vector_store_idx %arg6[%add3A_22, %broadcast_in_dim3A_1748], %gather3A_1746 : memref<128x8xf32, #tpu.memory_space<vmem>>[vector<16xi32>, vector<16xi32>], vector<16xf32>,
        tpu.vector_store_idx %arg7[%add3A_22, %broadcast_in_dim3A_1748], %sub3A_1745 : memref<128x8xi32, #tpu.memory_space<vmem>>[vector<16xi32>, vector<16xi32>], vector<16xi32>,
        %and3A_1749 = arith.constant 63 : i32
        %and3A_1750 = vector.broadcast %and3A_1749 : i32 to vector<16xi32>
        %and3A_1751 = arith.andi %max3A_1692, %and3A_1750 : vector<16xi32>
        %sub3A_1752 = arith.constant 63 : i32
        %sub3A_1753 = vector.broadcast %sub3A_1752 : i32 to vector<16xi32>
        %sub3A_1754 = arith.subi %sub3A_1753, %and3A_1751 : vector<16xi32>
        %gather3A_1755 = tpu.vector_load_idx %arg5[%add3A_22, %sub3A_1754] : memref<128x64xf32, #tpu.memory_space<vmem>>[vector<16xi32>, vector<16xi32>], vector<16xf32>,
        %broadcast_in_dim3A_1756 = arith.constant 6 : i32
        %broadcast_in_dim3A_1757 = vector.broadcast %broadcast_in_dim3A_1756 : i32 to vector<16xi32>
        tpu.vector_store_idx %arg6[%add3A_22, %broadcast_in_dim3A_1757], %gather3A_1755 : memref<128x8xf32, #tpu.memory_space<vmem>>[vector<16xi32>, vector<16xi32>], vector<16xf32>,
        tpu.vector_store_idx %arg7[%add3A_22, %broadcast_in_dim3A_1757], %sub3A_1754 : memref<128x8xi32, #tpu.memory_space<vmem>>[vector<16xi32>, vector<16xi32>], vector<16xi32>,
        %and3A_1758 = arith.constant 63 : i32
        %and3A_1759 = vector.broadcast %and3A_1758 : i32 to vector<16xi32>
        %and3A_1760 = arith.andi %max3A_1694, %and3A_1759 : vector<16xi32>
        %sub3A_1761 = arith.constant 63 : i32
        %sub3A_1762 = vector.broadcast %sub3A_1761 : i32 to vector<16xi32>
        %sub3A_1763 = arith.subi %sub3A_1762, %and3A_1760 : vector<16xi32>
        %gather3A_1764 = tpu.vector_load_idx %arg5[%add3A_22, %sub3A_1763] : memref<128x64xf32, #tpu.memory_space<vmem>>[vector<16xi32>, vector<16xi32>], vector<16xf32>,
        %broadcast_in_dim3A_1765 = arith.constant 7 : i32
        %broadcast_in_dim3A_1766 = vector.broadcast %broadcast_in_dim3A_1765 : i32 to vector<16xi32>
        tpu.vector_store_idx %arg6[%add3A_22, %broadcast_in_dim3A_1766], %gather3A_1764 : memref<128x8xf32, #tpu.memory_space<vmem>>[vector<16xi32>, vector<16xi32>], vector<16xf32>,
        tpu.vector_store_idx %arg7[%add3A_22, %broadcast_in_dim3A_1766], %sub3A_1763 : memref<128x8xi32, #tpu.memory_space<vmem>>[vector<16xi32>, vector<16xi32>], vector<16xi32>,
      }
      %scan3A_17 = arith.constant 8 : i32
      "tpu.region"() ({
        %run_scoped3A = tpu.sem_alloc : memref<!tpu.dma_semaphore, #tpu.memory_space<semaphore_mem>>
        %dma_start3A = arith.constant 0 : i32
        %dma_start3A_18 = tpu.memref_slice %arg3[%add3A_11, %dma_start3A] : memref<32768x8xf32, #tpu.memory_space<hbm>> -> memref<128x8xf32, #tpu.memory_space<hbm>>
        %dma_start3A_19 = arith.constant 0 : i32
        %dma_start3A_20 = tpu.memref_slice %arg3[%add3A_11, %dma_start3A_19] : memref<32768x8xf32, #tpu.memory_space<hbm>> -> memref<128x8xf32, #tpu.memory_space<hbm>>
        tpu.enqueue_dma source(%arg6 : memref<128x8xf32, #tpu.memory_space<vmem>>) target(%dma_start3A_20 : memref<128x8xf32, #tpu.memory_space<hbm>>) target_semaphore(%run_scoped3A : memref<!tpu.dma_semaphore, #tpu.memory_space<semaphore_mem>>)
        %dma_wait3A = arith.constant 0 : i32
        %dma_wait3A_21 = tpu.memref_slice %arg3[%add3A_11, %dma_wait3A] : memref<32768x8xf32, #tpu.memory_space<hbm>> -> memref<128x8xf32, #tpu.memory_space<hbm>>
        %dma_wait3A_22 = arith.constant 0 : i32
        %dma_wait3A_23 = tpu.memref_slice %arg3[%add3A_11, %dma_wait3A_22] : memref<32768x8xf32, #tpu.memory_space<hbm>> -> memref<128x8xf32, #tpu.memory_space<hbm>>
        tpu.wait_dma2 semaphore(%run_scoped3A : memref<!tpu.dma_semaphore, #tpu.memory_space<semaphore_mem>>) src(%arg6 : memref<128x8xf32, #tpu.memory_space<vmem>>) dst(%dma_wait3A_23 : memref<128x8xf32, #tpu.memory_space<hbm>>)
        tpu.yield
      }) : () -> ()
      "tpu.region"() ({
        %run_scoped3A = tpu.sem_alloc : memref<!tpu.dma_semaphore, #tpu.memory_space<semaphore_mem>>
        %dma_start3A = arith.constant 0 : i32
        %dma_start3A_18 = tpu.memref_slice %arg4[%add3A_11, %dma_start3A] : memref<32768x8xi32, #tpu.memory_space<hbm>> -> memref<128x8xi32, #tpu.memory_space<hbm>>
        %dma_start3A_19 = arith.constant 0 : i32
        %dma_start3A_20 = tpu.memref_slice %arg4[%add3A_11, %dma_start3A_19] : memref<32768x8xi32, #tpu.memory_space<hbm>> -> memref<128x8xi32, #tpu.memory_space<hbm>>
        tpu.enqueue_dma source(%arg7 : memref<128x8xi32, #tpu.memory_space<vmem>>) target(%dma_start3A_20 : memref<128x8xi32, #tpu.memory_space<hbm>>) target_semaphore(%run_scoped3A : memref<!tpu.dma_semaphore, #tpu.memory_space<semaphore_mem>>)
        %dma_wait3A = arith.constant 0 : i32
        %dma_wait3A_21 = tpu.memref_slice %arg4[%add3A_11, %dma_wait3A] : memref<32768x8xi32, #tpu.memory_space<hbm>> -> memref<128x8xi32, #tpu.memory_space<hbm>>
        %dma_wait3A_22 = arith.constant 0 : i32
        %dma_wait3A_23 = tpu.memref_slice %arg4[%add3A_11, %dma_wait3A_22] : memref<32768x8xi32, #tpu.memory_space<hbm>> -> memref<128x8xi32, #tpu.memory_space<hbm>>
        tpu.wait_dma2 semaphore(%run_scoped3A : memref<!tpu.dma_semaphore, #tpu.memory_space<semaphore_mem>>) src(%arg7 : memref<128x8xi32, #tpu.memory_space<vmem>>) dst(%dma_wait3A_23 : memref<128x8xi32, #tpu.memory_space<hbm>>)
        tpu.yield
      }) : () -> ()
    }
    %scan3A_7 = arith.constant 8 : i32
    return
  }
}

module attributes {stable_mosaic.version = 14 : i64} {
  func.func @_softmax_block(%arg0: i32, %arg1: memref<1024x4096xf32, #tpu.memory_space<vmem>>, %arg2: memref<64x4096xf32, #tpu.memory_space<vmem>>, %arg3: memref<1024x64xf32, #tpu.memory_space<vmem>>) attributes {dimension_semantics = [#tpu.dimension_semantics<arbitrary>], iteration_bounds = array<i64: 32>, scalar_prefetch = 0 : i64, scratch_operands = 0 : i64, tpu.core_type = #tpu.core_type<tc>, window_params = [{transform_indices = @transform_0, window_bounds = array<i64: 1024, 4096>}, {pipeline_mode = #tpu.pipeline_mode<synchronous>, transform_indices = @transform_1, window_bounds = array<i64: 64, 4096>}, {transform_indices = @transform_2, window_bounds = array<i64: 1024, 64>}]} {
    %get3A = arith.constant 0 : index
    %get3A_0 = arith.constant 0 : index
    %get3A_1 = vector.load %arg1[%get3A, %get3A_0] : memref<1024x4096xf32, #tpu.memory_space<vmem>>, vector<1024x4096xf32>
    %convert_element_type3A = arith.truncf %get3A_1 : vector<1024x4096xf32> to vector<1024x4096xbf16>
    %get3A_2 = arith.constant 0 : index
    %get3A_3 = arith.constant 0 : index
    %get3A_4 = vector.load %arg2[%get3A_2, %get3A_3] : memref<64x4096xf32, #tpu.memory_space<vmem>>, vector<64x4096xf32>
    %convert_element_type3A_5 = arith.truncf %get3A_4 : vector<64x4096xf32> to vector<64x4096xbf16>
    %dot_general3A = arith.constant dense<0.000000e+00> : vector<1024x64xf32>
    %dot_general3A_6 = tpu.matmul %convert_element_type3A, %convert_element_type3A_5, %dot_general3A {dimension_numbers = #tpu.dot_dimension_numbers<[1], [1], [0], [0], [0, 0, 1, 0], [], []>, transpose_lhs_hint = false} : vector<1024x4096xbf16>, vector<64x4096xbf16>, vector<1024x64xf32> -> vector<1024x64xf32>
    %reduce_max3A = arith.constant dense<0xFF800000> : vector<1024xf32>
    %reduce_max3A_7 = vector.multi_reduction <maximumf>, %dot_general3A_6, %reduce_max3A [1] : vector<1024x64xf32> to vector<1024xf32>
    %broadcast_in_dim3A = vector.shape_cast %reduce_max3A_7 : vector<1024xf32> to vector<1024x1xf32>
    %sub3A = vector.broadcast %broadcast_in_dim3A : vector<1024x1xf32> to vector<1024x64xf32>
    %sub3A_8 = arith.subf %dot_general3A_6, %sub3A : vector<1024x64xf32>
    %exp3A = math.exp %sub3A_8 : vector<1024x64xf32>
    %reduce_sum3A = arith.constant dense<0.000000e+00> : vector<1024xf32>
    %reduce_sum3A_9 = vector.multi_reduction <add>, %exp3A, %reduce_sum3A [1] : vector<1024x64xf32> to vector<1024xf32>
    %broadcast_in_dim3A_10 = vector.shape_cast %reduce_sum3A_9 : vector<1024xf32> to vector<1024x1xf32>
    %div3A = vector.broadcast %broadcast_in_dim3A_10 : vector<1024x1xf32> to vector<1024x64xf32>
    %div3A_11 = arith.divf %exp3A, %div3A : vector<1024x64xf32>
    %swap3A = arith.constant 0 : index
    %swap3A_12 = arith.constant 0 : index
    %swap3A_13 = vector.load %arg3[%swap3A, %swap3A_12] : memref<1024x64xf32, #tpu.memory_space<vmem>>, vector<1024x64xf32>
    tpu.vector_store %arg3[%swap3A, %swap3A_12], %div3A_11 {strides = array<i32>} : memref<1024x64xf32, #tpu.memory_space<vmem>>, vector<1024x64xf32>,
    return
  }
  func.func @transform_0(%arg0: i32) -> (i32, i32) {
    %c0_i32 = arith.constant 0 : i32
    %c0_i32_0 = arith.constant 0 : i32
    return %arg0, %c0_i32 : i32, i32
  }
  func.func @transform_1(%arg0: i32) -> (i32, i32) {
    %c0_i32 = arith.constant 0 : i32
    %c0_i32_0 = arith.constant 0 : i32
    %c0_i32_1 = arith.constant 0 : i32
    return %c0_i32, %c0_i32_0 : i32, i32
  }
  func.func @transform_2(%arg0: i32) -> (i32, i32) {
    %c0_i32 = arith.constant 0 : i32
    %c0_i32_0 = arith.constant 0 : i32
    return %arg0, %c0_i32 : i32, i32
  }
}

</mosaic_0001>

<sc_bundles>
// kernel: kernel.4.cloned.1.call-start
scs
__scs_entry_jumppad:
0x0: {  	(pc) =	sbr.rel $0x88, $3  }
0x1: {  	(tag) =	ssettag $0x0;
	lr =	simm.s32 $0x1  }
0x2: {  	[smem:$0x3F9F] =	sst lr;
	_ =	strace $0xD0000000  }
0x3: {  	_ = 	snop  }
0x4: {  	_ = 	snop  }
0x5: {  	_ = 	snop  }
0x6: {  	_ = 	snop  }
0x7: {  	_ = 	snop  }
__scs_overlays_trampoline_lowered:
0x8: {  	[smem:$0x3FAE] =	sst s0  }
0x9: {  	[smem:$0x3FAF] =	sst s1  }
0xa: {  	[smem:$0x3FB0] =	sst s2  }
0xb: {  	[smem:$0x3FB1] =	sst s3  }
0xc: {  	[smem:$0x3FB2] =	sst s4  }
0xd: {  	[smem:$0x3FB3] =	sst s5  }
0xe: {  	[smem:$0x3FB4] =	sst s6  }
0xf: {  	[smem:$0x3FB5] =	sst s7  }
0x10: {  	[smem:$0x3FB6] =	sst s8  }
0x11: {  	[smem:$0x3FB7] =	sst s9;
	s0 =	simm.s32 @!p0 $0x0  }
0x12: {  	s1 =	sld [smem:$0x3F9D];
	s0 =	simm.s32 @p0 $0x1  }
0x13: {  	[smem:$0x3FB8] =	sst s0;
	s0 =	simm.s32 @!p1 $0x0  }
0x14: {  	s2 =	sld [smem:$0x3F9C];
	s0 =	simm.s32 @p1 $0x1  }
0x15: {  	[smem:$0x3FB9] =	sst s0;
	s0 =	simm.s32 @!p2 $0x0  }
0x16: {  	s3 =	sld [smem:$0x3FDB];
	s0 =	simm.s32 @p2 $0x1  }
0x17: {  	s4 =	simm.s32 $0x1BF5;
	[smem:$0x3FBB] =	sst s0  }
0x18: {  	s0 =	sld [smem:$0x3F9E];
	_ =	swait.ge [sflag:s4], $0x0  }
0x19: {  	s7 =	sld [smem:$0x3F9F]  }
0x1a: {  	s8 =	sadd.s32 $0xFFFFE003, lr  }
0x1b: {  	s9 =	sadd.s32 $0xFFFFFEF7, lr;
	s5 =	simm.s32 $0xFFFFFFFF;
	p2 =	slt.u32 s8, $0xFFFFF086  }
0x1c: {  	p1 =	slt.u32 s9, $0xF7A;
	s5 =	simm.s32 @!p2 $0x0  }
0x1d: {  	s5 =	simm.s32 @p1 $0x1;
	p0 =	seq.s32 s7, s2  }
0x1e: {  	s7 =	smul.u32 @!p0 $0xF7A, s2;
	p2 =	seq.s32 @!p0 s5, $0x0  }
0x1f: {  	s9 =	smul.u32 $0xF7A, s1;
	s8 =	simm.s32 @!p0 $0x1BF5;
	p2 =	por !p2, p0  }
0x20: {  	[sflag:s8] =	ssyncset.s32 @!p0 $0xFFFFF086;
	s6 =	sadd.s32 @!p0 s3, s7;
	s7 =	simm.s32 @!p0 $0x108  }
0x21: {  	s3 =	sadd.s32 s3, s9;
	s6 =	sadd.s32 @!p0 $0x88, s6;
	s7 =	simm.s32 @p2 $0x1082  }
0x22: {  	[simem:s7], [sflag:s8] =	dma.local @!p0 [hbm:s6], $0xF7A  }
0x23: {  	s9 =	sor.u32 $0xD0000000, s2;
	s6 =	simm.s32 $0x108;
	_ =	swait.ge @!p0 [sflag:s8], $0x0  }
0x24: {  	s3 =	sadd.s32 $0x88, s3;
	s6 =	simm.s32 @!p1 $0x1082;
	[sflag:s4] =	ssyncset.s32 $0xFFFFF086  }
0x25: {  	[simem:s6], [sflag:s4] =	dma.local [hbm:s3], $0xF7A  }
0x26: {  	[smem:$0x3F9F] =	sst s1;
	(tag) =	ssettag s2;
	_ =	strace s9  }
0x27: {  	s1 =	sld [smem:$0x3FAF]  }
0x28: {  	s2 =	sld [smem:$0x3FB0]  }
0x29: {  	s4 =	sld [smem:$0x3FB2]  }
0x2a: {  	p0 =	seq.s32 s5, $0x0;
	s5 =	sld [smem:$0x3FB3]  }
0x2b: {  	s6 =	sld [smem:$0x3FB4]  }
0x2c: {  	s7 =	sld [smem:$0x3FB5]  }
0x2d: {  	s3 =	simm.s32 $0x108;
	s8 =	sld [smem:$0x3FB6]  }
0x2e: {  	s3 =	simm.s32 @!p0 $0x1082;
	s9 =	sld [smem:$0x3FB7]  }
0x2f: {  	lr =	sadd.s32 s0, s3;
	s0 =	sld [smem:$0x3FAE]  }
0x30: {  	s3 =	sld [smem:$0x3FB1]  }
0x31: {  	[smem:$0x3FBA] =	sst s10  }
0x32: {  	s10 =	sld [smem:$0x3FB8];
	_ =	sdelay $0x3  }
0x33: {  	p0 =	seq.s32 s10, $0x1;
	s10 =	sld [smem:$0x3FBA];
	_ =	sdelay $0x3  }
0x34: {  	[smem:$0x3FBA] =	sst s10  }
0x35: {  	s10 =	sld [smem:$0x3FB9];
	_ =	sdelay $0x3  }
0x36: {  	p1 =	seq.s32 s10, $0x1;
	s10 =	sld [smem:$0x3FBA];
	_ =	sdelay $0x3  }
0x37: {  	[smem:$0x3FBA] =	sst s10  }
0x38: {  	s10 =	sld [smem:$0x3FBB]  }
0x39: {  	_ = 	snop;
	(pc) =	sbr.ind lr, $3  }
0x3a: {  	_ = 	snop  }
0x3b: {  	_ = 	snop  }
0x3c: {  	p2 =	seq.s32 s10, $0x1;
	s10 =	sld [smem:$0x3FBA]  }
0x3d: {  	_ =	shalt  }
0x3e: {  	_ =	shalt  }
0x3f: {  	_ =	shalt  }
0x40: {  	_ =	shalt  }
0x41: {  	_ =	shalt  }
0x42: {  	_ =	shalt  }
0x43: {  	_ =	shalt  }
0x44: {  	_ =	shalt  }
0x45: {  	_ =	shalt  }
0x46: {  	_ =	shalt  }
0x47: {  	_ =	shalt  }
0x48: {  	_ =	shalt  }
0x49: {  	_ =	shalt  }
0x4a: {  	_ =	shalt  }
0x4b: {  	_ =	shalt  }
0x4c: {  	_ =	shalt  }
0x4d: {  	_ =	shalt  }
0x4e: {  	_ =	shalt  }
0x4f: {  	_ =	shalt  }
0x50: {  	_ =	shalt  }
0x51: {  	_ =	shalt  }
0x52: {  	_ =	shalt  }
0x53: {  	_ =	shalt  }
0x54: {  	_ =	shalt  }
0x55: {  	_ =	shalt  }
0x56: {  	_ =	shalt  }
0x57: {  	_ =	shalt  }
0x58: {  	_ =	shalt  }
0x59: {  	_ =	shalt  }
0x5a: {  	_ =	shalt  }
0x5b: {  	_ =	shalt  }
0x5c: {  	_ =	shalt  }
0x5d: {  	_ =	shalt  }
0x5e: {  	_ =	shalt  }
0x5f: {  	_ =	shalt  }
0x60: {  	_ =	shalt  }
0x61: {  	_ =	shalt  }
0x62: {  	_ =	shalt  }
0x63: {  	_ =	shalt  }
0x64: {  	_ =	shalt  }
0x65: {  	_ =	shalt  }
0x66: {  	_ =	shalt  }
0x67: {  	_ =	shalt  }
0x68: {  	_ =	shalt  }
0x69: {  	_ =	shalt  }
0x6a: {  	_ =	shalt  }
0x6b: {  	_ =	shalt  }
0x6c: {  	_ =	shalt  }
0x6d: {  	_ =	shalt  }
0x6e: {  	_ =	shalt  }
0x6f: {  	_ =	shalt  }
0x70: {  	_ =	shalt  }
0x71: {  	_ =	shalt  }
0x72: {  	_ =	shalt  }
0x73: {  	_ =	shalt  }
0x74: {  	_ =	shalt  }
0x75: {  	_ =	shalt  }
0x76: {  	_ =	shalt  }
0x77: {  	_ =	shalt  }
0x78: {  	_ =	shalt  }
0x79: {  	_ =	shalt  }
0x7a: {  	_ =	shalt  }
0x7b: {  	_ =	shalt  }
0x7c: {  	_ =	shalt  }
0x7d: {  	_ =	shalt  }
0x7e: {  	_ =	shalt  }
0x7f: {  	_ =	shalt  }
0x80: {  	_ =	shalt  }
0x81: {  	_ =	shalt  }
0x82: {  	_ =	shalt  }
0x83: {  	_ =	shalt  }
0x84: {  	_ =	shalt  }
0x85: {  	_ =	shalt  }
0x86: {  	_ =	shalt  }
0x87: {  	_ =	shalt  }
.Lfunc_end0:
.L_simem_size_0:
called_computation_lowered:
.L_overlay_start_0:
0x88: {  	s2 =	sld [smem:$0x3FD9]  }
0x89: {  	s3 =	sld [smem:$0x3FFE];
	_ =	sdelay $0x1  }
0x8a: {  	s1 =	srdreg.scid  }
0x8b: {  	s0 =	sand.u32 $0x1, s1  }
0x8c: {  	s16 =	sshll.u32 s0, $0xA;
	s2 =	sadd.s32 s3, s2  }
0x8d: {  	s2 =	sadd.s32 s2, s16  }
0x8e: {  	[smem:$0x3FC6] =	sst s2  }
0x8f: {  	_ = 	snop  }
0x90: {  	(tm) =	ssettm $0x1  }
0x91: {  	s17 =	sld [smem:$0x3FFB];
	_ =	sdelay $0x3  }
0x92: {  	_ =	strace s17  }
0x93: {  	s2 =	sld [smem:$0x3FFC];
	_ =	sdelay $0x3  }
0x94: {  	_ =	strace s2  }
0x95: {  	s2 =	sld [smem:$0x3FFD];
	_ =	sdelay $0x3  }
0x96: {  	_ =	strace s2  }
0x97: {  	_ =	strace $0x8FFFFFFF  }
0x98: {  	s18 =	sld [smem:$0x3FDB];
	_ =	sdelay $0x1  }
0x99: {  	s19 =	simm.s32 $_scs_section_size  }
0x9a: {  	s4 =	simm.s32 $_size__tile_overlayer_lowered;
	s5 =	simm.s32 $_tile_overlayer_lowered  }
0x9b: {  	s22 =	simm.s32 $0x1BFF;
	s21 =	sshll.u32 s5, $0x1;
	s2 =	sadd.s32 s19, s18  }
0x9c: {  	s6 =	simm.s32 $0x0;
	s20 =	sshll.u32 s4, $0x1;
	s4 =	sadd.s32 s21, s2  }
0x9d: {  	[timem:s6], [sflag:s22] =	dma.local [hbm:s4], s20  }
0x9e: {  	_ =	swait.ge [sflag:s22], s20  }
0x9f: {  	s3 =	ssub.s32 $0x0, s20;
	[sflag:s22] =	ssyncset.done $0x0  }
0xa0: {  	[sflag:s22] =	ssyncadd.s32 s3;
	_ =	sdelay $0x1  }
0xa1: {  	s23 =	simm.s32 $0x1B8B  }
0xa2: {  	_ =	swait.ge [sflag:s23], $0x1  }
0xa3: {  	[sflag:s23] =	ssyncset.done $0x0  }
0xa4: {  	s25 =	simm.s32 $0x1B8E;
	s24 =	sld [smem:$0x3FFE];
	[sflag:s23] =	ssyncadd.s32 $0xFFFFFFFF  }
0xa5: {  	s26 =	simm.s32 $execute0_lowered;
	[smem:$0x3FD2] =	sst s25  }
0xa6: {  	s4 =	sshll.u32 s26, $0x1;
	_ =	strace $0x80000046;
	[dreg:$0x1] =	wrdreg $0xFFFFFFFF  }
0xa7: {  	s28 =	simm.s32 $_size_execute0_lowered;
	s2 =	sadd.s32 s2, s4;
	[dreg:$0x0] =	wrdreg $0x0  }
0xa8: {  	s4 =	sshll.u32 s28, $0x1;
	[dreg:$0x2] =	wrdreg s2  }
0xa9: {  	[dreg:$0x3] =	wrdreg s4  }
0xaa: {  	[dreg:$0x4] =	wrdreg $0xC0  }
0xab: {  	_ =	task [dreg:s6], $0x5FFFF  }
0xac: {  	[dreg:$0x1] =	wrdreg $0xFFFFFFFF  }
0xad: {  	[dreg:$0x0] =	wrdreg $0x60  }
0xae: {  	[dreg:$0x2] =	wrdreg s24  }
0xaf: {  	[dreg:$0x3] =	wrdreg $0x9  }
0xb0: {  	_ =	task.clear_ibuf [dreg:s6], $0x4FFFF;
	_ =	strace $0x90000046  }
0xb1: {  	s29 =	simm.s32 $0x9;
	_ =	strace $0x80000048  }
0xb2: {  	_ =	swait.ge [sflag:s29], $0x1  }
0xb3: {  	[sflag:s29] =	ssyncadd.s32 $0xFFFFFFFF  }
0xb4: {  	_ =	strace $0x90000048  }
0xb5: {  	_ =	sfence  }
0xb6: {  	s30 =	sld [smem:$0x0];
	_ =	sdelay $0x2  }
0xb7: {  	s31 =	sshll.u32 s1, $0xD;
	s1 =	sshrl.u32 s1, $0x2  }
0xb8: {  	s3 =	sand.u32 $0x4000, s31;
	s1 =	sadd.s32 s1, s30  }
0xb9: {  	s0 =	sor.u32 s3, s0;
	s1 =	sshll.u32 s1, $0x11  }
0xba: {  	s0 =	sor.u32 s1, s0  }
0xbb: {  	s0 =	sadd.s32 $0x8F2B, s0  }
0xbc: {  	[sflag:s0] =	ssyncadd.remote.s32 $0x1  }
0xbd: {  	_ =	sfence.sel $0xFFFF  }
0xbe: {  	[dreg:$0x0] =	wrdreg $0xFFFFFFFF;
	(pc) =	sbr.abs _section_cstart, $3  }
0xbf: {  	[dreg:$0x1] =	wrdreg $0xFFFFFFFF  }
0xc0: {  	_ =	task.clear_ibuf [dreg:s6], $0x2FFFF;
	_ =	strace $0x9FFFFFFF  }
0xc1: {  	(tm) =	ssettm $0x7FFFFFFF  }
tec
execute0_lowered:
.L_overlay_start_1:
0x0: {  	(tag) =	ssettag $0x1  }
0x1: {  	s2 =	rddreg [dreg:$0x0]  }
0x2: {  	s0 =	rddreg [dreg:$0x1];
	s1 =	simm.s32 $0x0;
	s3 =	srdreg.scid  }
0x3: {  	s9 =	simm.s32 $0x4000;
	s10 =	simm.s32 $0x8000;
	s11 =	simm.s32 $0x0  }
0x4: {  	[smem:$0x7FF] =	sst s1;
	s6 =	sand.u32 $0x1, s3;
	s3 =	sadd.s32 $0xA00, s2  }
0x5: {  	s4 =	sadd.s32 $0x80A00, s2;
	s5 =	sadd.s32 $0x100A00, s2;
	s7 =	ssub.s32 $0x2, s6  }
0x6: {  	s2 =	stileid.u32;
	_ =	strace $0x80000047;
	s8 =	sshrl.u32 s7, $0x1  }
0x7: {  	v0 =	vlaneseq.u32;
	s31 =	sshll.u32 s2, $0xF;
	s6 =	sshll.u32 s6, $0xE;
	s7 =	ssub.s32 s7, s8  }
0x8: {  	v0 =	vmul.u32 $0x80, v0;
	s6 =	sor.u32 s6, s31;
	s8 =	simm.s32 $0x1;
	s7 =	smax.u32 s7, $0x1  }
.LBB2_1:
0x9: {  	s12 =	simm.s32 $0x0  }
.LBB2_2:
0xa: {  	s13 =	sshll.u32 s12, $0xB  }
0xb: {  	s13 =	sadd.s32 s6, s13  }
0xc: {  	s14 =	simm.s32 $0x0;
	s15 =	sadd.s32 s3, s13  }
0xd: {  	[tilespmem:s14], [sflag:$0x1] =	stream.linear.gather [hbm4b:s15+s14], $0x4000, $0x38;
	[tilespmem:$0xC000] =	vst v63  }
0xe: {  	_ =	swait.ge [sflag:s8], $0x4000  }
0xf: {  	[sflag:s8] =	ssyncset.done $0x0  }
0x10: {  	[sflag:s8] =	ssyncadd.s32 $0xFFFFC000  }
.LBB2_3:
0x11: {  	v1 =	vmov s14  }
0x12: {  	v1 =	vshll.u32 v1, $0x7  }
0x13: {  	v1 =	vor.u32 v0, v1  }
0x14: {  	v8 =	vor.u32 $0x1, v1  }
0x15: {  	v7 =	vor.u32 $0x2, v1;
	_ =	sdelay $0x1  }
0x16: {  	v5 =	vor.u32 $0x3, v1  }
0x17: {  	v2 =	vld.idx.msk [tilespmem:v1+s1+$0x0], $0xffff  }
0x18: {  	v3 =	vld.idx.msk [tilespmem:v8+s1+$0x0], $0xffff  }
0x19: {  	v4 =	vld.idx.msk [tilespmem:v7+s1+$0x0], $0xffff;
	_ =	sdelay $0x1  }
0x1a: {  	v9 =	vld.idx.msk [tilespmem:v5+s1+$0x0], $0xffff;
	_ =	sdelay $0x1  }
0x1b: {  	v23 =	vor.u32 $0xA, v1;
	v2 =	vor.u32 $0x3F, v2  }
0x1c: {  	vm0 =	vgt.s32 v2, $0x0;
	v3 =	vand.u32 $0xFFFFFFC0, v3;
	v4 =	vand.u32 $0xFFFFFFC0, v4  }
0x1d: {  	v2 =	vnsel vm0, $0x0, v2;
	v6 =	vor.u32 $0x3E, v3;
	v3 =	vor.u32 $0x4, v1  }
0x1e: {  	v9 =	vand.u32 $0xFFFFFFC0, v9;
	v4 =	vor.u32 $0x3D, v4;
	vm0 =	vlt.s32 v2, v6  }
0x1f: {  	v10 =	vsel vm0, v2, v6;
	v6 =	vsel vm0, v6, v2;
	v2 =	vor.u32 $0x5, v1  }
0x20: {  	v9 =	vor.u32 $0x3C, v9;
	vm12 =	vgt.s32 v10, $0x0;
	vm13 =	vlt.s32 v6, v4  }
0x21: {  	v38 =	vld.idx.msk [tilespmem:v23+s1+$0x0], $0xffff;
	v10 =	vnsel vm12, $0x0, v10;
	v11 =	vsel vm13, v6, v4;
	v6 =	vsel vm13, v4, v6  }
0x22: {  	v4 =	vor.u32 $0x6, v1;
	v12 =	vld.idx.msk [tilespmem:v3+s1+$0x0], $0xffff;
	vm14 =	vlt.s32 v10, v11;
	vm1 =	vlt.s32 v6, v9  }
0x23: {  	v43 =	vsel vm14, v10, v11;
	v10 =	vsel vm14, v11, v10;
	v44 =	vsel vm1, v6, v9  }
0x24: {  	v20 =	vor.u32 $0x8, v1;
	vm15 =	vgt.s32 v43, $0x0;
	vm4 =	vlt.s32 v10, v44;
	v15 =	vld.idx.msk [tilespmem:v2+s1+$0x0], $0xffff  }
0x25: {  	v26 =	vor.u32 $0x9, v1;
	v13 =	vnsel vm15, $0x0, v43;
	v14 =	vsel vm4, v10, v44  }
0x26: {  	v6 =	vsel vm1, v9, v6;
	v10 =	vsel vm4, v44, v10;
	vm5 =	vlt.s32 v13, v14  }
0x27: {  	v43 =	vand.u32 $0xFFFFFFC0, v38;
	v50 =	vld.idx.msk [tilespmem:v4+s1+$0x0], $0xffff;
	v12 =	vand.u32 $0xFFFFFFC0, v12;
	v46 =	vsel vm5, v13, v14  }
0x28: {  	v13 =	vsel vm5, v14, v13;
	v45 =	vor.u32 $0x3B, v12;
	vm6 =	vgt.s32 v46, $0x0  }
0x29: {  	vm2 =	vlt.s32 v6, v45;
	v12 =	vnsel vm6, $0x0, v46;
	v49 =	vand.u32 $0xFFFFFFC0, v15  }
0x2a: {  	v47 =	vsel vm2, v6, v45;
	v9 =	vsel vm2, v45, v6;
	v51 =	vor.u32 $0x3A, v49  }
0x2b: {  	v6 =	vor.u32 $0x7, v1;
	vm7 =	vlt.s32 v10, v47;
	vm9 =	vlt.s32 v9, v51  }
0x2c: {  	v61 =	vld.idx.msk [tilespmem:v20+s1+$0x0], $0xffff;
	v15 =	vand.u32 $0xFFFFFFC0, v50;
	v50 =	vor.u32 $0xC, v1;
	v48 =	vsel vm7, v10, v47  }
0x2d: {  	v10 =	vsel vm7, v47, v10;
	v16 =	vsel vm9, v9, v51;
	v9 =	vsel vm9, v51, v9  }
0x2e: {  	v54 =	vor.u32 $0x39, v15;
	vm8 =	vlt.s32 v13, v48;
	vm11 =	vlt.s32 v10, v16  }
0x2f: {  	vm14 =	vlt.s32 v9, v54;
	v52 =	vsel vm8, v48, v13;
	v13 =	vsel vm8, v13, v48  }
0x30: {  	v53 =	vsel vm11, v10, v16;
	v10 =	vsel vm11, v16, v10;
	v56 =	vsel vm14, v9, v54  }
0x31: {  	v9 =	vsel vm14, v54, v9;
	v16 =	vand.u32 $0xFFFFFFC0, v61;
	vm10 =	vlt.s32 v12, v13  }
0x32: {  	vm13 =	vlt.s32 v52, v53;
	vm6 =	vlt.s32 v10, v56;
	v16 =	vor.u32 $0x37, v16  }
0x33: {  	v17 =	vsel vm10, v13, v12;
	v12 =	vsel vm10, v12, v13;
	v55 =	vsel vm13, v52, v53  }
0x34: {  	v18 =	vld.idx.msk [tilespmem:v6+s1+$0x0], $0xffff;
	v13 =	vsel vm13, v53, v52;
	v19 =	vsel vm6, v10, v56;
	v10 =	vsel vm6, v56, v10  }
0x35: {  	vm12 =	vgt.s32 v12, $0x0;
	vm15 =	vlt.s32 v17, v55;
	vm7 =	vlt.s32 v13, v19  }
0x36: {  	v12 =	vnsel vm12, $0x0, v12;
	v57 =	vsel vm15, v17, v55;
	v15 =	vsel vm15, v55, v17  }
0x37: {  	v59 =	vsel vm7, v13, v19;
	v13 =	vsel vm7, v19, v13;
	vm3 =	vlt.s32 v12, v57  }
0x38: {  	v19 =	vld.idx.msk [tilespmem:v26+s1+$0x0], $0xffff;
	vm9 =	vlt.s32 v15, v59;
	v58 =	vsel vm3, v12, v57;
	v12 =	vsel vm3, v57, v12  }
0x39: {  	v18 =	vand.u32 $0xFFFFFFC0, v18;
	v60 =	vsel vm9, v15, v59;
	v14 =	vsel vm9, v59, v15  }
0x3a: {  	vm8 =	vgt.s32 v58, $0x0;
	v18 =	vor.u32 $0x38, v18;
	vm10 =	vlt.s32 v12, v60  }
0x3b: {  	v17 =	vnsel vm8, $0x0, v58;
	vm2 =	vlt.s32 v9, v18;
	v62 =	vsel vm10, v12, v60  }
0x3c: {  	v11 =	vsel vm10, v60, v12;
	v60 =	vor.u32 $0xD, v1;
	v63 =	vsel vm2, v9, v18  }
0x3d: {  	v55 =	vld.idx.msk [tilespmem:v50+s1+$0x0], $0xffff;
	vm11 =	vlt.s32 v17, v62;
	v9 =	vsel vm2, v18, v9;
	v19 =	vand.u32 $0xFFFFFFC0, v19  }
0x3e: {  	vm12 =	vlt.s32 v10, v63;
	v24 =	vsel vm11, v62, v17;
	v17 =	vsel vm11, v17, v62  }
0x3f: {  	vm15 =	vlt.s32 v9, v16;
	v34 =	vor.u32 $0x36, v19;
	v19 =	vor.u32 $0x35, v43  }
0x40: {  	v43 =	vor.u32 $0xF, v1;
	v25 =	vsel vm12, v10, v63;
	vm1 =	vgt.s32 v17, $0x0  }
0x41: {  	v10 =	vsel vm12, v63, v10;
	v28 =	vsel vm15, v9, v16;
	v9 =	vsel vm15, v16, v9  }
0x42: {  	v16 =	vand.u32 $0xFFFFFFC0, v55;
	vm13 =	vlt.s32 v13, v25;
	v17 =	vnsel vm1, $0x0, v17  }
0x43: {  	vm8 =	vlt.s32 v10, v28;
	v16 =	vor.u32 $0x33, v16;
	v21 =	vsel vm13, v13, v25  }
0x44: {  	v13 =	vsel vm13, v25, v13;
	v30 =	vsel vm8, v10, v28;
	v10 =	vsel vm8, v28, v10  }
0x45: {  	vm13 =	vlt.s32 v9, v34;
	v25 =	vor.u32 $0x15, v1;
	vm14 =	vlt.s32 v14, v21  }
0x46: {  	vm10 =	vlt.s32 v13, v30;
	v36 =	vsel vm13, v9, v34;
	v9 =	vsel vm13, v34, v9  }
0x47: {  	v27 =	vsel vm14, v14, v21;
	v14 =	vsel vm14, v21, v14;
	v32 =	vsel vm10, v13, v30  }
0x48: {  	v13 =	vsel vm10, v30, v13;
	vm15 =	vlt.s32 v10, v36;
	vm13 =	vlt.s32 v9, v19  }
0x49: {  	vm7 =	vlt.s32 v11, v27;
	vm4 =	vlt.s32 v14, v32;
	v39 =	vsel vm15, v10, v36  }
0x4a: {  	v10 =	vsel vm15, v36, v10;
	v45 =	vsel vm13, v9, v19;
	v9 =	vsel vm13, v19, v9  }
0x4b: {  	v29 =	vsel vm7, v11, v27;
	v11 =	vsel vm7, v27, v11;
	v33 =	vsel vm4, v14, v32  }
0x4c: {  	v14 =	vsel vm4, v32, v14;
	vm15 =	vlt.s32 v10, v45;
	vm9 =	vlt.s32 v24, v29  }
0x4d: {  	vm12 =	vlt.s32 v11, v33;
	v48 =	vsel vm15, v10, v45;
	v10 =	vsel vm15, v45, v10  }
0x4e: {  	v31 =	vsel vm9, v24, v29;
	v12 =	vsel vm9, v29, v24;
	v35 =	vsel vm12, v11, v33  }
0x4f: {  	v11 =	vsel vm12, v33, v11;
	vm9 =	vlt.s32 v13, v39;
	v24 =	vor.u32 $0xB, v1  }
0x50: {  	v33 =	vor.u32 $0xE, v1;
	vm11 =	vlt.s32 v17, v31;
	vm14 =	vlt.s32 v12, v35  }
0x51: {  	v41 =	vsel vm9, v13, v39;
	v13 =	vsel vm9, v39, v13;
	v22 =	vsel vm11, v31, v17  }
0x52: {  	v17 =	vsel vm11, v17, v31;
	v37 =	vsel vm14, v12, v35;
	v12 =	vsel vm14, v35, v12  }
0x53: {  	v29 =	vld.idx.msk [tilespmem:v60+s1+$0x0], $0xffff;
	vm11 =	vlt.s32 v14, v41;
	vm7 =	vlt.s32 v13, v48;
	vm8 =	vlt.s32 v22, v37  }
0x54: {  	v42 =	vsel vm11, v14, v41;
	v14 =	vsel vm11, v41, v14;
	v49 =	vsel vm7, v13, v48  }
0x55: {  	v13 =	vsel vm7, v48, v13;
	v40 =	vsel vm8, v22, v37;
	v15 =	vsel vm8, v37, v22  }
0x56: {  	vm12 =	vlt.s32 v11, v42;
	vm9 =	vlt.s32 v14, v49;
	vm10 =	vgt.s32 v17, v40  }
0x57: {  	v44 =	vsel vm12, v11, v42;
	v11 =	vsel vm12, v42, v11;
	v52 =	vsel vm9, v14, v49  }
0x58: {  	v46 =	vld.idx.msk [tilespmem:v24+s1+$0x0], $0xffff;
	v14 =	vsel vm9, v49, v14;
	v35 =	vand.u32 $0xFFFFFFC0, v29;
	vm14 =	vlt.s32 v12, v44  }
0x59: {  	v17 =	vsel vm10, v17, v40;
	vm10 =	vlt.s32 v11, v52;
	v47 =	vsel vm14, v12, v44  }
0x5a: {  	v38 =	vld.idx.msk [tilespmem:v33+s1+$0x0], $0xffff;
	v12 =	vsel vm14, v44, v12;
	v53 =	vsel vm10, v11, v52;
	vm6 =	vlt.s32 v15, v47  }
0x5b: {  	v11 =	vsel vm10, v52, v11;
	vm11 =	vlt.s32 v12, v53;
	v22 =	vsel vm6, v47, v15  }
0x5c: {  	v15 =	vsel vm6, v15, v47;
	v56 =	vsel vm11, v12, v53;
	v12 =	vsel vm11, v53, v12  }
0x5d: {  	v53 =	vor.u32 $0x10, v1;
	vm8 =	vgt.s32 v17, v15;
	v51 =	vand.u32 $0xFFFFFFC0, v46  }
0x5e: {  	vm13 =	vlt.s32 v22, v56;
	v15 =	vsel vm8, v17, v15;
	v17 =	vor.u32 $0x34, v51  }
0x5f: {  	v44 =	vand.u32 $0xFFFFFFC0, v38;
	v19 =	vsel vm13, v22, v56;
	vm2 =	vlt.s32 v9, v17  }
0x60: {  	v58 =	vsel vm13, v56, v22;
	vm0 =	vgt.s32 v15, v19;
	v54 =	vsel vm2, v9, v17  }
0x61: {  	v15 =	vsel vm0, v15, v19;
	v9 =	vsel vm2, v17, v9;
	v17 =	vor.u32 $0x32, v35  }
0x62: {  	v35 =	vor.u32 $0x12, v1;
	vm12 =	vlt.s32 v10, v54;
	vm2 =	vlt.s32 v9, v16  }
0x63: {  	v57 =	vsel vm12, v10, v54;
	v10 =	vsel vm12, v54, v10;
	v63 =	vsel vm2, v9, v16  }
0x64: {  	v9 =	vsel vm2, v16, v9;
	vm14 =	vlt.s32 v13, v57;
	vm3 =	vlt.s32 v10, v63  }
0x65: {  	vm13 =	vlt.s32 v9, v17;
	v59 =	vsel vm14, v13, v57;
	v13 =	vsel vm14, v57, v13  }
0x66: {  	v30 =	vsel vm3, v10, v63;
	v10 =	vsel vm3, v63, v10;
	v37 =	vsel vm13, v9, v17  }
0x67: {  	v9 =	vsel vm13, v17, v9;
	v63 =	vor.u32 $0x11, v1;
	vm15 =	vlt.s32 v14, v59  }
0x68: {  	vm9 =	vlt.s32 v13, v30;
	v61 =	vsel vm15, v14, v59;
	v14 =	vsel vm15, v59, v14  }
0x69: {  	v32 =	vsel vm9, v13, v30;
	v13 =	vsel vm9, v30, v13;
	vm15 =	vlt.s32 v10, v37  }
0x6a: {  	vm6 =	vlt.s32 v11, v61;
	vm11 =	vlt.s32 v14, v32;
	v40 =	vsel vm15, v10, v37  }
0x6b: {  	v59 =	vld.idx.msk [tilespmem:v53+s1+$0x0], $0xffff;
	v10 =	vsel vm15, v37, v10;
	v62 =	vsel vm6, v11, v61;
	v11 =	vsel vm6, v61, v11  }
0x6c: {  	v34 =	vsel vm11, v14, v32;
	v14 =	vsel vm11, v32, v14;
	vm6 =	vlt.s32 v13, v40  }
0x6d: {  	vm7 =	vlt.s32 v12, v62;
	vm12 =	vlt.s32 v11, v34;
	v42 =	vsel vm6, v13, v40  }
0x6e: {  	v13 =	vsel vm6, v40, v13;
	v40 =	vld.idx.msk [tilespmem:v35+s1+$0x0], $0xffff;
	v35 =	vor.u32 $0x16, v1;
	v28 =	vsel vm7, v12, v62  }
0x6f: {  	v48 =	vld.idx.msk [tilespmem:v43+s1+$0x0], $0xffff;
	v12 =	vsel vm7, v62, v12;
	v36 =	vsel vm12, v11, v34;
	v11 =	vsel vm12, v34, v11  }
0x70: {  	v30 =	vld.idx.msk [tilespmem:v63+s1+$0x0], $0xffff;
	vm8 =	vlt.s32 v58, v28;
	vm14 =	vlt.s32 v12, v36;
	v27 =	vand.u32 $0xFFFFFFC0, v59  }
0x71: {  	v31 =	vsel vm8, v58, v28;
	v18 =	vsel vm8, v28, v58;
	v39 =	vsel vm14, v12, v36  }
0x72: {  	v12 =	vsel vm14, v36, v12;
	vm8 =	vlt.s32 v14, v42;
	vm10 =	vgt.s32 v15, v31  }
0x73: {  	vm5 =	vlt.s32 v18, v39;
	v45 =	vsel vm8, v14, v42;
	v14 =	vsel vm8, v42, v14  }
0x74: {  	v15 =	vsel vm10, v15, v31;
	v41 =	vsel vm5, v39, v18;
	v16 =	vsel vm5, v18, v39  }
0x75: {  	vm9 =	vlt.s32 v11, v45;
	v18 =	vand.u32 $0xFFFFFFC0, v48;
	v36 =	vand.u32 $0xFFFFFFC0, v30  }
0x76: {  	v30 =	vld.idx.msk [tilespmem:v25+s1+$0x0], $0xffff;
	v25 =	vor.u32 $0x24, v1;
	vm7 =	vgt.s32 v15, v16;
	v46 =	vsel vm9, v11, v45  }
0x77: {  	v11 =	vsel vm9, v45, v11;
	v55 =	vor.u32 $0x30, v18;
	v18 =	vor.u32 $0x2F, v27  }
0x78: {  	v15 =	vsel vm7, v15, v16;
	v16 =	vor.u32 $0x31, v44;
	vm11 =	vlt.s32 v12, v46  }
0x79: {  	v45 =	vor.u32 $0x13, v1;
	vm10 =	vlt.s32 v9, v16;
	v49 =	vsel vm11, v12, v46  }
0x7a: {  	v12 =	vsel vm11, v46, v12;
	v47 =	vsel vm10, v9, v16;
	vm13 =	vlt.s32 v41, v49  }
0x7b: {  	v9 =	vsel vm10, v16, v9;
	vm12 =	vlt.s32 v10, v47;
	v51 =	vsel vm13, v49, v41  }
0x7c: {  	v17 =	vsel vm13, v41, v49;
	vm2 =	vlt.s32 v9, v55;
	v50 =	vsel vm12, v10, v47  }
0x7d: {  	vm0 =	vgt.s32 v15, v17;
	v10 =	vsel vm12, v47, v10;
	v57 =	vsel vm2, v9, v55  }
0x7e: {  	v9 =	vsel vm2, v55, v9;
	v55 =	vor.u32 $0x14, v1;
	vm14 =	vlt.s32 v13, v50  }
0x7f: {  	v15 =	vsel vm0, v15, v17;
	vm3 =	vlt.s32 v10, v57;
	vm13 =	vlt.s32 v9, v18  }
0x80: {  	v52 =	vsel vm14, v13, v50;
	v13 =	vsel vm14, v50, v13;
	v60 =	vsel vm3, v10, v57  }
0x81: {  	v10 =	vsel vm3, v57, v10;
	v29 =	vsel vm13, v9, v18;
	vm15 =	vlt.s32 v14, v52  }
0x82: {  	v9 =	vsel vm13, v18, v9;
	vm9 =	vlt.s32 v13, v60;
	v54 =	vsel vm15, v14, v52  }
0x83: {  	v14 =	vsel vm15, v52, v14;
	v62 =	vsel vm9, v13, v60;
	v13 =	vsel vm9, v60, v13  }
0x84: {  	vm15 =	vlt.s32 v10, v29;
	vm6 =	vlt.s32 v11, v54;
	vm11 =	vlt.s32 v14, v62  }
0x85: {  	v32 =	vsel vm15, v10, v29;
	v10 =	vsel vm15, v29, v10;
	v60 =	vld.idx.msk [tilespmem:v55+s1+$0x0], $0xffff;
	v55 =	vor.u32 $0x18, v1  }
0x86: {  	v56 =	vsel vm6, v11, v54;
	v11 =	vsel vm6, v54, v11;
	v26 =	vsel vm11, v14, v62  }
0x87: {  	v14 =	vsel vm11, v62, v14;
	vm6 =	vlt.s32 v13, v32;
	vm7 =	vlt.s32 v12, v56  }
0x88: {  	vm12 =	vlt.s32 v11, v26;
	v34 =	vsel vm6, v13, v32;
	v13 =	vsel vm6, v32, v13  }
0x89: {  	v58 =	vsel vm7, v12, v56;
	v12 =	vsel vm7, v56, v12;
	v28 =	vsel vm12, v11, v26  }
0x8a: {  	v11 =	vsel vm12, v26, v11;
	vm8 =	vlt.s32 v51, v58;
	vm14 =	vlt.s32 v12, v28  }
0x8b: {  	v61 =	vsel vm8, v51, v58;
	v19 =	vsel vm8, v58, v51;
	v31 =	vsel vm14, v12, v28  }
0x8c: {  	v12 =	vsel vm14, v28, v12;
	vm8 =	vlt.s32 v14, v34;
	v26 =	vand.u32 $0xFFFFFFC0, v60  }
0x8d: {  	v51 =	vld.idx.msk [tilespmem:v45+s1+$0x0], $0xffff;
	v45 =	vor.u32 $0x17, v1;
	vm10 =	vgt.s32 v15, v61;
	vm5 =	vlt.s32 v19, v31  }
0x8e: {  	v37 =	vsel vm8, v14, v34;
	v14 =	vsel vm8, v34, v14;
	v15 =	vsel vm10, v15, v61  }
0x8f: {  	v33 =	vsel vm5, v31, v19;
	v16 =	vsel vm5, v19, v31;
	vm9 =	vlt.s32 v11, v37  }
0x90: {  	v19 =	vand.u32 $0xFFFFFFC0, v40;
	vm7 =	vgt.s32 v15, v16;
	v38 =	vsel vm9, v11, v37  }
0x91: {  	v11 =	vsel vm9, v37, v11;
	v15 =	vsel vm7, v15, v16;
	v16 =	vor.u32 $0x2E, v36  }
0x92: {  	v47 =	vor.u32 $0x2D, v19;
	vm11 =	vlt.s32 v12, v38;
	vm10 =	vlt.s32 v9, v16  }
0x93: {  	v41 =	vsel vm11, v12, v38;
	v12 =	vsel vm11, v38, v12;
	v57 =	vand.u32 $0xFFFFFFC0, v51  }
0x94: {  	v39 =	vsel vm10, v9, v16;
	vm13 =	vlt.s32 v33, v41;
	v9 =	vsel vm10, v16, v9  }
0x95: {  	v19 =	vor.u32 $0x2C, v57;
	vm12 =	vlt.s32 v10, v39;
	v43 =	vsel vm13, v41, v33  }
0x96: {  	v18 =	vsel vm13, v33, v41;
	vm2 =	vlt.s32 v9, v47;
	v42 =	vsel vm12, v10, v39  }
0x97: {  	vm0 =	vgt.s32 v15, v18;
	v10 =	vsel vm12, v39, v10;
	v49 =	vsel vm2, v9, v47  }
0x98: {  	v9 =	vsel vm2, v47, v9;
	vm14 =	vlt.s32 v13, v42;
	v15 =	vsel vm0, v15, v18  }
0x99: {  	v41 =	vld.idx.msk [tilespmem:v35+s1+$0x0], $0xffff;
	vm3 =	vlt.s32 v10, v49;
	vm13 =	vlt.s32 v9, v19;
	v44 =	vsel vm14, v13, v42  }
0x9a: {  	v13 =	vsel vm14, v42, v13;
	v52 =	vsel vm3, v10, v49;
	v10 =	vsel vm3, v49, v10  }
0x9b: {  	v59 =	vsel vm13, v9, v19;
	v9 =	vsel vm13, v19, v9;
	vm15 =	vlt.s32 v14, v44  }
0x9c: {  	vm9 =	vlt.s32 v13, v52;
	v46 =	vsel vm15, v14, v44;
	v14 =	vsel vm15, v44, v14  }
0x9d: {  	v54 =	vsel vm9, v13, v52;
	v13 =	vsel vm9, v52, v13;
	vm15 =	vlt.s32 v10, v59  }
0x9e: {  	v47 =	vand.u32 $0xFFFFFFC0, v41;
	vm6 =	vlt.s32 v11, v46;
	vm11 =	vlt.s32 v14, v54  }
0x9f: {  	v62 =	vsel vm15, v10, v59;
	v10 =	vsel vm15, v59, v10;
	v48 =	vsel vm6, v11, v46  }
0xa0: {  	v11 =	vsel vm6, v46, v11;
	v56 =	vsel vm11, v14, v54;
	v14 =	vsel vm11, v54, v14  }
0xa1: {  	vm6 =	vlt.s32 v13, v62;
	vm7 =	vlt.s32 v12, v48;
	vm12 =	vlt.s32 v11, v56  }
0xa2: {  	v24 =	vsel vm6, v13, v62;
	v13 =	vsel vm6, v62, v13;
	v50 =	vsel vm7, v12, v48  }
0xa3: {  	v12 =	vsel vm7, v48, v12;
	v58 =	vsel vm12, v11, v56;
	vm8 =	vlt.s32 v43, v50  }
0xa4: {  	v11 =	vsel vm12, v56, v11;
	vm14 =	vlt.s32 v12, v58;
	v53 =	vsel vm8, v43, v50  }
0xa5: {  	v17 =	vsel vm8, v50, v43;
	v61 =	vsel vm14, v12, v58;
	v12 =	vsel vm14, v58, v12  }
0xa6: {  	vm8 =	vlt.s32 v14, v24;
	vm10 =	vgt.s32 v15, v53;
	vm5 =	vlt.s32 v17, v61  }
0xa7: {  	v27 =	vsel vm8, v14, v24;
	v14 =	vsel vm8, v24, v14;
	v15 =	vsel vm10, v15, v53  }
0xa8: {  	v50 =	vld.idx.msk [tilespmem:v45+s1+$0x0], $0xffff;
	v63 =	vsel vm5, v61, v17;
	v16 =	vsel vm5, v17, v61;
	vm9 =	vlt.s32 v11, v27  }
0xa9: {  	v17 =	vand.u32 $0xFFFFFFC0, v30;
	vm7 =	vgt.s32 v15, v16;
	v28 =	vsel vm9, v11, v27  }
0xaa: {  	v11 =	vsel vm9, v27, v11;
	v37 =	vor.u32 $0x2A, v17;
	v17 =	vor.u32 $0x29, v47  }
0xab: {  	v15 =	vsel vm7, v15, v16;
	v16 =	vor.u32 $0x2B, v26;
	vm11 =	vlt.s32 v12, v28  }
0xac: {  	vm10 =	vlt.s32 v9, v16;
	v31 =	vsel vm11, v12, v28;
	v12 =	vsel vm11, v28, v12  }
0xad: {  	v56 =	vand.u32 $0xFFFFFFC0, v50;
	v29 =	vsel vm10, v9, v16;
	vm13 =	vlt.s32 v63, v31  }
0xae: {  	v9 =	vsel vm10, v16, v9;
	vm12 =	vlt.s32 v10, v29;
	v33 =	vsel vm13, v31, v63  }
0xaf: {  	v19 =	vsel vm13, v63, v31;
	vm2 =	vlt.s32 v9, v37;
	v32 =	vsel vm12, v10, v29  }
0xb0: {  	vm0 =	vgt.s32 v15, v19;
	v10 =	vsel vm12, v29, v10;
	v39 =	vsel vm2, v9, v37  }
0xb1: {  	v9 =	vsel vm2, v37, v9;
	v29 =	vor.u32 $0x19, v1;
	vm14 =	vlt.s32 v13, v32  }
0xb2: {  	v15 =	vsel vm0, v15, v19;
	vm3 =	vlt.s32 v10, v39;
	vm13 =	vlt.s32 v9, v17  }
0xb3: {  	v34 =	vsel vm14, v13, v32;
	v13 =	vsel vm14, v32, v13;
	v42 =	vsel vm3, v10, v39  }
0xb4: {  	v10 =	vsel vm3, v39, v10;
	v49 =	vsel vm13, v9, v17;
	v9 =	vsel vm13, v17, v9  }
0xb5: {  	v39 =	vor.u32 $0x1A, v1;
	vm15 =	vlt.s32 v14, v34;
	vm9 =	vlt.s32 v13, v42  }
0xb6: {  	v36 =	vsel vm15, v14, v34;
	v14 =	vsel vm15, v34, v14;
	v44 =	vsel vm9, v13, v42  }
0xb7: {  	v13 =	vsel vm9, v42, v13;
	vm15 =	vlt.s32 v10, v49;
	vm6 =	vlt.s32 v11, v36  }
0xb8: {  	vm11 =	vlt.s32 v14, v44;
	v52 =	vsel vm15, v10, v49;
	v10 =	vsel vm15, v49, v10  }
0xb9: {  	v49 =	vor.u32 $0x1B, v1;
	v38 =	vsel vm6, v11, v36;
	v11 =	vsel vm6, v36, v11  }
0xba: {  	v46 =	vsel vm11, v14, v44;
	v14 =	vsel vm11, v44, v14;
	vm6 =	vlt.s32 v13, v52  }
0xbb: {  	v35 =	vld.idx.msk [tilespmem:v29+s1+$0x0], $0xffff;
	vm7 =	vlt.s32 v12, v38;
	vm12 =	vlt.s32 v11, v46;
	v54 =	vsel vm6, v13, v52  }
0xbc: {  	v13 =	vsel vm6, v52, v13;
	v40 =	vsel vm7, v12, v38;
	v12 =	vsel vm7, v38, v12  }
0xbd: {  	v60 =	vld.idx.msk [tilespmem:v55+s1+$0x0], $0xffff;
	v48 =	vsel vm12, v11, v46;
	v11 =	vsel vm12, v46, v11;
	vm8 =	vlt.s32 v33, v40  }
0xbe: {  	v44 =	vld.idx.msk [tilespmem:v39+s1+$0x0], $0xffff;
	vm14 =	vlt.s32 v12, v48;
	v43 =	vsel vm8, v33, v40;
	v18 =	vsel vm8, v40, v33  }
0xbf: {  	v51 =	vsel vm14, v12, v48;
	v12 =	vsel vm14, v48, v12;
	vm8 =	vlt.s32 v14, v54  }
0xc0: {  	v41 =	vand.u32 $0xFFFFFFC0, v35;
	vm10 =	vgt.s32 v15, v43;
	vm5 =	vlt.s32 v18, v51  }
0xc1: {  	v57 =	vsel vm8, v14, v54;
	v14 =	vsel vm8, v54, v14;
	v15 =	vsel vm10, v15, v43  }
0xc2: {  	v53 =	vsel vm5, v51, v18;
	v16 =	vsel vm5, v18, v51;
	vm9 =	vlt.s32 v11, v57  }
0xc3: {  	v18 =	vand.u32 $0xFFFFFFC0, v60;
	v50 =	vand.u32 $0xFFFFFFC0, v44;
	vm7 =	vgt.s32 v15, v16  }
0xc4: {  	v58 =	vsel vm9, v11, v57;
	v11 =	vsel vm9, v57, v11;
	v31 =	vor.u32 $0x27, v18  }
0xc5: {  	v15 =	vsel vm7, v15, v16;
	v16 =	vor.u32 $0x28, v56;
	vm11 =	vlt.s32 v12, v58  }
0xc6: {  	v18 =	vor.u32 $0x26, v41;
	vm10 =	vlt.s32 v9, v16;
	v61 =	vsel vm11, v12, v58  }
0xc7: {  	v12 =	vsel vm11, v58, v12;
	v59 =	vsel vm10, v9, v16;
	vm13 =	vlt.s32 v53, v61  }
0xc8: {  	v9 =	vsel vm10, v16, v9;
	vm12 =	vlt.s32 v10, v59;
	v63 =	vsel vm13, v61, v53  }
0xc9: {  	v17 =	vsel vm13, v53, v61;
	vm2 =	vlt.s32 v9, v31;
	v62 =	vsel vm12, v10, v59  }
0xca: {  	vm0 =	vgt.s32 v15, v17;
	v10 =	vsel vm12, v59, v10;
	v33 =	vsel vm2, v9, v31  }
0xcb: {  	v9 =	vsel vm2, v31, v9;
	v59 =	vor.u32 $0x1C, v1;
	vm14 =	vlt.s32 v13, v62  }
0xcc: {  	v15 =	vsel vm0, v15, v17;
	vm3 =	vlt.s32 v10, v33;
	vm13 =	vlt.s32 v9, v18  }
0xcd: {  	v28 =	vsel vm14, v13, v62;
	v13 =	vsel vm14, v62, v13;
	v36 =	vsel vm3, v10, v33  }
0xce: {  	v10 =	vsel vm3, v33, v10;
	v43 =	vsel vm13, v9, v18;
	v9 =	vsel vm13, v18, v9  }
0xcf: {  	v33 =	vor.u32 $0x1D, v1;
	vm15 =	vlt.s32 v14, v28;
	vm9 =	vlt.s32 v13, v36  }
0xd0: {  	v30 =	vsel vm15, v14, v28;
	v14 =	vsel vm15, v28, v14;
	v38 =	vsel vm9, v13, v36  }
0xd1: {  	v13 =	vsel vm9, v36, v13;
	vm15 =	vlt.s32 v10, v43;
	vm6 =	vlt.s32 v11, v30  }
0xd2: {  	vm11 =	vlt.s32 v14, v38;
	v46 =	vsel vm15, v10, v43;
	v10 =	vsel vm15, v43, v10  }
0xd3: {  	v43 =	vor.u32 $0x1E, v1;
	v32 =	vsel vm6, v11, v30;
	v11 =	vsel vm6, v30, v11  }
0xd4: {  	v40 =	vsel vm11, v14, v38;
	v14 =	vsel vm11, v38, v14;
	vm6 =	vlt.s32 v13, v46  }
0xd5: {  	v29 =	vld.idx.msk [tilespmem:v59+s1+$0x0], $0xffff;
	vm7 =	vlt.s32 v12, v32;
	vm12 =	vlt.s32 v11, v40;
	v48 =	vsel vm6, v13, v46  }
0xd6: {  	v13 =	vsel vm6, v46, v13;
	v34 =	vsel vm7, v12, v32;
	v12 =	vsel vm7, v32, v12  }
0xd7: {  	v54 =	vld.idx.msk [tilespmem:v49+s1+$0x0], $0xffff;
	v42 =	vsel vm12, v11, v40;
	v11 =	vsel vm12, v40, v11;
	vm8 =	vlt.s32 v63, v34  }
0xd8: {  	v38 =	vld.idx.msk [tilespmem:v33+s1+$0x0], $0xffff;
	vm14 =	vlt.s32 v12, v42;
	v37 =	vsel vm8, v63, v34;
	v19 =	vsel vm8, v34, v63  }
0xd9: {  	v45 =	vsel vm14, v12, v42;
	v12 =	vsel vm14, v42, v12;
	vm8 =	vlt.s32 v14, v48  }
0xda: {  	v35 =	vand.u32 $0xFFFFFFC0, v29;
	vm10 =	vgt.s32 v15, v37;
	vm5 =	vlt.s32 v19, v45  }
0xdb: {  	v51 =	vsel vm8, v14, v48;
	v14 =	vsel vm8, v48, v14;
	v15 =	vsel vm10, v15, v37  }
0xdc: {  	v47 =	vsel vm5, v45, v19;
	v16 =	vsel vm5, v19, v45;
	vm9 =	vlt.s32 v11, v51  }
0xdd: {  	v19 =	vand.u32 $0xFFFFFFC0, v54;
	v44 =	vand.u32 $0xFFFFFFC0, v38;
	vm7 =	vgt.s32 v15, v16  }
0xde: {  	v52 =	vsel vm9, v11, v51;
	v11 =	vsel vm9, v51, v11;
	v61 =	vor.u32 $0x24, v19  }
0xdf: {  	v19 =	vor.u32 $0x23, v35;
	v15 =	vsel vm7, v15, v16;
	v16 =	vor.u32 $0x25, v50  }
0xe0: {  	v35 =	vor.u32 $0x21, v1;
	vm11 =	vlt.s32 v12, v52;
	vm10 =	vlt.s32 v9, v16  }
0xe1: {  	v55 =	vsel vm11, v12, v52;
	v12 =	vsel vm11, v52, v12;
	v53 =	vsel vm10, v9, v16  }
0xe2: {  	vm13 =	vlt.s32 v47, v55;
	v9 =	vsel vm10, v16, v9;
	vm12 =	vlt.s32 v10, v53  }
0xe3: {  	v57 =	vsel vm13, v55, v47;
	v18 =	vsel vm13, v47, v55;
	vm2 =	vlt.s32 v9, v61  }
0xe4: {  	v56 =	vsel vm12, v10, v53;
	vm0 =	vgt.s32 v15, v18;
	v10 =	vsel vm12, v53, v10  }
0xe5: {  	v63 =	vsel vm2, v9, v61;
	v9 =	vsel vm2, v61, v9;
	v53 =	vor.u32 $0x1F, v1  }
0xe6: {  	vm14 =	vlt.s32 v13, v56;
	v15 =	vsel vm0, v15, v18;
	vm3 =	vlt.s32 v10, v63  }
0xe7: {  	vm13 =	vlt.s32 v9, v19;
	v58 =	vsel vm14, v13, v56;
	v13 =	vsel vm14, v56, v13  }
0xe8: {  	v30 =	vsel vm3, v10, v63;
	v10 =	vsel vm3, v63, v10;
	v37 =	vsel vm13, v9, v19  }
0xe9: {  	v9 =	vsel vm13, v19, v9;
	v63 =	vor.u32 $0x20, v1;
	vm15 =	vlt.s32 v14, v58  }
0xea: {  	vm9 =	vlt.s32 v13, v30;
	v60 =	vsel vm15, v14, v58;
	v14 =	vsel vm15, v58, v14  }
0xeb: {  	v32 =	vsel vm9, v13, v30;
	v13 =	vsel vm9, v30, v13;
	vm15 =	vlt.s32 v10, v37  }
0xec: {  	vm6 =	vlt.s32 v11, v60;
	vm11 =	vlt.s32 v14, v32;
	v40 =	vsel vm15, v10, v37  }
0xed: {  	v10 =	vsel vm15, v37, v10;
	v62 =	vsel vm6, v11, v60;
	v11 =	vsel vm6, v60, v11  }
0xee: {  	v34 =	vsel vm11, v14, v32;
	v14 =	vsel vm11, v32, v14;
	vm6 =	vlt.s32 v13, v40  }
0xef: {  	v59 =	vld.idx.msk [tilespmem:v53+s1+$0x0], $0xffff;
	vm7 =	vlt.s32 v12, v62;
	vm12 =	vlt.s32 v11, v34;
	v42 =	vsel vm6, v13, v40  }
0xf0: {  	v13 =	vsel vm6, v40, v13;
	v40 =	vld.idx.msk [tilespmem:v35+s1+$0x0], $0xffff;
	v35 =	vor.u32 $0x25, v1;
	v28 =	vsel vm7, v12, v62  }
0xf1: {  	v48 =	vld.idx.msk [tilespmem:v43+s1+$0x0], $0xffff;
	v12 =	vsel vm7, v62, v12;
	v36 =	vsel vm12, v11, v34;
	vm8 =	vlt.s32 v57, v28  }
0xf2: {  	v30 =	vld.idx.msk [tilespmem:v63+s1+$0x0], $0xffff;
	v11 =	vsel vm12, v34, v11;
	vm14 =	vlt.s32 v12, v36;
	v31 =	vsel vm8, v57, v28  }
0xf3: {  	v17 =	vsel vm8, v28, v57;
	v39 =	vsel vm14, v12, v36;
	v12 =	vsel vm14, v36, v12  }
0xf4: {  	vm8 =	vlt.s32 v14, v42;
	v27 =	vand.u32 $0xFFFFFFC0, v59;
	vm10 =	vgt.s32 v15, v31  }
0xf5: {  	vm5 =	vlt.s32 v17, v39;
	v45 =	vsel vm8, v14, v42;
	v14 =	vsel vm8, v42, v14  }
0xf6: {  	v15 =	vsel vm10, v15, v31;
	v41 =	vsel vm5, v39, v17;
	v16 =	vsel vm5, v17, v39  }
0xf7: {  	vm9 =	vlt.s32 v11, v45;
	v17 =	vand.u32 $0xFFFFFFC0, v48;
	v36 =	vand.u32 $0xFFFFFFC0, v30  }
0xf8: {  	v30 =	vld.idx.msk [tilespmem:v25+s1+$0x0], $0xffff;
	v25 =	vor.u32 $0x33, v1;
	vm7 =	vgt.s32 v15, v16;
	v46 =	vsel vm9, v11, v45  }
0xf9: {  	v11 =	vsel vm9, v45, v11;
	v55 =	vor.u32 $0x21, v17;
	v17 =	vor.u32 $0x20, v27  }
0xfa: {  	v15 =	vsel vm7, v15, v16;
	v16 =	vor.u32 $0x22, v44;
	vm11 =	vlt.s32 v12, v46  }
0xfb: {  	v45 =	vor.u32 $0x22, v1;
	vm10 =	vlt.s32 v9, v16;
	v49 =	vsel vm11, v12, v46  }
0xfc: {  	v12 =	vsel vm11, v46, v12;
	v47 =	vsel vm10, v9, v16;
	vm13 =	vlt.s32 v41, v49  }
0xfd: {  	v9 =	vsel vm10, v16, v9;
	vm12 =	vlt.s32 v10, v47;
	v51 =	vsel vm13, v49, v41  }
0xfe: {  	v19 =	vsel vm13, v41, v49;
	vm2 =	vlt.s32 v9, v55;
	v50 =	vsel vm12, v10, v47  }
0xff: {  	vm0 =	vgt.s32 v15, v19;
	v10 =	vsel vm12, v47, v10;
	v57 =	vsel vm2, v9, v55  }
0x100: {  	v9 =	vsel vm2, v55, v9;
	v55 =	vor.u32 $0x23, v1;
	vm14 =	vlt.s32 v13, v50  }
0x101: {  	v15 =	vsel vm0, v15, v19;
	vm3 =	vlt.s32 v10, v57;
	vm13 =	vlt.s32 v9, v17  }
0x102: {  	v52 =	vsel vm14, v13, v50;
	v13 =	vsel vm14, v50, v13;
	v60 =	vsel vm3, v10, v57  }
0x103: {  	v10 =	vsel vm3, v57, v10;
	v29 =	vsel vm13, v9, v17;
	vm15 =	vlt.s32 v14, v52  }
0x104: {  	v9 =	vsel vm13, v17, v9;
	vm9 =	vlt.s32 v13, v60;
	v54 =	vsel vm15, v14, v52  }
0x105: {  	v14 =	vsel vm15, v52, v14;
	v62 =	vsel vm9, v13, v60;
	v13 =	vsel vm9, v60, v13  }
0x106: {  	vm15 =	vlt.s32 v10, v29;
	vm6 =	vlt.s32 v11, v54;
	vm11 =	vlt.s32 v14, v62  }
0x107: {  	v32 =	vsel vm15, v10, v29;
	v10 =	vsel vm15, v29, v10;
	v60 =	vld.idx.msk [tilespmem:v55+s1+$0x0], $0xffff;
	v55 =	vor.u32 $0x27, v1  }
0x108: {  	v56 =	vsel vm6, v11, v54;
	v11 =	vsel vm6, v54, v11;
	v26 =	vsel vm11, v14, v62  }
0x109: {  	v14 =	vsel vm11, v62, v14;
	vm6 =	vlt.s32 v13, v32;
	vm7 =	vlt.s32 v12, v56  }
0x10a: {  	vm12 =	vlt.s32 v11, v26;
	v34 =	vsel vm6, v13, v32;
	v13 =	vsel vm6, v32, v13  }
0x10b: {  	v58 =	vsel vm7, v12, v56;
	v12 =	vsel vm7, v56, v12;
	v28 =	vsel vm12, v11, v26  }
0x10c: {  	v11 =	vsel vm12, v26, v11;
	vm8 =	vlt.s32 v51, v58;
	vm14 =	vlt.s32 v12, v28  }
0x10d: {  	v61 =	vsel vm8, v51, v58;
	v18 =	vsel vm8, v58, v51;
	v31 =	vsel vm14, v12, v28  }
0x10e: {  	v12 =	vsel vm14, v28, v12;
	vm8 =	vlt.s32 v14, v34;
	v26 =	vand.u32 $0xFFFFFFC0, v60  }
0x10f: {  	v51 =	vld.idx.msk [tilespmem:v45+s1+$0x0], $0xffff;
	v45 =	vor.u32 $0x26, v1;
	vm10 =	vgt.s32 v15, v61;
	vm5 =	vlt.s32 v18, v31  }
0x110: {  	v37 =	vsel vm8, v14, v34;
	v14 =	vsel vm8, v34, v14;
	v15 =	vsel vm10, v15, v61  }
0x111: {  	v33 =	vsel vm5, v31, v18;
	v16 =	vsel vm5, v18, v31;
	vm9 =	vlt.s32 v11, v37  }
0x112: {  	v18 =	vand.u32 $0xFFFFFFC0, v40;
	vm7 =	vgt.s32 v15, v16;
	v38 =	vsel vm9, v11, v37  }
0x113: {  	v11 =	vsel vm9, v37, v11;
	v15 =	vsel vm7, v15, v16;
	v16 =	vor.u32 $0x1F, v36  }
0x114: {  	v47 =	vor.u32 $0x1E, v18;
	vm11 =	vlt.s32 v12, v38;
	vm10 =	vlt.s32 v9, v16  }
0x115: {  	v41 =	vsel vm11, v12, v38;
	v12 =	vsel vm11, v38, v12;
	v57 =	vand.u32 $0xFFFFFFC0, v51  }
0x116: {  	v39 =	vsel vm10, v9, v16;
	vm13 =	vlt.s32 v33, v41;
	v9 =	vsel vm10, v16, v9  }
0x117: {  	v18 =	vor.u32 $0x1D, v57;
	vm12 =	vlt.s32 v10, v39;
	v43 =	vsel vm13, v41, v33  }
0x118: {  	v17 =	vsel vm13, v33, v41;
	vm2 =	vlt.s32 v9, v47;
	v42 =	vsel vm12, v10, v39  }
0x119: {  	vm0 =	vgt.s32 v15, v17;
	v10 =	vsel vm12, v39, v10;
	v49 =	vsel vm2, v9, v47  }
0x11a: {  	v9 =	vsel vm2, v47, v9;
	vm14 =	vlt.s32 v13, v42;
	v15 =	vsel vm0, v15, v17  }
0x11b: {  	v41 =	vld.idx.msk [tilespmem:v35+s1+$0x0], $0xffff;
	vm3 =	vlt.s32 v10, v49;
	vm13 =	vlt.s32 v9, v18;
	v44 =	vsel vm14, v13, v42  }
0x11c: {  	v13 =	vsel vm14, v42, v13;
	v52 =	vsel vm3, v10, v49;
	v10 =	vsel vm3, v49, v10  }
0x11d: {  	v59 =	vsel vm13, v9, v18;
	v9 =	vsel vm13, v18, v9;
	vm15 =	vlt.s32 v14, v44  }
0x11e: {  	vm9 =	vlt.s32 v13, v52;
	v46 =	vsel vm15, v14, v44;
	v14 =	vsel vm15, v44, v14  }
0x11f: {  	v54 =	vsel vm9, v13, v52;
	v13 =	vsel vm9, v52, v13;
	vm15 =	vlt.s32 v10, v59  }
0x120: {  	v47 =	vand.u32 $0xFFFFFFC0, v41;
	vm6 =	vlt.s32 v11, v46;
	vm11 =	vlt.s32 v14, v54  }
0x121: {  	v62 =	vsel vm15, v10, v59;
	v10 =	vsel vm15, v59, v10;
	v48 =	vsel vm6, v11, v46  }
0x122: {  	v11 =	vsel vm6, v46, v11;
	v56 =	vsel vm11, v14, v54;
	v14 =	vsel vm11, v54, v14  }
0x123: {  	vm6 =	vlt.s32 v13, v62;
	vm7 =	vlt.s32 v12, v48;
	vm12 =	vlt.s32 v11, v56  }
0x124: {  	v24 =	vsel vm6, v13, v62;
	v13 =	vsel vm6, v62, v13;
	v50 =	vsel vm7, v12, v48  }
0x125: {  	v12 =	vsel vm7, v48, v12;
	v58 =	vsel vm12, v11, v56;
	vm8 =	vlt.s32 v43, v50  }
0x126: {  	v11 =	vsel vm12, v56, v11;
	vm14 =	vlt.s32 v12, v58;
	v53 =	vsel vm8, v43, v50  }
0x127: {  	v19 =	vsel vm8, v50, v43;
	v61 =	vsel vm14, v12, v58;
	v12 =	vsel vm14, v58, v12  }
0x128: {  	vm8 =	vlt.s32 v14, v24;
	vm10 =	vgt.s32 v15, v53;
	vm5 =	vlt.s32 v19, v61  }
0x129: {  	v27 =	vsel vm8, v14, v24;
	v14 =	vsel vm8, v24, v14;
	v15 =	vsel vm10, v15, v53  }
0x12a: {  	v50 =	vld.idx.msk [tilespmem:v45+s1+$0x0], $0xffff;
	v63 =	vsel vm5, v61, v19;
	v16 =	vsel vm5, v19, v61;
	vm9 =	vlt.s32 v11, v27  }
0x12b: {  	v19 =	vand.u32 $0xFFFFFFC0, v30;
	vm7 =	vgt.s32 v15, v16;
	v28 =	vsel vm9, v11, v27  }
0x12c: {  	v11 =	vsel vm9, v27, v11;
	v37 =	vor.u32 $0x1B, v19;
	v19 =	vor.u32 $0x1A, v47  }
0x12d: {  	v15 =	vsel vm7, v15, v16;
	v16 =	vor.u32 $0x1C, v26;
	vm11 =	vlt.s32 v12, v28  }
0x12e: {  	vm10 =	vlt.s32 v9, v16;
	v31 =	vsel vm11, v12, v28;
	v12 =	vsel vm11, v28, v12  }
0x12f: {  	v56 =	vand.u32 $0xFFFFFFC0, v50;
	v29 =	vsel vm10, v9, v16;
	vm13 =	vlt.s32 v63, v31  }
0x130: {  	v9 =	vsel vm10, v16, v9;
	vm12 =	vlt.s32 v10, v29;
	v33 =	vsel vm13, v31, v63  }
0x131: {  	v18 =	vsel vm13, v63, v31;
	vm2 =	vlt.s32 v9, v37;
	v32 =	vsel vm12, v10, v29  }
0x132: {  	vm0 =	vgt.s32 v15, v18;
	v10 =	vsel vm12, v29, v10;
	v39 =	vsel vm2, v9, v37  }
0x133: {  	v9 =	vsel vm2, v37, v9;
	v29 =	vor.u32 $0x28, v1;
	vm14 =	vlt.s32 v13, v32  }
0x134: {  	v15 =	vsel vm0, v15, v18;
	vm3 =	vlt.s32 v10, v39;
	vm13 =	vlt.s32 v9, v19  }
0x135: {  	v34 =	vsel vm14, v13, v32;
	v13 =	vsel vm14, v32, v13;
	v42 =	vsel vm3, v10, v39  }
0x136: {  	v10 =	vsel vm3, v39, v10;
	v49 =	vsel vm13, v9, v19;
	v9 =	vsel vm13, v19, v9  }
0x137: {  	v39 =	vor.u32 $0x29, v1;
	vm15 =	vlt.s32 v14, v34;
	vm9 =	vlt.s32 v13, v42  }
0x138: {  	v36 =	vsel vm15, v14, v34;
	v14 =	vsel vm15, v34, v14;
	v44 =	vsel vm9, v13, v42  }
0x139: {  	v13 =	vsel vm9, v42, v13;
	vm15 =	vlt.s32 v10, v49;
	vm6 =	vlt.s32 v11, v36  }
0x13a: {  	vm11 =	vlt.s32 v14, v44;
	v52 =	vsel vm15, v10, v49;
	v10 =	vsel vm15, v49, v10  }
0x13b: {  	v49 =	vor.u32 $0x2A, v1;
	v38 =	vsel vm6, v11, v36;
	v11 =	vsel vm6, v36, v11  }
0x13c: {  	v46 =	vsel vm11, v14, v44;
	v14 =	vsel vm11, v44, v14;
	vm6 =	vlt.s32 v13, v52  }
0x13d: {  	v35 =	vld.idx.msk [tilespmem:v29+s1+$0x0], $0xffff;
	vm7 =	vlt.s32 v12, v38;
	vm12 =	vlt.s32 v11, v46;
	v54 =	vsel vm6, v13, v52  }
0x13e: {  	v13 =	vsel vm6, v52, v13;
	v40 =	vsel vm7, v12, v38;
	v12 =	vsel vm7, v38, v12  }
0x13f: {  	v60 =	vld.idx.msk [tilespmem:v55+s1+$0x0], $0xffff;
	v48 =	vsel vm12, v11, v46;
	v11 =	vsel vm12, v46, v11;
	vm8 =	vlt.s32 v33, v40  }
0x140: {  	v44 =	vld.idx.msk [tilespmem:v39+s1+$0x0], $0xffff;
	vm14 =	vlt.s32 v12, v48;
	v43 =	vsel vm8, v33, v40;
	v17 =	vsel vm8, v40, v33  }
0x141: {  	v51 =	vsel vm14, v12, v48;
	v12 =	vsel vm14, v48, v12;
	vm8 =	vlt.s32 v14, v54  }
0x142: {  	v41 =	vand.u32 $0xFFFFFFC0, v35;
	vm10 =	vgt.s32 v15, v43;
	vm5 =	vlt.s32 v17, v51  }
0x143: {  	v57 =	vsel vm8, v14, v54;
	v14 =	vsel vm8, v54, v14;
	v15 =	vsel vm10, v15, v43  }
0x144: {  	v53 =	vsel vm5, v51, v17;
	v16 =	vsel vm5, v17, v51;
	vm9 =	vlt.s32 v11, v57  }
0x145: {  	v17 =	vand.u32 $0xFFFFFFC0, v60;
	v50 =	vand.u32 $0xFFFFFFC0, v44;
	vm7 =	vgt.s32 v15, v16  }
0x146: {  	v58 =	vsel vm9, v11, v57;
	v11 =	vsel vm9, v57, v11;
	v31 =	vor.u32 $0x18, v17  }
0x147: {  	v15 =	vsel vm7, v15, v16;
	v16 =	vor.u32 $0x19, v56;
	vm11 =	vlt.s32 v12, v58  }
0x148: {  	v17 =	vor.u32 $0x17, v41;
	vm10 =	vlt.s32 v9, v16;
	v61 =	vsel vm11, v12, v58  }
0x149: {  	v12 =	vsel vm11, v58, v12;
	v59 =	vsel vm10, v9, v16;
	vm13 =	vlt.s32 v53, v61  }
0x14a: {  	v9 =	vsel vm10, v16, v9;
	vm12 =	vlt.s32 v10, v59;
	v63 =	vsel vm13, v61, v53  }
0x14b: {  	v19 =	vsel vm13, v53, v61;
	vm2 =	vlt.s32 v9, v31;
	v62 =	vsel vm12, v10, v59  }
0x14c: {  	vm0 =	vgt.s32 v15, v19;
	v10 =	vsel vm12, v59, v10;
	v33 =	vsel vm2, v9, v31  }
0x14d: {  	v9 =	vsel vm2, v31, v9;
	v59 =	vor.u32 $0x2B, v1;
	vm14 =	vlt.s32 v13, v62  }
0x14e: {  	v15 =	vsel vm0, v15, v19;
	vm3 =	vlt.s32 v10, v33;
	vm13 =	vlt.s32 v9, v17  }
0x14f: {  	v28 =	vsel vm14, v13, v62;
	v13 =	vsel vm14, v62, v13;
	v36 =	vsel vm3, v10, v33  }
0x150: {  	v10 =	vsel vm3, v33, v10;
	v43 =	vsel vm13, v9, v17;
	v9 =	vsel vm13, v17, v9  }
0x151: {  	v33 =	vor.u32 $0x2C, v1;
	vm15 =	vlt.s32 v14, v28;
	vm9 =	vlt.s32 v13, v36  }
0x152: {  	v30 =	vsel vm15, v14, v28;
	v14 =	vsel vm15, v28, v14;
	v38 =	vsel vm9, v13, v36  }
0x153: {  	v13 =	vsel vm9, v36, v13;
	vm15 =	vlt.s32 v10, v43;
	vm6 =	vlt.s32 v11, v30  }
0x154: {  	vm11 =	vlt.s32 v14, v38;
	v46 =	vsel vm15, v10, v43;
	v10 =	vsel vm15, v43, v10  }
0x155: {  	v43 =	vor.u32 $0x2D, v1;
	v32 =	vsel vm6, v11, v30;
	v11 =	vsel vm6, v30, v11  }
0x156: {  	v40 =	vsel vm11, v14, v38;
	v14 =	vsel vm11, v38, v14;
	vm6 =	vlt.s32 v13, v46  }
0x157: {  	v29 =	vld.idx.msk [tilespmem:v59+s1+$0x0], $0xffff;
	vm7 =	vlt.s32 v12, v32;
	vm12 =	vlt.s32 v11, v40;
	v48 =	vsel vm6, v13, v46  }
0x158: {  	v13 =	vsel vm6, v46, v13;
	v34 =	vsel vm7, v12, v32;
	v12 =	vsel vm7, v32, v12  }
0x159: {  	v54 =	vld.idx.msk [tilespmem:v49+s1+$0x0], $0xffff;
	v42 =	vsel vm12, v11, v40;
	v11 =	vsel vm12, v40, v11;
	vm8 =	vlt.s32 v63, v34  }
0x15a: {  	v38 =	vld.idx.msk [tilespmem:v33+s1+$0x0], $0xffff;
	vm14 =	vlt.s32 v12, v42;
	v37 =	vsel vm8, v63, v34;
	v18 =	vsel vm8, v34, v63  }
0x15b: {  	v45 =	vsel vm14, v12, v42;
	v12 =	vsel vm14, v42, v12;
	vm8 =	vlt.s32 v14, v48  }
0x15c: {  	v35 =	vand.u32 $0xFFFFFFC0, v29;
	vm10 =	vgt.s32 v15, v37;
	vm5 =	vlt.s32 v18, v45  }
0x15d: {  	v51 =	vsel vm8, v14, v48;
	v14 =	vsel vm8, v48, v14;
	v15 =	vsel vm10, v15, v37  }
0x15e: {  	v47 =	vsel vm5, v45, v18;
	v16 =	vsel vm5, v18, v45;
	vm9 =	vlt.s32 v11, v51  }
0x15f: {  	v18 =	vand.u32 $0xFFFFFFC0, v54;
	v44 =	vand.u32 $0xFFFFFFC0, v38;
	vm7 =	vgt.s32 v15, v16  }
0x160: {  	v52 =	vsel vm9, v11, v51;
	v11 =	vsel vm9, v51, v11;
	v61 =	vor.u32 $0x15, v18  }
0x161: {  	v18 =	vor.u32 $0x14, v35;
	v15 =	vsel vm7, v15, v16;
	v16 =	vor.u32 $0x16, v50  }
0x162: {  	v35 =	vor.u32 $0x30, v1;
	vm11 =	vlt.s32 v12, v52;
	vm10 =	vlt.s32 v9, v16  }
0x163: {  	v55 =	vsel vm11, v12, v52;
	v12 =	vsel vm11, v52, v12;
	v53 =	vsel vm10, v9, v16  }
0x164: {  	vm13 =	vlt.s32 v47, v55;
	v9 =	vsel vm10, v16, v9;
	vm12 =	vlt.s32 v10, v53  }
0x165: {  	v57 =	vsel vm13, v55, v47;
	v17 =	vsel vm13, v47, v55;
	vm2 =	vlt.s32 v9, v61  }
0x166: {  	v56 =	vsel vm12, v10, v53;
	vm0 =	vgt.s32 v15, v17;
	v10 =	vsel vm12, v53, v10  }
0x167: {  	v63 =	vsel vm2, v9, v61;
	v9 =	vsel vm2, v61, v9;
	v53 =	vor.u32 $0x2E, v1  }
0x168: {  	vm14 =	vlt.s32 v13, v56;
	v15 =	vsel vm0, v15, v17;
	vm3 =	vlt.s32 v10, v63  }
0x169: {  	vm13 =	vlt.s32 v9, v18;
	v58 =	vsel vm14, v13, v56;
	v13 =	vsel vm14, v56, v13  }
0x16a: {  	v30 =	vsel vm3, v10, v63;
	v10 =	vsel vm3, v63, v10;
	v37 =	vsel vm13, v9, v18  }
0x16b: {  	v9 =	vsel vm13, v18, v9;
	v63 =	vor.u32 $0x2F, v1;
	vm15 =	vlt.s32 v14, v58  }
0x16c: {  	vm9 =	vlt.s32 v13, v30;
	v60 =	vsel vm15, v14, v58;
	v14 =	vsel vm15, v58, v14  }
0x16d: {  	v32 =	vsel vm9, v13, v30;
	v13 =	vsel vm9, v30, v13;
	vm15 =	vlt.s32 v10, v37  }
0x16e: {  	vm6 =	vlt.s32 v11, v60;
	vm11 =	vlt.s32 v14, v32;
	v40 =	vsel vm15, v10, v37  }
0x16f: {  	v10 =	vsel vm15, v37, v10;
	v62 =	vsel vm6, v11, v60;
	v11 =	vsel vm6, v60, v11  }
0x170: {  	v34 =	vsel vm11, v14, v32;
	v14 =	vsel vm11, v32, v14;
	vm6 =	vlt.s32 v13, v40  }
0x171: {  	v59 =	vld.idx.msk [tilespmem:v53+s1+$0x0], $0xffff;
	vm7 =	vlt.s32 v12, v62;
	vm12 =	vlt.s32 v11, v34;
	v42 =	vsel vm6, v13, v40  }
0x172: {  	v13 =	vsel vm6, v40, v13;
	v40 =	vld.idx.msk [tilespmem:v35+s1+$0x0], $0xffff;
	v35 =	vor.u32 $0x34, v1;
	v28 =	vsel vm7, v12, v62  }
0x173: {  	v48 =	vld.idx.msk [tilespmem:v43+s1+$0x0], $0xffff;
	v12 =	vsel vm7, v62, v12;
	v36 =	vsel vm12, v11, v34;
	vm8 =	vlt.s32 v57, v28  }
0x174: {  	v30 =	vld.idx.msk [tilespmem:v63+s1+$0x0], $0xffff;
	v11 =	vsel vm12, v34, v11;
	vm14 =	vlt.s32 v12, v36;
	v31 =	vsel vm8, v57, v28  }
0x175: {  	v19 =	vsel vm8, v28, v57;
	v39 =	vsel vm14, v12, v36;
	v12 =	vsel vm14, v36, v12  }
0x176: {  	vm8 =	vlt.s32 v14, v42;
	v27 =	vand.u32 $0xFFFFFFC0, v59;
	vm10 =	vgt.s32 v15, v31  }
0x177: {  	vm5 =	vlt.s32 v19, v39;
	v45 =	vsel vm8, v14, v42;
	v14 =	vsel vm8, v42, v14  }
0x178: {  	v15 =	vsel vm10, v15, v31;
	v41 =	vsel vm5, v39, v19;
	v16 =	vsel vm5, v19, v39  }
0x179: {  	vm9 =	vlt.s32 v11, v45;
	v19 =	vand.u32 $0xFFFFFFC0, v48;
	v36 =	vand.u32 $0xFFFFFFC0, v30  }
0x17a: {  	v30 =	vld.idx.msk [tilespmem:v25+s1+$0x0], $0xffff;
	v25 =	vor.u32 $0x39, v1;
	vm7 =	vgt.s32 v15, v16;
	v46 =	vsel vm9, v11, v45  }
0x17b: {  	v11 =	vsel vm9, v45, v11;
	v55 =	vor.u32 $0x12, v19;
	v19 =	vor.u32 $0x11, v27  }
0x17c: {  	v15 =	vsel vm7, v15, v16;
	v16 =	vor.u32 $0x13, v44;
	vm11 =	vlt.s32 v12, v46  }
0x17d: {  	v45 =	vor.u32 $0x31, v1;
	vm10 =	vlt.s32 v9, v16;
	v49 =	vsel vm11, v12, v46  }
0x17e: {  	v12 =	vsel vm11, v46, v12;
	v47 =	vsel vm10, v9, v16;
	vm13 =	vlt.s32 v41, v49  }
0x17f: {  	v9 =	vsel vm10, v16, v9;
	vm12 =	vlt.s32 v10, v47;
	v51 =	vsel vm13, v49, v41  }
0x180: {  	v18 =	vsel vm13, v41, v49;
	vm2 =	vlt.s32 v9, v55;
	v50 =	vsel vm12, v10, v47  }
0x181: {  	vm0 =	vgt.s32 v15, v18;
	v10 =	vsel vm12, v47, v10;
	v57 =	vsel vm2, v9, v55  }
0x182: {  	v9 =	vsel vm2, v55, v9;
	v55 =	vor.u32 $0x32, v1;
	vm14 =	vlt.s32 v13, v50  }
0x183: {  	v15 =	vsel vm0, v15, v18;
	vm3 =	vlt.s32 v10, v57;
	vm13 =	vlt.s32 v9, v19  }
0x184: {  	v52 =	vsel vm14, v13, v50;
	v13 =	vsel vm14, v50, v13;
	v60 =	vsel vm3, v10, v57  }
0x185: {  	v10 =	vsel vm3, v57, v10;
	v29 =	vsel vm13, v9, v19;
	vm15 =	vlt.s32 v14, v52  }
0x186: {  	v9 =	vsel vm13, v19, v9;
	vm9 =	vlt.s32 v13, v60;
	v54 =	vsel vm15, v14, v52  }
0x187: {  	v14 =	vsel vm15, v52, v14;
	v62 =	vsel vm9, v13, v60;
	v13 =	vsel vm9, v60, v13  }
0x188: {  	vm15 =	vlt.s32 v10, v29;
	vm6 =	vlt.s32 v11, v54;
	vm11 =	vlt.s32 v14, v62  }
0x189: {  	v32 =	vsel vm15, v10, v29;
	v10 =	vsel vm15, v29, v10;
	v60 =	vld.idx.msk [tilespmem:v55+s1+$0x0], $0xffff;
	v55 =	vor.u32 $0x36, v1  }
0x18a: {  	v56 =	vsel vm6, v11, v54;
	v11 =	vsel vm6, v54, v11;
	v26 =	vsel vm11, v14, v62  }
0x18b: {  	v14 =	vsel vm11, v62, v14;
	vm6 =	vlt.s32 v13, v32;
	vm7 =	vlt.s32 v12, v56  }
0x18c: {  	vm12 =	vlt.s32 v11, v26;
	v34 =	vsel vm6, v13, v32;
	v13 =	vsel vm6, v32, v13  }
0x18d: {  	v58 =	vsel vm7, v12, v56;
	v12 =	vsel vm7, v56, v12;
	v28 =	vsel vm12, v11, v26  }
0x18e: {  	v11 =	vsel vm12, v26, v11;
	vm8 =	vlt.s32 v51, v58;
	vm14 =	vlt.s32 v12, v28  }
0x18f: {  	v61 =	vsel vm8, v51, v58;
	v17 =	vsel vm8, v58, v51;
	v31 =	vsel vm14, v12, v28  }
0x190: {  	v12 =	vsel vm14, v28, v12;
	vm8 =	vlt.s32 v14, v34;
	v26 =	vand.u32 $0xFFFFFFC0, v60  }
0x191: {  	v51 =	vld.idx.msk [tilespmem:v45+s1+$0x0], $0xffff;
	v45 =	vor.u32 $0x35, v1;
	vm10 =	vgt.s32 v15, v61;
	vm5 =	vlt.s32 v17, v31  }
0x192: {  	v37 =	vsel vm8, v14, v34;
	v14 =	vsel vm8, v34, v14;
	v15 =	vsel vm10, v15, v61  }
0x193: {  	v33 =	vsel vm5, v31, v17;
	v16 =	vsel vm5, v17, v31;
	vm9 =	vlt.s32 v11, v37  }
0x194: {  	v17 =	vand.u32 $0xFFFFFFC0, v40;
	vm7 =	vgt.s32 v15, v16;
	v38 =	vsel vm9, v11, v37  }
0x195: {  	v11 =	vsel vm9, v37, v11;
	v15 =	vsel vm7, v15, v16;
	v16 =	vor.u32 $0x10, v36  }
0x196: {  	v47 =	vor.u32 $0xF, v17;
	vm11 =	vlt.s32 v12, v38;
	vm10 =	vlt.s32 v9, v16  }
0x197: {  	v41 =	vsel vm11, v12, v38;
	v12 =	vsel vm11, v38, v12;
	v57 =	vand.u32 $0xFFFFFFC0, v51  }
0x198: {  	v39 =	vsel vm10, v9, v16;
	vm13 =	vlt.s32 v33, v41;
	v9 =	vsel vm10, v16, v9  }
0x199: {  	v17 =	vor.u32 $0xE, v57;
	vm12 =	vlt.s32 v10, v39;
	v43 =	vsel vm13, v41, v33  }
0x19a: {  	v19 =	vsel vm13, v33, v41;
	vm2 =	vlt.s32 v9, v47;
	v42 =	vsel vm12, v10, v39  }
0x19b: {  	vm0 =	vgt.s32 v15, v19;
	v10 =	vsel vm12, v39, v10;
	v49 =	vsel vm2, v9, v47  }
0x19c: {  	v9 =	vsel vm2, v47, v9;
	vm14 =	vlt.s32 v13, v42;
	v15 =	vsel vm0, v15, v19  }
0x19d: {  	v41 =	vld.idx.msk [tilespmem:v35+s1+$0x0], $0xffff;
	vm3 =	vlt.s32 v10, v49;
	vm13 =	vlt.s32 v9, v17;
	v44 =	vsel vm14, v13, v42  }
0x19e: {  	v13 =	vsel vm14, v42, v13;
	v52 =	vsel vm3, v10, v49;
	v10 =	vsel vm3, v49, v10  }
0x19f: {  	v59 =	vsel vm13, v9, v17;
	v9 =	vsel vm13, v17, v9;
	vm15 =	vlt.s32 v14, v44  }
0x1a0: {  	vm9 =	vlt.s32 v13, v52;
	v46 =	vsel vm15, v14, v44;
	v14 =	vsel vm15, v44, v14  }
0x1a1: {  	v54 =	vsel vm9, v13, v52;
	v13 =	vsel vm9, v52, v13;
	vm15 =	vlt.s32 v10, v59  }
0x1a2: {  	v47 =	vand.u32 $0xFFFFFFC0, v41;
	vm6 =	vlt.s32 v11, v46;
	vm11 =	vlt.s32 v14, v54  }
0x1a3: {  	v62 =	vsel vm15, v10, v59;
	v10 =	vsel vm15, v59, v10;
	v48 =	vsel vm6, v11, v46  }
0x1a4: {  	v11 =	vsel vm6, v46, v11;
	v56 =	vsel vm11, v14, v54;
	v14 =	vsel vm11, v54, v14  }
0x1a5: {  	vm6 =	vlt.s32 v13, v62;
	vm7 =	vlt.s32 v12, v48;
	vm12 =	vlt.s32 v11, v56  }
0x1a6: {  	v24 =	vsel vm6, v13, v62;
	v13 =	vsel vm6, v62, v13;
	v50 =	vsel vm7, v12, v48  }
0x1a7: {  	v12 =	vsel vm7, v48, v12;
	v58 =	vsel vm12, v11, v56;
	vm8 =	vlt.s32 v43, v50  }
0x1a8: {  	v11 =	vsel vm12, v56, v11;
	vm14 =	vlt.s32 v12, v58;
	v53 =	vsel vm8, v43, v50  }
0x1a9: {  	v18 =	vsel vm8, v50, v43;
	v61 =	vsel vm14, v12, v58;
	v12 =	vsel vm14, v58, v12  }
0x1aa: {  	vm8 =	vlt.s32 v14, v24;
	vm10 =	vgt.s32 v15, v53;
	vm5 =	vlt.s32 v18, v61  }
0x1ab: {  	v27 =	vsel vm8, v14, v24;
	v14 =	vsel vm8, v24, v14;
	v15 =	vsel vm10, v15, v53  }
0x1ac: {  	v50 =	vld.idx.msk [tilespmem:v45+s1+$0x0], $0xffff;
	v63 =	vsel vm5, v61, v18;
	v16 =	vsel vm5, v18, v61;
	vm9 =	vlt.s32 v11, v27  }
0x1ad: {  	v18 =	vand.u32 $0xFFFFFFC0, v30;
	vm7 =	vgt.s32 v15, v16;
	v28 =	vsel vm9, v11, v27  }
0x1ae: {  	v11 =	vsel vm9, v27, v11;
	v37 =	vor.u32 $0xC, v18;
	v18 =	vor.u32 $0xB, v47  }
0x1af: {  	v15 =	vsel vm7, v15, v16;
	v16 =	vor.u32 $0xD, v26;
	vm11 =	vlt.s32 v12, v28  }
0x1b0: {  	v26 =	vor.u32 $0x3C, v1;
	vm10 =	vlt.s32 v9, v16;
	v31 =	vsel vm11, v12, v28  }
0x1b1: {  	v12 =	vsel vm11, v28, v12;
	v56 =	vand.u32 $0xFFFFFFC0, v50;
	v29 =	vsel vm10, v9, v16  }
0x1b2: {  	vm13 =	vlt.s32 v63, v31;
	v9 =	vsel vm10, v16, v9;
	vm12 =	vlt.s32 v10, v29  }
0x1b3: {  	v33 =	vsel vm13, v31, v63;
	v17 =	vsel vm13, v63, v31;
	vm2 =	vlt.s32 v9, v37  }
0x1b4: {  	v50 =	vld.idx.msk [tilespmem:v25+s1+$0x0], $0xffff;
	v32 =	vsel vm12, v10, v29;
	vm0 =	vgt.s32 v15, v17;
	v10 =	vsel vm12, v29, v10  }
0x1b5: {  	v39 =	vsel vm2, v9, v37;
	v9 =	vsel vm2, v37, v9;
	v29 =	vor.u32 $0x37, v1  }
0x1b6: {  	vm14 =	vlt.s32 v13, v32;
	v15 =	vsel vm0, v15, v17;
	vm3 =	vlt.s32 v10, v39  }
0x1b7: {  	v34 =	vsel vm14, v13, v32;
	v13 =	vsel vm14, v32, v13;
	v42 =	vsel vm3, v10, v39  }
0x1b8: {  	v10 =	vsel vm3, v39, v10;
	v39 =	vor.u32 $0x38, v1;
	vm15 =	vlt.s32 v14, v34  }
0x1b9: {  	v20 =	vand.u32 $0xFFFFFFC0, v50;
	vm11 =	vlt.s32 v13, v42;
	v36 =	vsel vm15, v14, v34  }
0x1ba: {  	v14 =	vsel vm15, v34, v14;
	v44 =	vsel vm11, v13, v42;
	v13 =	vsel vm11, v42, v13  }
0x1bb: {  	vm15 =	vlt.s32 v9, v18;
	vm8 =	vlt.s32 v11, v36;
	vm13 =	vlt.s32 v14, v44  }
0x1bc: {  	v49 =	vsel vm15, v9, v18;
	v9 =	vsel vm15, v18, v9;
	v38 =	vsel vm8, v11, v36  }
0x1bd: {  	v11 =	vsel vm8, v36, v11;
	v46 =	vsel vm13, v14, v44;
	v14 =	vsel vm13, v44, v14  }
0x1be: {  	vm7 =	vlt.s32 v10, v49;
	vm9 =	vlt.s32 v12, v38;
	vm14 =	vlt.s32 v11, v46  }
0x1bf: {  	v34 =	vld.idx.msk [tilespmem:v29+s1+$0x0], $0xffff;
	v52 =	vsel vm7, v10, v49;
	v10 =	vsel vm7, v49, v10;
	v40 =	vsel vm9, v12, v38  }
0x1c0: {  	v12 =	vsel vm9, v38, v12;
	v48 =	vsel vm14, v11, v46;
	v11 =	vsel vm14, v46, v11  }
0x1c1: {  	vm9 =	vlt.s32 v13, v52;
	vm10 =	vlt.s32 v33, v40;
	vm6 =	vlt.s32 v12, v48  }
0x1c2: {  	v60 =	vld.idx.msk [tilespmem:v55+s1+$0x0], $0xffff;
	v54 =	vsel vm9, v13, v52;
	v13 =	vsel vm9, v52, v13;
	v43 =	vsel vm10, v33, v40  }
0x1c3: {  	v23 =	vld.idx.msk [tilespmem:v39+s1+$0x0], $0xffff;
	v19 =	vsel vm10, v40, v33;
	v51 =	vsel vm6, v12, v48;
	v12 =	vsel vm6, v48, v12  }
0x1c4: {  	vm11 =	vlt.s32 v14, v54;
	v21 =	vand.u32 $0xFFFFFFC0, v34;
	vm12 =	vgt.s32 v15, v43  }
0x1c5: {  	vm8 =	vlt.s32 v19, v51;
	v57 =	vsel vm11, v14, v54;
	v14 =	vsel vm11, v54, v14  }
0x1c6: {  	v21 =	vor.u32 $0x8, v21;
	v15 =	vsel vm12, v15, v43;
	v53 =	vsel vm8, v51, v19  }
0x1c7: {  	v16 =	vsel vm8, v19, v51;
	vm12 =	vlt.s32 v11, v57;
	v19 =	vand.u32 $0xFFFFFFC0, v60  }
0x1c8: {  	v48 =	vand.u32 $0xFFFFFFC0, v23;
	vm10 =	vgt.s32 v15, v16;
	v58 =	vsel vm12, v11, v57  }
0x1c9: {  	v11 =	vsel vm12, v57, v11;
	v31 =	vor.u32 $0x9, v19;
	v15 =	vsel vm10, v15, v16  }
0x1ca: {  	v16 =	vor.u32 $0xA, v56;
	vm14 =	vlt.s32 v12, v58;
	v56 =	vor.u32 $0x6, v20  }
0x1cb: {  	vm13 =	vlt.s32 v9, v16;
	v61 =	vsel vm14, v12, v58;
	v12 =	vsel vm14, v58, v12  }
0x1cc: {  	v59 =	vsel vm13, v9, v16;
	vm7 =	vlt.s32 v53, v61;
	v9 =	vsel vm13, v16, v9  }
0x1cd: {  	vm15 =	vlt.s32 v10, v59;
	v63 =	vsel vm7, v53, v61;
	v18 =	vsel vm7, v61, v53  }
0x1ce: {  	vm2 =	vlt.s32 v9, v31;
	v61 =	vor.u32 $0x3A, v1;
	v62 =	vsel vm15, v10, v59  }
0x1cf: {  	vm9 =	vgt.s32 v15, v63;
	v10 =	vsel vm15, v59, v10;
	v33 =	vsel vm2, v9, v31  }
0x1d0: {  	v9 =	vsel vm2, v31, v9;
	vm8 =	vlt.s32 v13, v62;
	v15 =	vsel vm9, v15, v63  }
0x1d1: {  	vm3 =	vlt.s32 v10, v33;
	vm2 =	vlt.s32 v9, v21;
	v28 =	vsel vm8, v13, v62  }
0x1d2: {  	v13 =	vsel vm8, v62, v13;
	v36 =	vsel vm3, v10, v33;
	v10 =	vsel vm3, v33, v10  }
0x1d3: {  	v42 =	vsel vm2, v9, v21;
	v9 =	vsel vm2, v21, v9;
	v33 =	vor.u32 $0x3D, v1  }
0x1d4: {  	vm10 =	vlt.s32 v14, v28;
	vm14 =	vlt.s32 v13, v36;
	vm3 =	vlt.s32 v10, v42  }
0x1d5: {  	v30 =	vsel vm10, v14, v28;
	v14 =	vsel vm10, v28, v14;
	v38 =	vsel vm14, v13, v36  }
0x1d6: {  	v13 =	vsel vm14, v36, v13;
	v44 =	vsel vm3, v10, v42;
	v10 =	vsel vm3, v42, v10  }
0x1d7: {  	v28 =	vor.u32 $0x3B, v1;
	v36 =	vor.u32 $0x3E, v1;
	vm11 =	vlt.s32 v11, v30  }
0x1d8: {  	vm4 =	vlt.s32 v14, v38;
	v32 =	vsel vm11, v11, v30;
	v11 =	vsel vm11, v30, v11  }
0x1d9: {  	v31 =	vld.idx.msk [tilespmem:v61+s1+$0x0], $0xffff;
	v40 =	vsel vm4, v14, v38;
	v14 =	vsel vm4, v38, v14;
	vm11 =	vlt.s32 v13, v44  }
0x1da: {  	v38 =	vor.u32 $0x3F, v1;
	vm12 =	vlt.s32 v12, v32;
	vm8 =	vlt.s32 v11, v40  }
0x1db: {  	v46 =	vsel vm11, v13, v44;
	v13 =	vsel vm11, v44, v13;
	v35 =	vsel vm12, v12, v32  }
0x1dc: {  	v12 =	vsel vm12, v32, v12;
	v41 =	vsel vm8, v11, v40;
	v11 =	vsel vm8, v40, v11  }
0x1dd: {  	vm5 =	vlt.s32 v14, v46;
	vm13 =	vlt.s32 v18, v35;
	vm9 =	vlt.s32 v12, v41  }
0x1de: {  	v47 =	vsel vm5, v14, v46;
	v14 =	vsel vm5, v46, v14;
	v16 =	vand.u32 $0xFFFFFFC0, v31  }
0x1df: {  	v37 =	vsel vm13, v18, v35;
	v18 =	vsel vm13, v35, v18;
	v43 =	vsel vm9, v12, v41  }
0x1e0: {  	v12 =	vsel vm9, v41, v12;
	vm13 =	vlt.s32 v11, v47;
	v16 =	vor.u32 $0x5, v16  }
0x1e1: {  	v34 =	vld.idx.msk [tilespmem:v28+s1+$0x0], $0xffff;
	vm15 =	vgt.s32 v15, v37;
	vm10 =	vlt.s32 v18, v43;
	v49 =	vsel vm13, v11, v47  }
0x1e2: {  	v20 =	vld.idx.msk [tilespmem:v33+s1+$0x0], $0xffff;
	v11 =	vsel vm13, v47, v11;
	v15 =	vsel vm15, v15, v37;
	v45 =	vsel vm10, v18, v43  }
0x1e3: {  	v17 =	vsel vm10, v43, v18;
	v18 =	vor.u32 $0x7, v48;
	vm14 =	vlt.s32 v12, v49  }
0x1e4: {  	vm12 =	vgt.s32 v15, v45;
	vm2 =	vlt.s32 v9, v18;
	v51 =	vsel vm14, v12, v49  }
0x1e5: {  	v46 =	vld.idx.msk [tilespmem:v38+s1+$0x0], $0xffff;
	v12 =	vsel vm14, v49, v12;
	v15 =	vsel vm12, v15, v45;
	v52 =	vsel vm2, v9, v18  }
0x1e6: {  	vm15 =	vlt.s32 v17, v51;
	v9 =	vsel vm2, v18, v9;
	v39 =	vand.u32 $0xFFFFFFC0, v34  }
0x1e7: {  	v37 =	vld.idx.msk [tilespmem:v26+s1+$0x0], $0xffff;
	v45 =	vand.u32 $0xFFFFFFC0, v20;
	vm3 =	vlt.s32 v10, v52;
	v53 =	vsel vm15, v17, v51  }
0x1e8: {  	v17 =	vsel vm15, v51, v17;
	vm2 =	vlt.s32 v9, v56;
	v41 =	vor.u32 $0x4, v39  }
0x1e9: {  	v54 =	vsel vm3, v10, v52;
	vm5 =	vgt.s32 v15, v53;
	v10 =	vsel vm3, v52, v10  }
0x1ea: {  	v58 =	vsel vm2, v9, v56;
	v9 =	vsel vm2, v56, v9;
	v20 =	vand.u32 $0xFFFFFFC0, v46  }
0x1eb: {  	vm6 =	vlt.s32 v13, v54;
	v15 =	vsel vm5, v15, v53;
	vm9 =	vlt.s32 v10, v58  }
0x1ec: {  	v18 =	vand.u32 $0xFFFFFFC0, v37;
	v55 =	vsel vm6, v13, v54;
	v13 =	vsel vm6, v54, v13  }
0x1ed: {  	v60 =	vsel vm9, v10, v58;
	v10 =	vsel vm9, v58, v10;
	vm7 =	vlt.s32 v14, v55  }
0x1ee: {  	v18 =	vor.u32 $0x3, v18;
	vm11 =	vlt.s32 v13, v60;
	v57 =	vsel vm7, v14, v55  }
0x1ef: {  	v14 =	vsel vm7, v55, v14;
	v63 =	vsel vm11, v13, v60;
	vm8 =	vlt.s32 v11, v57  }
0x1f0: {  	v13 =	vsel vm11, v60, v13;
	vm13 =	vlt.s32 v14, v63;
	v59 =	vsel vm8, v11, v57  }
0x1f1: {  	v11 =	vsel vm8, v57, v11;
	v30 =	vsel vm13, v14, v63;
	v14 =	vsel vm13, v63, v14  }
0x1f2: {  	vm8 =	vlt.s32 v9, v16;
	vm10 =	vlt.s32 v12, v59;
	vm15 =	vlt.s32 v11, v30  }
0x1f3: {  	v40 =	vsel vm8, v16, v9;
	v9 =	vsel vm8, v9, v16;
	v62 =	vsel vm10, v12, v59  }
0x1f4: {  	v12 =	vsel vm10, v59, v12;
	v32 =	vsel vm15, v11, v30;
	v11 =	vsel vm15, v30, v11  }
0x1f5: {  	vm9 =	vlt.s32 v40, v41;
	vm12 =	vlt.s32 v17, v62;
	vm6 =	vlt.s32 v12, v32  }
0x1f6: {  	v42 =	vld.idx.msk [tilespmem:v36+s1+$0x0], $0xffff;
	v44 =	vsel vm9, v41, v40;
	v16 =	vsel vm9, v40, v41;
	v29 =	vsel vm12, v17, v62  }
0x1f7: {  	v17 =	vsel vm12, v62, v17;
	v35 =	vsel vm6, v12, v32;
	v12 =	vsel vm6, v32, v12  }
0x1f8: {  	vm10 =	vlt.s32 v44, v18;
	vm14 =	vgt.s32 v15, v29;
	vm7 =	vlt.s32 v17, v35  }
0x1f9: {  	v15 =	vsel vm14, v15, v29;
	v23 =	vsel vm7, v35, v17;
	v17 =	vsel vm7, v17, v35  }
0x1fa: {  	v47 =	vsel vm10, v18, v44;
	v18 =	vsel vm10, v44, v18;
	vm0 =	vgt.s32 v15, v17  }
0x1fb: {  	v15 =	vsel vm0, v15, v17;
	vm0 =	vlt.s32 v10, v9;
	v17 =	vand.u32 $0xFFFFFFC0, v42  }
0x1fc: {  	v43 =	vsel vm0, v9, v10;
	v9 =	vsel vm0, v10, v9;
	v10 =	vor.u32 $0x2, v45  }
0x1fd: {  	v17 =	vor.u32 $0x1, v17;
	vm11 =	vlt.s32 v13, v9;
	vm12 =	vlt.s32 v47, v10  }
0x1fe: {  	vm14 =	vlt.s32 v43, v16;
	v48 =	vsel vm11, v9, v13;
	v49 =	vsel vm12, v10, v47  }
0x1ff: {  	v9 =	vsel vm11, v13, v9;
	v51 =	vsel vm14, v16, v43;
	vm13 =	vlt.s32 v49, v17  }
0x200: {  	v10 =	vsel vm12, v47, v10;
	v16 =	vsel vm14, v43, v16;
	v50 =	vsel vm13, v17, v49  }
0x201: {  	vm2 =	vlt.s32 v14, v9;
	vm8 =	vlt.s32 v51, v18;
	vm15 =	vlt.s32 v50, v20  }
0x202: {  	vm12 =	vlt.s32 v48, v16;
	v53 =	vsel vm2, v9, v14;
	v52 =	vsel vm15, v20, v50  }
0x203: {  	v27 =	vsel vm8, v18, v51;
	v9 =	vsel vm2, v14, v9;
	v21 =	vandn.u32 $0x3F, v52  }
0x204: {  	v13 =	vsel vm13, v49, v17;
	vm9 =	vlt.s32 v27, v10;
	v54 =	vor.u32 v1, v21  }
0x205: {  	v18 =	vsel vm8, v51, v18;
	v58 =	vsel vm12, v16, v48;
	v55 =	vsel vm9, v10, v27  }
0x206: {  	v16 =	vsel vm12, v48, v16;
	vm10 =	vlt.s32 v11, v9;
	vm11 =	vlt.s32 v55, v13  }
0x207: {  	vm14 =	vlt.s32 v58, v18;
	v19 =	vsel vm15, v50, v20;
	v57 =	vsel vm11, v13, v55  }
0x208: {  	v56 =	vsel vm10, v9, v11;
	v9 =	vsel vm10, v11, v9;
	vm13 =	vlt.s32 v57, v19  }
0x209: {  	v10 =	vsel vm9, v27, v10;
	v60 =	vsel vm14, v18, v58;
	v59 =	vsel vm13, v19, v57;
	v14 =	vld.idx.msk [tilespmem:v54+s1+$0x0], $0xffff  }
0x20a: {  	vm9 =	vlt.s32 v53, v16;
	v18 =	vsel vm14, v58, v18;
	v11 =	vandn.u32 $0x3F, v59  }
0x20b: {  	vm15 =	vlt.s32 v60, v10;
	vm8 =	vlt.s32 v12, v9;
	v61 =	vor.u32 v1, v11  }
0x20c: {  	v63 =	vsel vm9, v16, v53;
	v13 =	vsel vm11, v55, v13;
	v62 =	vsel vm15, v10, v60  }
0x20d: {  	v16 =	vsel vm9, v53, v16;
	vm12 =	vlt.s32 v63, v18;
	vm10 =	vlt.s32 v62, v13  }
0x20e: {  	v19 =	vsel vm13, v57, v19;
	v30 =	vsel vm10, v13, v62;
	[tilespmem:v1+s9+$0x0] =	vst.idx.msk $0xffff, v14  }
0x20f: {  	v10 =	vsel vm15, v60, v10;
	vm11 =	vlt.s32 v30, v19;
	[tilespmem:v1+s10+$0x0] =	vst.idx.msk $0xffff, v21  }
0x210: {  	v32 =	vsel vm8, v9, v12;
	v9 =	vsel vm8, v12, v9;
	v31 =	vsel vm11, v19, v30;
	v25 =	vld.idx.msk [tilespmem:v61+s1+$0x0], $0xffff  }
0x211: {  	vm14 =	vlt.s32 v56, v16;
	v33 =	vsel vm12, v18, v63;
	v21 =	vandn.u32 $0x3F, v31  }
0x212: {  	vm2 =	vlt.s32 v23, v9;
	vm0 =	vlt.s32 v33, v10;
	v34 =	vor.u32 v1, v21  }
0x213: {  	v38 =	vsel vm14, v16, v56;
	v13 =	vsel vm10, v62, v13;
	v35 =	vsel vm0, v10, v33  }
0x214: {  	v39 =	vsel vm12, v63, v18;
	v16 =	vsel vm14, v56, v16;
	vm13 =	vlt.s32 v35, v13  }
0x215: {  	v37 =	vsel vm13, v13, v35;
	v14 =	vsel vm11, v30, v19;
	[tilespmem:v8+s9+$0x0] =	vst.idx.msk $0xffff, v25  }
0x216: {  	vm5 =	vlt.s32 v38, v39;
	vm15 =	vlt.s32 v37, v14;
	[tilespmem:v8+s10+$0x0] =	vst.idx.msk $0xffff, v11  }
0x217: {  	v10 =	vsel vm0, v33, v10;
	v20 =	vsel vm5, v39, v38;
	v40 =	vsel vm15, v14, v37;
	v12 =	vld.idx.msk [tilespmem:v34+s1+$0x0], $0xffff  }
0x218: {  	v36 =	vsel vm2, v23, v9;
	vm9 =	vlt.s32 v20, v10;
	v18 =	vandn.u32 $0x3F, v40  }
0x219: {  	v13 =	vsel vm13, v35, v13;
	v42 =	vsel vm9, v10, v20;
	v41 =	vor.u32 v1, v18  }
0x21a: {  	v9 =	vsel vm2, v9, v23;
	vm8 =	vgt.s32 v15, v36;
	vm10 =	vlt.s32 v42, v13  }
0x21b: {  	v15 =	vsel vm8, v15, v36;
	v43 =	vsel vm10, v13, v42;
	vm11 =	vlt.s32 v32, v16  }
0x21c: {  	v44 =	vsel vm11, v16, v32;
	v14 =	vsel vm15, v37, v14;
	[tilespmem:v7+s9+$0x0] =	vst.idx.msk $0xffff, v12  }
0x21d: {  	vm12 =	vlt.s32 v43, v14;
	v8 =	vsel vm5, v38, v39;
	[tilespmem:v7+s10+$0x0] =	vst.idx.msk $0xffff, v21  }
0x21e: {  	v10 =	vsel vm9, v20, v10;
	v46 =	vsel vm12, v14, v43;
	vm13 =	vlt.s32 v44, v8;
	v45 =	vld.idx.msk [tilespmem:v41+s1+$0x0], $0xffff  }
0x21f: {  	v16 =	vsel vm11, v32, v16;
	v19 =	vandn.u32 $0x3F, v46;
	v47 =	vsel vm13, v8, v44  }
0x220: {  	vm14 =	vlt.s32 v9, v16;
	v48 =	vor.u32 v1, v19;
	vm15 =	vlt.s32 v47, v10  }
0x221: {  	v13 =	vsel vm10, v42, v13;
	v49 =	vsel vm14, v16, v9;
	v50 =	vsel vm15, v10, v47  }
0x222: {  	v9 =	vsel vm14, v9, v16;
	v51 =	vsel vm12, v43, v14;
	vm7 =	vlt.s32 v50, v13  }
0x223: {  	vm8 =	vgt.s32 v15, v9;
	v52 =	vsel vm7, v13, v50;
	[tilespmem:v5+s9+$0x0] =	vst.idx.msk $0xffff, v45  }
0x224: {  	v7 =	vsel vm13, v44, v8;
	vm9 =	vlt.s32 v52, v51;
	[tilespmem:v5+s10+$0x0] =	vst.idx.msk $0xffff, v18  }
0x225: {  	v53 =	vsel vm8, v15, v9;
	vm10 =	vlt.s32 v49, v7;
	v54 =	vsel vm9, v51, v52;
	v55 =	vld.idx.msk [tilespmem:v48+s1+$0x0], $0xffff  }
0x226: {  	v10 =	vsel vm15, v47, v10;
	v56 =	vsel vm10, v7, v49;
	v9 =	vandn.u32 $0x3F, v54  }
0x227: {  	v7 =	vsel vm10, v49, v7;
	vm11 =	vlt.s32 v56, v10;
	v57 =	vor.u32 v1, v9  }
0x228: {  	v13 =	vsel vm7, v50, v13;
	vm12 =	vgt.s32 v53, v7;
	v58 =	vsel vm11, v10, v56  }
0x229: {  	v7 =	vsel vm12, v53, v7;
	vm13 =	vlt.s32 v58, v13  }
0x22a: {  	v59 =	vsel vm13, v13, v58;
	v5 =	vsel vm9, v52, v51;
	[tilespmem:v3+s9+$0x0] =	vst.idx.msk $0xffff, v55  }
0x22b: {  	v10 =	vsel vm11, v56, v10;
	vm14 =	vlt.s32 v59, v5;
	[tilespmem:v3+s10+$0x0] =	vst.idx.msk $0xffff, v19  }
0x22c: {  	vm15 =	vgt.s32 v7, v10;
	v3 =	vsel vm14, v5, v59;
	v60 =	vld.idx.msk [tilespmem:v57+s1+$0x0], $0xffff  }
0x22d: {  	v7 =	vsel vm15, v7, v10;
	v61 =	vsel vm13, v58, v13;
	v3 =	vandn.u32 $0x3F, v3  }
0x22e: {  	vm0 =	vgt.s32 v7, v61;
	v62 =	vor.u32 v1, v3  }
0x22f: {  	v7 =	vsel vm0, v7, v61;
	v5 =	vsel vm14, v59, v5  }
0x230: {  	vm0 =	vgt.s32 v7, v5  }
0x231: {  	v5 =	vsel vm0, v7, v5;
	[tilespmem:v2+s9+$0x0] =	vst.idx.msk $0xffff, v60  }
0x232: {  	vm0 =	vgt.s32 v5, $0x0;
	[tilespmem:v2+s10+$0x0] =	vst.idx.msk $0xffff, v9  }
0x233: {  	v2 =	vnsel vm0, $0x0, v5;
	v63 =	vld.idx.msk [tilespmem:v62+s1+$0x0], $0xffff  }
0x234: {  	v2 =	vandn.u32 $0x3F, v2  }
0x235: {  	v1 =	vor.u32 v1, v2;
	_ =	sdelay $0x2  }
0x236: {  	[tilespmem:v4+s9+$0x0] =	vst.idx.msk $0xffff, v63  }
0x237: {  	[tilespmem:v4+s10+$0x0] =	vst.idx.msk $0xffff, v3  }
0x238: {  	v1 =	vld.idx.msk [tilespmem:v1+s1+$0x0], $0xffff  }
0x239: {  	p0 =	sne.s32 s14, $0x70  }
.Ltmp0:
0x23a: {  	_ = 	snop;
	(pc) =	sbr.rel @p0 .LBB2_3-.Ltmp0, $3  }
0x23b: {  	_ =	sdelay $0x1  }
0x23c: {  	[tilespmem:v6+s9+$0x0] =	vst.idx.msk $0xffff, v1  }
0x23d: {  	s14 =	sadd.s32 $0x10, s14;
	[tilespmem:v6+s10+$0x0] =	vst.idx.msk $0xffff, v2  }
0x23e: {  	s14 =	sadd.s32 s4, s13  }
0x23f: {  	[hbm4b:s14+s1] =	stream.linear.scatter [tilespmem:s9], [sflag:$0x1], $0x4000, $0x38;
	[tilespmem:$0xC000] =	vst v63  }
0x240: {  	s12 =	sadd.s32 $0x1, s12;
	_ =	swait.ge [sflag:s8], $0x4000  }
0x241: {  	p0 =	sne.s32 s12, $0x8;
	[sflag:s8] =	ssyncset.done $0x0  }
.Ltmp1:
0x242: {  	s31 =	sadd.s32 s5, s13;
	[sflag:s8] =	ssyncadd.s32 $0xFFFFC000;
	(pc) =	sbr.rel @p0 .LBB2_2-.Ltmp1, $4  }
0x243: {  	[hbm4b:s31+s1] =	stream.linear.scatter [tilespmem:s10], [sflag:$0x1], $0x4000, $0x38;
	[tilespmem:$0xC000] =	vst v63  }
0x244: {  	_ =	swait.ge [sflag:s8], $0x4000  }
0x245: {  	[sflag:s8] =	ssyncset.done $0x0  }
0x246: {  	[sflag:s8] =	ssyncadd.s32 $0xFFFFC000  }
0x247: {  	s11 =	sadd.s32 $0x1, s11  }
0x248: {  	p0 =	sne.s32 s11, s7  }
.Ltmp2:
0x249: {  	_ = 	snop;
	(pc) =	sbr.rel @p0 .LBB2_1-.Ltmp2, $1  }
0x24a: {  	_ =	sdelay $0x3  }
0x24b: {  	_ =	sfence.sel $0x180000  }
0x24c: {  	[bflag:$0x0] =	sbarrier.arrive $0xFFFF  }
0x24d: {  	p0 =	sne.s32 s2, $0x0;
	_ =	strace $0x90000047  }
0x24e: {  	s0 =	sadd.s32 @!p0 $0x100000, s0;
	[bflag:$0x2] =	sbarrier.arrive $0xFFFF  }
0x24f: {  	[sflag:s0] =	ssyncadd.tile.s32 @!p0 $0x1;
	_ =	shalt  }
.Lfunc_end2:
_tile_overlayer_lowered:
.L_overlay_start_2:
0x250: {  	(tag) =	ssettag $0x2  }
0x251: {  	s0 =	rddreg [dreg:$0x0];
	s2 =	stileid.u32  }
0x252: {  	s1 =	rddreg [dreg:$0x1];
	p0 =	sne.s32 s2, $0x0  }
0x253: {  	s3 =	rddreg [dreg:$0x2];
	[bflag:$0x3] =	sbarrier.arrive $0xFFFF;
	s2 =	simm.s32 @!p0 $0x1C01  }
0x254: {  	[timem:s3], [sflag:s2] =	dma.local @!p0 [hbm:s0], s1  }
0x255: {  	s0 =	simm.s32 @!p0 $0x1  }
0x256: {  	_ =	swait.ge @!p0 [sflag:s0], s1  }
0x257: {  	s1 =	ssub.s32 @!p0 $0x0, s1;
	[sflag:s0] =	ssyncset.done @!p0 $0x0  }
0x258: {  	[sflag:s0] =	ssyncadd.s32 @!p0 s1  }
0x259: {  	[bflag:$0x3] =	sbarrier.arrive $0xFFFF  }
0x25a: {  	_ =	shalt  }

</sc_bundles>
